<compile_context>
chip_gen: v7x
topology: tpu7x:2x2x1
jax: 0.10.2.dev20260603
libtpu: 0.0.44.dev20260713+nightly
codegen_flags: <defaults>
</compile_context>

<pallas_src>
import functools

import jax
import jax.numpy as jnp
from jax import lax
from jax.experimental import pallas as pl
from jax.experimental.pallas import tpu as pltpu
from jax.experimental.pallas import tpu_sc as plsc

N = 10000
E = 320000
IN_CH = 128
HID = 256
H1 = 128
H2 = 64
EPS = 1e-5

NPAD = 10240
CHUNK = 128
CNTW = 16
AUGW = IN_CH + CNTW
ROWS_PER_TILE = NPAD // 16

E_PER_TILE_1 = E // 32
NCH1 = 80
E_PAD_1 = NCH1 * CHUNK

E_PER_TILE_2 = E // 16
NCH2 = 160
E_PAD_2 = NCH2 * CHUNK

G = 8

@functools.lru_cache(maxsize=None)
def _mesh():
    return plsc.VectorSubcoreMesh(core_axis_name="c", subcore_axis_name="s")


def _fill_iota(idx_v, off):
    for k in range(CHUNK // 16):
        idx_v[pl.ds(k * 16, 16)] = lax.iota(jnp.int32, 16) + (off + k * 16)


def _agg1_body(x_hbm, src_hbm, dst_hbm, z128_hbm,
               agg_out,
               src_v, dst_v, dst_v2, rows_v, rows_v2, agg_sh, sem, sem2):
    c = lax.axis_index("c")
    s = lax.axis_index("s")
    w = c * 16 + s
    base = s * ROWS_PER_TILE

    pltpu.sync_copy(z128_hbm, rows_v)

    def zero_loop(i, carry):
        _fill_iota(dst_v, base + i * CHUNK)
        pltpu.sync_copy(rows_v, agg_sh.at[dst_v])
        return carry
    lax.fori_loop(0, ROWS_PER_TILE // CHUNK, zero_loop, 0)

    plsc.subcore_barrier()

    def edge_loop(p, carry):
        j0 = 2 * p
        pltpu.sync_copy(src_hbm.at[w, j0], src_v)
        pltpu.sync_copy(dst_hbm.at[w, j0], dst_v)
        pltpu.async_copy(x_hbm.at[src_v], rows_v, sem).wait()
        d0 = pltpu.async_copy(rows_v, agg_sh.at[dst_v], sem2, add=True)
        pltpu.sync_copy(src_hbm.at[w, j0 + 1], src_v)
        pltpu.sync_copy(dst_hbm.at[w, j0 + 1], dst_v2)
        pltpu.async_copy(x_hbm.at[src_v], rows_v2, sem).wait()
        d0.wait()
        pltpu.sync_copy(rows_v2, agg_sh.at[dst_v2], add=True)
        return carry
    lax.fori_loop(0, NCH1 // 2, edge_loop, 0)
    plsc.subcore_barrier()

    def flush_loop(i, carry):
        off = base + i * CHUNK
        _fill_iota(dst_v, off)
        pltpu.async_copy(agg_sh.at[dst_v], rows_v, sem).wait()
        pltpu.sync_copy(rows_v, agg_out.at[c, pl.ds(off, CHUNK)])
        return carry
    lax.fori_loop(0, ROWS_PER_TILE // CHUNK, flush_loop, 0)


@functools.lru_cache(maxsize=None)
def _agg1():
    return pl.kernel(
        _agg1_body,
        out_type=jax.ShapeDtypeStruct((2, NPAD, IN_CH), jnp.float32),
        mesh=_mesh(),
        scratch_types=[
            pltpu.VMEM((CHUNK,), jnp.int32),
            pltpu.VMEM((CHUNK,), jnp.int32),
            pltpu.VMEM((CHUNK,), jnp.int32),
            pltpu.VMEM((CHUNK, IN_CH), jnp.float32),
            pltpu.VMEM((CHUNK, IN_CH), jnp.float32),
            pltpu.VMEM_SHARED((NPAD, IN_CH), jnp.float32),
            pltpu.SemaphoreType.DMA,
            pltpu.SemaphoreType.DMA,
        ],
    )


def _cnt_body(dst_hbm, z128_hbm, o128_hbm,
              cnt_out,
              dst_v, rows_v, ones_v, cnt_sh, sem):
    c = lax.axis_index("c")
    s = lax.axis_index("s")
    w = c * 16 + s
    base = s * ROWS_PER_TILE

    pltpu.sync_copy(z128_hbm, rows_v)
    pltpu.sync_copy(o128_hbm, ones_v)

    def zero_loop(i, carry):
        _fill_iota(dst_v, base + i * CHUNK)
        pltpu.sync_copy(rows_v, cnt_sh.at[dst_v])
        return carry
    lax.fori_loop(0, ROWS_PER_TILE // CHUNK, zero_loop, 0)

    plsc.subcore_barrier()

    def edge_loop(j, carry):
        pltpu.sync_copy(dst_hbm.at[w, j], dst_v)
        pltpu.sync_copy(ones_v, cnt_sh.at[dst_v], add=True)
        return carry
    lax.fori_loop(0, NCH1, edge_loop, 0)
    plsc.subcore_barrier()

    def flush_loop(i, carry):
        off = base + i * CHUNK
        _fill_iota(dst_v, off)
        pltpu.async_copy(cnt_sh.at[dst_v], rows_v, sem).wait()
        pltpu.sync_copy(rows_v, cnt_out.at[c, pl.ds(off, CHUNK)])
        return carry
    lax.fori_loop(0, ROWS_PER_TILE // CHUNK, flush_loop, 0)


@functools.lru_cache(maxsize=None)
def _cnt():
    return pl.kernel(
        _cnt_body,
        out_type=jax.ShapeDtypeStruct((2, NPAD, IN_CH), jnp.float32),
        mesh=_mesh(),
        scratch_types=[
            pltpu.VMEM((CHUNK,), jnp.int32),
            pltpu.VMEM((CHUNK, IN_CH), jnp.float32),
            pltpu.VMEM((CHUNK, IN_CH), jnp.float32),
            pltpu.VMEM_SHARED((NPAD, IN_CH), jnp.float32),
            pltpu.SemaphoreType.DMA,
        ],
    )


def _agg2_body(h1a_hbm, h1b_hbm, src_hbm, dst_hbm, z128_hbm,
               agg_out,
               src_v, dst_v, dst_v2, rows_v, rows_v2, agg_sh, sem, sem2):
    c = lax.axis_index("c")
    s = lax.axis_index("s")
    base = s * ROWS_PER_TILE

    pltpu.sync_copy(z128_hbm, rows_v)

    def zero_loop(i, carry):
        _fill_iota(dst_v, base + i * CHUNK)
        pltpu.sync_copy(rows_v, agg_sh.at[dst_v])
        return carry
    lax.fori_loop(0, ROWS_PER_TILE // CHUNK, zero_loop, 0)

    plsc.subcore_barrier()

    def edge_loop(p, carry):
        j0 = 2 * p
        pltpu.sync_copy(src_hbm.at[s, j0], src_v)
        pltpu.sync_copy(dst_hbm.at[s, j0], dst_v)

        @pl.when(c == 0)
        def _():
            pltpu.async_copy(h1a_hbm.at[src_v], rows_v, sem).wait()

        @pl.when(c == 1)
        def _():
            pltpu.async_copy(h1b_hbm.at[src_v], rows_v, sem).wait()

        d0 = pltpu.async_copy(rows_v, agg_sh.at[dst_v], sem2, add=True)
        pltpu.sync_copy(src_hbm.at[s, j0 + 1], src_v)
        pltpu.sync_copy(dst_hbm.at[s, j0 + 1], dst_v2)

        @pl.when(c == 0)
        def _():
            pltpu.async_copy(h1a_hbm.at[src_v], rows_v2, sem).wait()

        @pl.when(c == 1)
        def _():
            pltpu.async_copy(h1b_hbm.at[src_v], rows_v2, sem).wait()

        d0.wait()
        pltpu.sync_copy(rows_v2, agg_sh.at[dst_v2], add=True)
        return carry
    lax.fori_loop(0, NCH2 // 2, edge_loop, 0)
    plsc.subcore_barrier()

    def flush_loop(i, carry):
        off = base + i * CHUNK
        _fill_iota(dst_v, off)
        pltpu.async_copy(agg_sh.at[dst_v], rows_v, sem).wait()
        pltpu.sync_copy(rows_v, agg_out.at[c, pl.ds(off, CHUNK)])
        return carry
    lax.fori_loop(0, ROWS_PER_TILE // CHUNK, flush_loop, 0)


@functools.lru_cache(maxsize=None)
def _agg2():
    return pl.kernel(
        _agg2_body,
        out_type=jax.ShapeDtypeStruct((2, NPAD, IN_CH), jnp.float32),
        mesh=_mesh(),
        scratch_types=[
            pltpu.VMEM((CHUNK,), jnp.int32),
            pltpu.VMEM((CHUNK,), jnp.int32),
            pltpu.VMEM((CHUNK,), jnp.int32),
            pltpu.VMEM((CHUNK, IN_CH), jnp.float32),
            pltpu.VMEM((CHUNK, IN_CH), jnp.float32),
            pltpu.VMEM_SHARED((NPAD, IN_CH), jnp.float32),
            pltpu.SemaphoreType.DMA,
            pltpu.SemaphoreType.DMA,
        ],
    )


BLK = 1024


def _mlp1_body(aggp, cntp, x, wl1aT, wl1bT, wr1aT, wr1bT, bl1a, bl1b,
               h1a, h1b, rec8):
    cnt = cntp[0, :, 0:1] + cntp[1, :, 0:1]
    rec = 1.0 / jnp.maximum(cnt, 1.0)
    agg = (aggp[0] + aggp[1]) * rec
    xv = x[...]
    rec8[...] = jnp.broadcast_to(rec, (rec.shape[0], 8))
    h1a[...] = jnp.maximum(
        jnp.dot(agg, wl1aT[...], preferred_element_type=jnp.float32)
        + jnp.dot(xv, wr1aT[...], preferred_element_type=jnp.float32)
        + bl1a[...], 0.0)
    h1b[...] = jnp.maximum(
        jnp.dot(agg, wl1bT[...], preferred_element_type=jnp.float32)
        + jnp.dot(xv, wr1bT[...], preferred_element_type=jnp.float32)
        + bl1b[...], 0.0)


def _mlp1(aggp, cntp, xp, wl1aT, wl1bT, wr1aT, wr1bT, bl1a, bl1b):
    grid = NPAD // BLK
    return pl.pallas_call(
        _mlp1_body,
        grid=(grid,),
        in_specs=[
            pl.BlockSpec((2, BLK, IN_CH), lambda i: (0, i, 0)),
            pl.BlockSpec((2, BLK, IN_CH), lambda i: (0, i, 0)),
            pl.BlockSpec((BLK, IN_CH), lambda i: (i, 0)),
            pl.BlockSpec((IN_CH, 128), lambda i: (0, 0)),
            pl.BlockSpec((IN_CH, 128), lambda i: (0, 0)),
            pl.BlockSpec((IN_CH, 128), lambda i: (0, 0)),
            pl.BlockSpec((IN_CH, 128), lambda i: (0, 0)),
            pl.BlockSpec((1, 128), lambda i: (0, 0)),
            pl.BlockSpec((1, 128), lambda i: (0, 0)),
        ],
        out_specs=[
            pl.BlockSpec((BLK, 128), lambda i: (i, 0)),
            pl.BlockSpec((BLK, 128), lambda i: (i, 0)),
            pl.BlockSpec((BLK, 8), lambda i: (i, 0)),
        ],
        out_shape=[
            jax.ShapeDtypeStruct((NPAD, 128), jnp.float32),
            jax.ShapeDtypeStruct((NPAD, 128), jnp.float32),
            jax.ShapeDtypeStruct((NPAD, 8), jnp.float32),
        ],
    )(aggp, cntp, xp, wl1aT, wl1bT, wr1aT, wr1bT, bl1a, bl1b)


def _mlp2_body(agg2p, rec8, h1a, h1b, wl2aT, wl2bT, wr2aT, wr2bT, bl2r,
               w1T, b1r, z1):
    rec = rec8[:, 0:1]
    aA = agg2p[0] * rec
    aB = agg2p[1] * rec
    h2 = jnp.maximum(
        jnp.dot(aA, wl2aT[...], preferred_element_type=jnp.float32)
        + jnp.dot(aB, wl2bT[...], preferred_element_type=jnp.float32)
        + jnp.dot(h1a[...], wr2aT[...], preferred_element_type=jnp.float32)
        + jnp.dot(h1b[...], wr2bT[...], preferred_element_type=jnp.float32)
        + bl2r[...], 0.0)
    z1[...] = jnp.dot(h2, w1T[...], preferred_element_type=jnp.float32) + b1r[...]


def _mlp2(agg2p, rec8, h1a, h1b, wl2aT, wl2bT, wr2aT, wr2bT, bl2r, w1T, b1r):
    grid = NPAD // BLK
    return pl.pallas_call(
        _mlp2_body,
        grid=(grid,),
        in_specs=[
            pl.BlockSpec((2, BLK, 128), lambda i: (0, i, 0)),
            pl.BlockSpec((BLK, 8), lambda i: (i, 0)),
            pl.BlockSpec((BLK, 128), lambda i: (i, 0)),
            pl.BlockSpec((BLK, 128), lambda i: (i, 0)),
            pl.BlockSpec((128, HID), lambda i: (0, 0)),
            pl.BlockSpec((128, HID), lambda i: (0, 0)),
            pl.BlockSpec((128, HID), lambda i: (0, 0)),
            pl.BlockSpec((128, HID), lambda i: (0, 0)),
            pl.BlockSpec((1, HID), lambda i: (0, 0)),
            pl.BlockSpec((HID, H1), lambda i: (0, 0)),
            pl.BlockSpec((1, H1), lambda i: (0, 0)),
        ],
        out_specs=pl.BlockSpec((BLK, H1), lambda i: (i, 0)),
        out_shape=jax.ShapeDtypeStruct((NPAD, H1), jnp.float32),
    )(agg2p, rec8, h1a, h1b, wl2aT, wl2bT, wr2aT, wr2bT, bl2r, w1T, b1r)


def _head_body(z1, g1r, be1r, w2T, b2r, g2r, be2r, w3T, b3r, out):
    z = z1[...]
    mask = (lax.broadcasted_iota(jnp.int32, (NPAD, 1), 0) < N).astype(jnp.float32)
    inv = 1.0 / N
    mu1 = jnp.sum(z * mask, axis=0, keepdims=True) * inv
    d1 = (z - mu1) * mask
    var1 = jnp.sum(d1 * d1, axis=0, keepdims=True) * inv
    a1 = jnp.maximum(g1r[...] * (z - mu1) * lax.rsqrt(var1 + EPS) + be1r[...], 0.0)
    z2 = jnp.dot(a1, w2T[...], preferred_element_type=jnp.float32) + b2r[...]
    mu2 = jnp.sum(z2 * mask, axis=0, keepdims=True) * inv
    d2 = (z2 - mu2) * mask
    var2 = jnp.sum(d2 * d2, axis=0, keepdims=True) * inv
    a2 = jnp.maximum(g2r[...] * (z2 - mu2) * lax.rsqrt(var2 + EPS) + be2r[...], 0.0)
    out[...] = jnp.dot(a2, w3T[...], preferred_element_type=jnp.float32) + b3r[...]


def _head(z1, g1r, be1r, w2T, b2r, g2r, be2r, w3T8, b3r8):
    return pl.pallas_call(
        _head_body,
        out_shape=jax.ShapeDtypeStruct((NPAD, 8), jnp.float32),
    )(z1, g1r, be1r, w2T, b2r, g2r, be2r, w3T8, b3r8)


def kernel(x, edge_index, Wl1, bl1, Wr1, Wl2, bl2, Wr2,
           W1, b1, g1, be1, W2, b2, g2, be2, W3, b3):
    f32 = jnp.float32
    xp = jnp.pad(x, ((0, NPAD - N), (0, 0)))

    ei = edge_index.astype(jnp.int32)
    src = ei[0].reshape(32, E_PER_TILE_1)
    dst = ei[1].reshape(32, E_PER_TILE_1)
    srcp = jnp.pad(src, ((0, 0), (0, E_PAD_1 - E_PER_TILE_1)))
    dstp = jnp.pad(dst, ((0, 0), (0, E_PAD_1 - E_PER_TILE_1)), constant_values=N)
    src1 = srcp.reshape(32, NCH1, CHUNK)
    dst1 = dstp.reshape(32, NCH1, CHUNK)
    src2 = srcp.reshape(16, NCH2, CHUNK)
    dst2 = dstp.reshape(16, NCH2, CHUNK)
    z128 = jnp.zeros((CHUNK, IN_CH), f32)
    o128 = jnp.ones((CHUNK, IN_CH), f32)

    cntp = _cnt()(dst1, z128, o128)
    aggp = _agg1()(xp, src1, dst1, z128)

    wl1T = Wl1.T
    wr1T = Wr1.T
    h1a, h1b, rec8 = _mlp1(aggp, cntp, xp,
                           wl1T[:, :128], wl1T[:, 128:],
                           wr1T[:, :128], wr1T[:, 128:],
                           bl1[:128].reshape(1, 128), bl1[128:].reshape(1, 128))

    agg2p = _agg2()(h1a, h1b, src2, dst2, z128)

    wl2T = Wl2.T
    wr2T = Wr2.T
    z1 = _mlp2(agg2p, rec8, h1a, h1b,
               wl2T[:128], wl2T[128:], wr2T[:128], wr2T[128:],
               bl2.reshape(1, HID), W1.T, b1.reshape(1, H1))

    w3T8 = jnp.broadcast_to(W3.T, (H2, 8))
    b3r8 = jnp.broadcast_to(b3.reshape(1, 1), (1, 8))
    out8 = _head(z1, g1.reshape(1, H1), be1.reshape(1, H1),
                 W2.T, b2.reshape(1, H2), g2.reshape(1, H2), be2.reshape(1, H2),
                 w3T8, b3r8)
    return out8[:N, 0]

# --- scband reference (transcript-rebuilt; emitter-appended) ---
"""Pipeline reference for scband-sage-one-hot-mlp2-42150809043598 (READ-ONLY COPY).

The authoritative reference and input builder live on the scoring server;
editing this copy changes nothing except your own understanding.
"""

import jax, jax.numpy as jnp
import numpy as np

N = 10000
E = 320000
IN_CH = 128
HID = 256
H1 = 128
H2 = 64
EPS = 1e-5


def setup_inputs(seed: int = 0) -> dict:
    key = jax.random.key(seed)
    ks = jax.random.split(key, 20)
    inp = {}
    inp['x'] = jax.random.normal(ks[0], (N, IN_CH), dtype=jnp.float32)
    inp['edge_index'] = jax.random.randint(ks[1], (2, E), 0, N, dtype=jnp.int64)
    # SAGEConv 1: lin_l (aggregated, with bias), lin_r (root, no bias)
    inp['Wl1'] = jax.random.normal(ks[2], (HID, IN_CH), dtype=jnp.float32) * 0.05
    inp['bl1'] = jnp.zeros((HID,), dtype=jnp.float32)
    inp['Wr1'] = jax.random.normal(ks[3], (HID, IN_CH), dtype=jnp.float32) * 0.05
    # SAGEConv 2
    inp['Wl2'] = jax.random.normal(ks[4], (HID, HID), dtype=jnp.float32) * 0.05
    inp['bl2'] = jnp.zeros((HID,), dtype=jnp.float32)
    inp['Wr2'] = jax.random.normal(ks[5], (HID, HID), dtype=jnp.float32) * 0.05
    # MLP head: Linear(HID,H1) + BN(H1) + ReLU + Linear(H1,H2) + BN(H2) + ReLU + Linear(H2,1)
    inp['W1'] = jax.random.normal(ks[6], (H1, HID), dtype=jnp.float32) * 0.05
    inp['b1'] = jnp.zeros((H1,), dtype=jnp.float32)
    inp['g1'] = jnp.ones((H1,), dtype=jnp.float32)
    inp['be1'] = jnp.zeros((H1,), dtype=jnp.float32)
    inp['W2'] = jax.random.normal(ks[7], (H2, H1), dtype=jnp.float32) * 0.05
    inp['b2'] = jnp.zeros((H2,), dtype=jnp.float32)
    inp['g2'] = jnp.ones((H2,), dtype=jnp.float32)
    inp['be2'] = jnp.zeros((H2,), dtype=jnp.float32)
    inp['W3'] = jax.random.normal(ks[8], (1, H2), dtype=jnp.float32) * 0.05
    inp['b3'] = jnp.zeros((1,), dtype=jnp.float32)
    return inp


def _sage_conv(x, edge_index, Wl, bl, Wr):
    src = edge_index[0]
    dst = edge_index[1]
    msg = jnp.take(x, src, axis=0)
    agg = jax.ops.segment_sum(msg, dst, num_segments=N)
    cnt = jax.ops.segment_sum(jnp.ones((msg.shape[0],), dtype=x.dtype), dst, num_segments=N)
    agg = agg / jnp.clip(cnt, 1.0, None)[:, None]
    return agg @ Wl.T + bl + x @ Wr.T


def _batchnorm(x, gamma, beta):
    mu = jnp.mean(x, axis=0)
    var = jnp.mean((x - mu) ** 2, axis=0)
    return gamma * (x - mu) / jnp.sqrt(var + EPS) + beta


def reference(x, edge_index, Wl1, bl1, Wr1, Wl2, bl2, Wr2, W1, b1, g1, be1, W2, b2, g2, be2, W3, b3):
    h = x.reshape(x.shape[0], -1)
    h = _sage_conv(h, edge_index, Wl1, bl1, Wr1)
    h = jax.nn.relu(h)
    h = _sage_conv(h, edge_index, Wl2, bl2, Wr2)
    h = jax.nn.relu(h)
    h = h @ W1.T + b1
    h = _batchnorm(h, g1, be1)
    h = jax.nn.relu(h)
    h = h @ W2.T + b2
    h = _batchnorm(h, g2, be2)
    h = jax.nn.relu(h)
    h = h @ W3.T + b3
    return jnp.squeeze(h, axis=-1)


if False:  # reference __main__ guard neutralized (emitter)
    out = reference(**setup_inputs())
    print(out.shape)

if __name__ == "__main__":
    import jax
    _d = setup_inputs()
    print(jax.jit(kernel)(*tuple(_d.values())))

</pallas_src>

<mosaic_0001>
#map = affine_map<(d0, d1) -> (0, 0)>
#map1 = affine_map<(d0, d1) -> (0, 0, 0)>
module attributes {stable_mosaic.version = 14 : i64} {
  func.func @_agg1_body(%arg0: i32, %arg1: i32, %arg2: memref<10240x128xf32, #tpu.memory_space<hbm>>, %arg3: memref<32x80x128xi32, #tpu.memory_space<hbm>>, %arg4: memref<32x80x128xi32, #tpu.memory_space<hbm>>, %arg5: memref<128x128xf32, #tpu.memory_space<hbm>>, %arg6: memref<2x10240x128xf32, #tpu.memory_space<hbm>>, %arg7: memref<128xi32, #tpu.memory_space<vmem>>, %arg8: memref<128xi32, #tpu.memory_space<vmem>>, %arg9: memref<128xi32, #tpu.memory_space<vmem>>, %arg10: memref<128x128xf32, #tpu.memory_space<vmem>>, %arg11: memref<128x128xf32, #tpu.memory_space<vmem>>, %arg12: memref<10240x128xf32, #tpu.memory_space<vmem_shared>>, %arg13: memref<!tpu.dma_semaphore, #tpu.memory_space<semaphore_mem>>, %arg14: memref<!tpu.dma_semaphore, #tpu.memory_space<semaphore_mem>>) attributes {dimension_semantics = [#tpu.dimension_semantics<core_parallel>, #tpu.dimension_semantics<subcore_parallel>], iteration_bounds = array<i64: 2, 16>, scalar_prefetch = 0 : i64, scratch_operands = 8 : i64, tpu.core_type = #tpu.core_type<sc_vector_subcore>, window_params = [{transform_indices = #map}, {transform_indices = #map1}, {transform_indices = #map1}, {transform_indices = #map}, {transform_indices = #map1}]} {
    %mul3A = arith.constant 16 : i32
    %mul3A_0 = arith.muli %arg0, %mul3A : i32
    %add3A = arith.addi %mul3A_0, %arg1 : i32
    %mul3A_1 = arith.constant 640 : i32
    %mul3A_2 = arith.muli %arg1, %mul3A_1 : i32
    "tpu.region"() ({
      %run_scoped3A = tpu.sem_alloc : memref<!tpu.dma_semaphore, #tpu.memory_space<semaphore_mem>>
      tpu.enqueue_dma source(%arg5 : memref<128x128xf32, #tpu.memory_space<hbm>>) target(%arg10 : memref<128x128xf32, #tpu.memory_space<vmem>>) target_semaphore(%run_scoped3A : memref<!tpu.dma_semaphore, #tpu.memory_space<semaphore_mem>>)
      tpu.wait_dma2 semaphore(%run_scoped3A : memref<!tpu.dma_semaphore, #tpu.memory_space<semaphore_mem>>) src(%arg5 : memref<128x128xf32, #tpu.memory_space<hbm>>) dst(%arg10 : memref<128x128xf32, #tpu.memory_space<vmem>>)
      tpu.yield
    }) : () -> ()
    %scan3A = arith.constant 0 : i32
    %scan3A_3 = arith.constant 0 : i32
    %scan3A_4 = arith.constant 5 : i32
    %scan3A_5 = arith.addi %scan3A_3, %scan3A_4 : i32
    %scan3A_6 = arith.constant 1 : i32
    scf.for %scan3A_21 = %scan3A_3 to %scan3A_5 step %scan3A_6  : i32 {
      %mul3A_22 = arith.constant 128 : i32
      %mul3A_23 = arith.muli %scan3A_21, %mul3A_22 : i32
      %add3A_24 = arith.addi %mul3A_2, %mul3A_23 : i32
      %iota3A = tpu.iota {dimensions = array<i32: 0>} : vector<16xi32>
      %add3A_25 = arith.constant 0 : i32
      %add3A_26 = arith.addi %add3A_24, %add3A_25 : i32
      %add3A_27 = vector.broadcast %add3A_26 : i32 to vector<16xi32>
      %add3A_28 = arith.addi %iota3A, %add3A_27 : vector<16xi32>
      %swap3A = arith.constant 0 : index
      %swap3A_29 = tpu.vector_load %arg8[%swap3A] {strides = array<i32>} : memref<128xi32, #tpu.memory_space<vmem>>, vector<16xi32>,
      %swap3A_30 = vector.shape_cast %swap3A_29 : vector<16xi32> to vector<16xi32>
      %swap3A_31 = vector.shape_cast %add3A_28 : vector<16xi32> to vector<16xi32>
      tpu.vector_store %arg8[%swap3A], %swap3A_31 {strides = array<i32>} : memref<128xi32, #tpu.memory_space<vmem>>, vector<16xi32>,
      %iota3A_32 = tpu.iota {dimensions = array<i32: 0>} : vector<16xi32>
      %add3A_33 = arith.constant 16 : i32
      %add3A_34 = arith.addi %add3A_24, %add3A_33 : i32
      %add3A_35 = vector.broadcast %add3A_34 : i32 to vector<16xi32>
      %add3A_36 = arith.addi %iota3A_32, %add3A_35 : vector<16xi32>
      %swap3A_37 = arith.constant 16 : index
      %swap3A_38 = tpu.vector_load %arg8[%swap3A_37] {strides = array<i32>} : memref<128xi32, #tpu.memory_space<vmem>>, vector<16xi32>,
      %swap3A_39 = vector.shape_cast %swap3A_38 : vector<16xi32> to vector<16xi32>
      %swap3A_40 = vector.shape_cast %add3A_36 : vector<16xi32> to vector<16xi32>
      tpu.vector_store %arg8[%swap3A_37], %swap3A_40 {strides = array<i32>} : memref<128xi32, #tpu.memory_space<vmem>>, vector<16xi32>,
      %iota3A_41 = tpu.iota {dimensions = array<i32: 0>} : vector<16xi32>
      %add3A_42 = arith.constant 32 : i32
      %add3A_43 = arith.addi %add3A_24, %add3A_42 : i32
      %add3A_44 = vector.broadcast %add3A_43 : i32 to vector<16xi32>
      %add3A_45 = arith.addi %iota3A_41, %add3A_44 : vector<16xi32>
      %swap3A_46 = arith.constant 32 : index
      %swap3A_47 = tpu.vector_load %arg8[%swap3A_46] {strides = array<i32>} : memref<128xi32, #tpu.memory_space<vmem>>, vector<16xi32>,
      %swap3A_48 = vector.shape_cast %swap3A_47 : vector<16xi32> to vector<16xi32>
      %swap3A_49 = vector.shape_cast %add3A_45 : vector<16xi32> to vector<16xi32>
      tpu.vector_store %arg8[%swap3A_46], %swap3A_49 {strides = array<i32>} : memref<128xi32, #tpu.memory_space<vmem>>, vector<16xi32>,
      %iota3A_50 = tpu.iota {dimensions = array<i32: 0>} : vector<16xi32>
      %add3A_51 = arith.constant 48 : i32
      %add3A_52 = arith.addi %add3A_24, %add3A_51 : i32
      %add3A_53 = vector.broadcast %add3A_52 : i32 to vector<16xi32>
      %add3A_54 = arith.addi %iota3A_50, %add3A_53 : vector<16xi32>
      %swap3A_55 = arith.constant 48 : index
      %swap3A_56 = tpu.vector_load %arg8[%swap3A_55] {strides = array<i32>} : memref<128xi32, #tpu.memory_space<vmem>>, vector<16xi32>,
      %swap3A_57 = vector.shape_cast %swap3A_56 : vector<16xi32> to vector<16xi32>
      %swap3A_58 = vector.shape_cast %add3A_54 : vector<16xi32> to vector<16xi32>
      tpu.vector_store %arg8[%swap3A_55], %swap3A_58 {strides = array<i32>} : memref<128xi32, #tpu.memory_space<vmem>>, vector<16xi32>,
      %iota3A_59 = tpu.iota {dimensions = array<i32: 0>} : vector<16xi32>
      %add3A_60 = arith.constant 64 : i32
      %add3A_61 = arith.addi %add3A_24, %add3A_60 : i32
      %add3A_62 = vector.broadcast %add3A_61 : i32 to vector<16xi32>
      %add3A_63 = arith.addi %iota3A_59, %add3A_62 : vector<16xi32>
      %swap3A_64 = arith.constant 64 : index
      %swap3A_65 = tpu.vector_load %arg8[%swap3A_64] {strides = array<i32>} : memref<128xi32, #tpu.memory_space<vmem>>, vector<16xi32>,
      %swap3A_66 = vector.shape_cast %swap3A_65 : vector<16xi32> to vector<16xi32>
      %swap3A_67 = vector.shape_cast %add3A_63 : vector<16xi32> to vector<16xi32>
      tpu.vector_store %arg8[%swap3A_64], %swap3A_67 {strides = array<i32>} : memref<128xi32, #tpu.memory_space<vmem>>, vector<16xi32>,
      %iota3A_68 = tpu.iota {dimensions = array<i32: 0>} : vector<16xi32>
      %add3A_69 = arith.constant 80 : i32
      %add3A_70 = arith.addi %add3A_24, %add3A_69 : i32
      %add3A_71 = vector.broadcast %add3A_70 : i32 to vector<16xi32>
      %add3A_72 = arith.addi %iota3A_68, %add3A_71 : vector<16xi32>
      %swap3A_73 = arith.constant 80 : index
      %swap3A_74 = tpu.vector_load %arg8[%swap3A_73] {strides = array<i32>} : memref<128xi32, #tpu.memory_space<vmem>>, vector<16xi32>,
      %swap3A_75 = vector.shape_cast %swap3A_74 : vector<16xi32> to vector<16xi32>
      %swap3A_76 = vector.shape_cast %add3A_72 : vector<16xi32> to vector<16xi32>
      tpu.vector_store %arg8[%swap3A_73], %swap3A_76 {strides = array<i32>} : memref<128xi32, #tpu.memory_space<vmem>>, vector<16xi32>,
      %iota3A_77 = tpu.iota {dimensions = array<i32: 0>} : vector<16xi32>
      %add3A_78 = arith.constant 96 : i32
      %add3A_79 = arith.addi %add3A_24, %add3A_78 : i32
      %add3A_80 = vector.broadcast %add3A_79 : i32 to vector<16xi32>
      %add3A_81 = arith.addi %iota3A_77, %add3A_80 : vector<16xi32>
      %swap3A_82 = arith.constant 96 : index
      %swap3A_83 = tpu.vector_load %arg8[%swap3A_82] {strides = array<i32>} : memref<128xi32, #tpu.memory_space<vmem>>, vector<16xi32>,
      %swap3A_84 = vector.shape_cast %swap3A_83 : vector<16xi32> to vector<16xi32>
      %swap3A_85 = vector.shape_cast %add3A_81 : vector<16xi32> to vector<16xi32>
      tpu.vector_store %arg8[%swap3A_82], %swap3A_85 {strides = array<i32>} : memref<128xi32, #tpu.memory_space<vmem>>, vector<16xi32>,
      %iota3A_86 = tpu.iota {dimensions = array<i32: 0>} : vector<16xi32>
      %add3A_87 = arith.constant 112 : i32
      %add3A_88 = arith.addi %add3A_24, %add3A_87 : i32
      %add3A_89 = vector.broadcast %add3A_88 : i32 to vector<16xi32>
      %add3A_90 = arith.addi %iota3A_86, %add3A_89 : vector<16xi32>
      %swap3A_91 = arith.constant 112 : index
      %swap3A_92 = tpu.vector_load %arg8[%swap3A_91] {strides = array<i32>} : memref<128xi32, #tpu.memory_space<vmem>>, vector<16xi32>,
      %swap3A_93 = vector.shape_cast %swap3A_92 : vector<16xi32> to vector<16xi32>
      %swap3A_94 = vector.shape_cast %add3A_90 : vector<16xi32> to vector<16xi32>
      tpu.vector_store %arg8[%swap3A_91], %swap3A_94 {strides = array<i32>} : memref<128xi32, #tpu.memory_space<vmem>>, vector<16xi32>,
      "tpu.region"() ({
        %run_scoped3A = tpu.sem_alloc : memref<!tpu.dma_semaphore, #tpu.memory_space<semaphore_mem>>
        %dma_start3A = arith.constant 0 : i32
        %dma_start3A_95 = arith.constant 0 : i32
        %dma_start3A_96 = tpu.memref_slice %arg12[%dma_start3A, %dma_start3A_95] : memref<10240x128xf32, #tpu.memory_space<vmem_shared>> -> memref<10240x128xf32, #tpu.memory_space<vmem_shared>>
        tpu.enqueue_indirect_dma source(%arg10 : memref<128x128xf32, #tpu.memory_space<vmem>>) target(%dma_start3A_96 : memref<10240x128xf32, #tpu.memory_space<vmem_shared>>) offsets(%arg8 : memref<128xi32, #tpu.memory_space<vmem>>) semaphore(%run_scoped3A : memref<!tpu.dma_semaphore, #tpu.memory_space<semaphore_mem>>)
        %dma_wait3A = arith.constant 0 : i32
        %dma_wait3A_97 = arith.constant 0 : i32
        %dma_wait3A_98 = tpu.memref_slice %arg12[%dma_wait3A, %dma_wait3A_97] : memref<10240x128xf32, #tpu.memory_space<vmem_shared>> -> memref<10240x128xf32, #tpu.memory_space<vmem_shared>>
        tpu.wait_indirect_dma semaphore(%run_scoped3A : memref<!tpu.dma_semaphore, #tpu.memory_space<semaphore_mem>>) src(%arg10 : memref<128x128xf32, #tpu.memory_space<vmem>>) dst(%dma_wait3A_98 : memref<10240x128xf32, #tpu.memory_space<vmem_shared>>)
        tpu.yield
      }) : () -> ()
    }
    %scan3A_7 = arith.constant 5 : i32
    %barrier3A = arith.constant 0 : index
    tpu.barrier barrier_id(%barrier3A)
    %scan3A_8 = arith.constant 0 : i32
    %scan3A_9 = arith.constant 0 : i32
    %scan3A_10 = arith.constant 40 : i32
    %scan3A_11 = arith.addi %scan3A_9, %scan3A_10 : i32
    %scan3A_12 = arith.constant 1 : i32
    scf.for %scan3A_21 = %scan3A_9 to %scan3A_11 step %scan3A_12  : i32 {
      %mul3A_22 = arith.constant 2 : i32
      %mul3A_23 = arith.muli %mul3A_22, %scan3A_21 : i32
      "tpu.region"() ({
        %run_scoped3A = tpu.sem_alloc : memref<!tpu.dma_semaphore, #tpu.memory_space<semaphore_mem>>
        %dma_start3A_44 = arith.constant 0 : i32
        %dma_start3A_45 = tpu.memref_slice %arg3[%add3A, %mul3A_23, %dma_start3A_44] : memref<32x80x128xi32, #tpu.memory_space<hbm>> -> memref<1x1x128xi32, #tpu.memory_space<hbm>>
        %dma_start3A_46 = tpu.memref_squeeze %dma_start3A_45 : memref<1x1x128xi32, #tpu.memory_space<hbm>> -> memref<128xi32, #tpu.memory_space<hbm>>
        %dma_start3A_47 = arith.constant 0 : i32
        %dma_start3A_48 = tpu.memref_slice %arg3[%add3A, %mul3A_23, %dma_start3A_47] : memref<32x80x128xi32, #tpu.memory_space<hbm>> -> memref<1x1x128xi32, #tpu.memory_space<hbm>>
        %dma_start3A_49 = tpu.memref_squeeze %dma_start3A_48 : memref<1x1x128xi32, #tpu.memory_space<hbm>> -> memref<128xi32, #tpu.memory_space<hbm>>
        tpu.enqueue_dma source(%dma_start3A_49 : memref<128xi32, #tpu.memory_space<hbm>>) target(%arg7 : memref<128xi32, #tpu.memory_space<vmem>>) target_semaphore(%run_scoped3A : memref<!tpu.dma_semaphore, #tpu.memory_space<semaphore_mem>>)
        %dma_wait3A_50 = arith.constant 0 : i32
        %dma_wait3A_51 = tpu.memref_slice %arg3[%add3A, %mul3A_23, %dma_wait3A_50] : memref<32x80x128xi32, #tpu.memory_space<hbm>> -> memref<1x1x128xi32, #tpu.memory_space<hbm>>
        %dma_wait3A_52 = tpu.memref_squeeze %dma_wait3A_51 : memref<1x1x128xi32, #tpu.memory_space<hbm>> -> memref<128xi32, #tpu.memory_space<hbm>>
        %dma_wait3A_53 = arith.constant 0 : i32
        %dma_wait3A_54 = tpu.memref_slice %arg3[%add3A, %mul3A_23, %dma_wait3A_53] : memref<32x80x128xi32, #tpu.memory_space<hbm>> -> memref<1x1x128xi32, #tpu.memory_space<hbm>>
        %dma_wait3A_55 = tpu.memref_squeeze %dma_wait3A_54 : memref<1x1x128xi32, #tpu.memory_space<hbm>> -> memref<128xi32, #tpu.memory_space<hbm>>
        tpu.wait_dma2 semaphore(%run_scoped3A : memref<!tpu.dma_semaphore, #tpu.memory_space<semaphore_mem>>) src(%dma_wait3A_55 : memref<128xi32, #tpu.memory_space<hbm>>) dst(%arg7 : memref<128xi32, #tpu.memory_space<vmem>>)
        tpu.yield
      }) : () -> ()
      "tpu.region"() ({
        %run_scoped3A = tpu.sem_alloc : memref<!tpu.dma_semaphore, #tpu.memory_space<semaphore_mem>>
        %dma_start3A_44 = arith.constant 0 : i32
        %dma_start3A_45 = tpu.memref_slice %arg4[%add3A, %mul3A_23, %dma_start3A_44] : memref<32x80x128xi32, #tpu.memory_space<hbm>> -> memref<1x1x128xi32, #tpu.memory_space<hbm>>
        %dma_start3A_46 = tpu.memref_squeeze %dma_start3A_45 : memref<1x1x128xi32, #tpu.memory_space<hbm>> -> memref<128xi32, #tpu.memory_space<hbm>>
        %dma_start3A_47 = arith.constant 0 : i32
        %dma_start3A_48 = tpu.memref_slice %arg4[%add3A, %mul3A_23, %dma_start3A_47] : memref<32x80x128xi32, #tpu.memory_space<hbm>> -> memref<1x1x128xi32, #tpu.memory_space<hbm>>
        %dma_start3A_49 = tpu.memref_squeeze %dma_start3A_48 : memref<1x1x128xi32, #tpu.memory_space<hbm>> -> memref<128xi32, #tpu.memory_space<hbm>>
        tpu.enqueue_dma source(%dma_start3A_49 : memref<128xi32, #tpu.memory_space<hbm>>) target(%arg8 : memref<128xi32, #tpu.memory_space<vmem>>) target_semaphore(%run_scoped3A : memref<!tpu.dma_semaphore, #tpu.memory_space<semaphore_mem>>)
        %dma_wait3A_50 = arith.constant 0 : i32
        %dma_wait3A_51 = tpu.memref_slice %arg4[%add3A, %mul3A_23, %dma_wait3A_50] : memref<32x80x128xi32, #tpu.memory_space<hbm>> -> memref<1x1x128xi32, #tpu.memory_space<hbm>>
        %dma_wait3A_52 = tpu.memref_squeeze %dma_wait3A_51 : memref<1x1x128xi32, #tpu.memory_space<hbm>> -> memref<128xi32, #tpu.memory_space<hbm>>
        %dma_wait3A_53 = arith.constant 0 : i32
        %dma_wait3A_54 = tpu.memref_slice %arg4[%add3A, %mul3A_23, %dma_wait3A_53] : memref<32x80x128xi32, #tpu.memory_space<hbm>> -> memref<1x1x128xi32, #tpu.memory_space<hbm>>
        %dma_wait3A_55 = tpu.memref_squeeze %dma_wait3A_54 : memref<1x1x128xi32, #tpu.memory_space<hbm>> -> memref<128xi32, #tpu.memory_space<hbm>>
        tpu.wait_dma2 semaphore(%run_scoped3A : memref<!tpu.dma_semaphore, #tpu.memory_space<semaphore_mem>>) src(%dma_wait3A_55 : memref<128xi32, #tpu.memory_space<hbm>>) dst(%arg8 : memref<128xi32, #tpu.memory_space<vmem>>)
        tpu.yield
      }) : () -> ()
      %dma_start3A = arith.constant 0 : i32
      %dma_start3A_24 = arith.constant 0 : i32
      %dma_start3A_25 = tpu.memref_slice %arg2[%dma_start3A, %dma_start3A_24] : memref<10240x128xf32, #tpu.memory_space<hbm>> -> memref<10240x128xf32, #tpu.memory_space<hbm>>
      tpu.enqueue_indirect_dma source(%dma_start3A_25 : memref<10240x128xf32, #tpu.memory_space<hbm>>) target(%arg10 : memref<128x128xf32, #tpu.memory_space<vmem>>) offsets(%arg7 : memref<128xi32, #tpu.memory_space<vmem>>) semaphore(%arg13 : memref<!tpu.dma_semaphore, #tpu.memory_space<semaphore_mem>>)
      %dma_wait3A = arith.constant 0 : i32
      %dma_wait3A_26 = arith.constant 0 : i32
      %dma_wait3A_27 = tpu.memref_slice %arg2[%dma_wait3A, %dma_wait3A_26] : memref<10240x128xf32, #tpu.memory_space<hbm>> -> memref<10240x128xf32, #tpu.memory_space<hbm>>
      tpu.wait_indirect_dma semaphore(%arg13 : memref<!tpu.dma_semaphore, #tpu.memory_space<semaphore_mem>>) src(%dma_wait3A_27 : memref<10240x128xf32, #tpu.memory_space<hbm>>) dst(%arg10 : memref<128x128xf32, #tpu.memory_space<vmem>>)
      %dma_start3A_28 = arith.constant 0 : i32
      %dma_start3A_29 = arith.constant 0 : i32
      %dma_start3A_30 = tpu.memref_slice %arg12[%dma_start3A_28, %dma_start3A_29] : memref<10240x128xf32, #tpu.memory_space<vmem_shared>> -> memref<10240x128xf32, #tpu.memory_space<vmem_shared>>
      tpu.enqueue_indirect_dma source(%arg10 : memref<128x128xf32, #tpu.memory_space<vmem>>) target(%dma_start3A_30 : memref<10240x128xf32, #tpu.memory_space<vmem_shared>>) offsets(%arg8 : memref<128xi32, #tpu.memory_space<vmem>>) semaphore(%arg14 : memref<!tpu.dma_semaphore, #tpu.memory_space<semaphore_mem>>) {add = true}
      %add3A_31 = arith.constant 1 : i32
      %add3A_32 = arith.addi %mul3A_23, %add3A_31 : i32
      "tpu.region"() ({
        %run_scoped3A = tpu.sem_alloc : memref<!tpu.dma_semaphore, #tpu.memory_space<semaphore_mem>>
        %dma_start3A_44 = arith.constant 0 : i32
        %dma_start3A_45 = tpu.memref_slice %arg3[%add3A, %add3A_32, %dma_start3A_44] : memref<32x80x128xi32, #tpu.memory_space<hbm>> -> memref<1x1x128xi32, #tpu.memory_space<hbm>>
        %dma_start3A_46 = tpu.memref_squeeze %dma_start3A_45 : memref<1x1x128xi32, #tpu.memory_space<hbm>> -> memref<128xi32, #tpu.memory_space<hbm>>
        %dma_start3A_47 = arith.constant 0 : i32
        %dma_start3A_48 = tpu.memref_slice %arg3[%add3A, %add3A_32, %dma_start3A_47] : memref<32x80x128xi32, #tpu.memory_space<hbm>> -> memref<1x1x128xi32, #tpu.memory_space<hbm>>
        %dma_start3A_49 = tpu.memref_squeeze %dma_start3A_48 : memref<1x1x128xi32, #tpu.memory_space<hbm>> -> memref<128xi32, #tpu.memory_space<hbm>>
        tpu.enqueue_dma source(%dma_start3A_49 : memref<128xi32, #tpu.memory_space<hbm>>) target(%arg7 : memref<128xi32, #tpu.memory_space<vmem>>) target_semaphore(%run_scoped3A : memref<!tpu.dma_semaphore, #tpu.memory_space<semaphore_mem>>)
        %dma_wait3A_50 = arith.constant 0 : i32
        %dma_wait3A_51 = tpu.memref_slice %arg3[%add3A, %add3A_32, %dma_wait3A_50] : memref<32x80x128xi32, #tpu.memory_space<hbm>> -> memref<1x1x128xi32, #tpu.memory_space<hbm>>
        %dma_wait3A_52 = tpu.memref_squeeze %dma_wait3A_51 : memref<1x1x128xi32, #tpu.memory_space<hbm>> -> memref<128xi32, #tpu.memory_space<hbm>>
        %dma_wait3A_53 = arith.constant 0 : i32
        %dma_wait3A_54 = tpu.memref_slice %arg3[%add3A, %add3A_32, %dma_wait3A_53] : memref<32x80x128xi32, #tpu.memory_space<hbm>> -> memref<1x1x128xi32, #tpu.memory_space<hbm>>
        %dma_wait3A_55 = tpu.memref_squeeze %dma_wait3A_54 : memref<1x1x128xi32, #tpu.memory_space<hbm>> -> memref<128xi32, #tpu.memory_space<hbm>>
        tpu.wait_dma2 semaphore(%run_scoped3A : memref<!tpu.dma_semaphore, #tpu.memory_space<semaphore_mem>>) src(%dma_wait3A_55 : memref<128xi32, #tpu.memory_space<hbm>>) dst(%arg7 : memref<128xi32, #tpu.memory_space<vmem>>)
        tpu.yield
      }) : () -> ()
      %add3A_33 = arith.constant 1 : i32
      %add3A_34 = arith.addi %mul3A_23, %add3A_33 : i32
      "tpu.region"() ({
        %run_scoped3A = tpu.sem_alloc : memref<!tpu.dma_semaphore, #tpu.memory_space<semaphore_mem>>
        %dma_start3A_44 = arith.constant 0 : i32
        %dma_start3A_45 = tpu.memref_slice %arg4[%add3A, %add3A_34, %dma_start3A_44] : memref<32x80x128xi32, #tpu.memory_space<hbm>> -> memref<1x1x128xi32, #tpu.memory_space<hbm>>
        %dma_start3A_46 = tpu.memref_squeeze %dma_start3A_45 : memref<1x1x128xi32, #tpu.memory_space<hbm>> -> memref<128xi32, #tpu.memory_space<hbm>>
        %dma_start3A_47 = arith.constant 0 : i32
        %dma_start3A_48 = tpu.memref_slice %arg4[%add3A, %add3A_34, %dma_start3A_47] : memref<32x80x128xi32, #tpu.memory_space<hbm>> -> memref<1x1x128xi32, #tpu.memory_space<hbm>>
        %dma_start3A_49 = tpu.memref_squeeze %dma_start3A_48 : memref<1x1x128xi32, #tpu.memory_space<hbm>> -> memref<128xi32, #tpu.memory_space<hbm>>
        tpu.enqueue_dma source(%dma_start3A_49 : memref<128xi32, #tpu.memory_space<hbm>>) target(%arg9 : memref<128xi32, #tpu.memory_space<vmem>>) target_semaphore(%run_scoped3A : memref<!tpu.dma_semaphore, #tpu.memory_space<semaphore_mem>>)
        %dma_wait3A_50 = arith.constant 0 : i32
        %dma_wait3A_51 = tpu.memref_slice %arg4[%add3A, %add3A_34, %dma_wait3A_50] : memref<32x80x128xi32, #tpu.memory_space<hbm>> -> memref<1x1x128xi32, #tpu.memory_space<hbm>>
        %dma_wait3A_52 = tpu.memref_squeeze %dma_wait3A_51 : memref<1x1x128xi32, #tpu.memory_space<hbm>> -> memref<128xi32, #tpu.memory_space<hbm>>
        %dma_wait3A_53 = arith.constant 0 : i32
        %dma_wait3A_54 = tpu.memref_slice %arg4[%add3A, %add3A_34, %dma_wait3A_53] : memref<32x80x128xi32, #tpu.memory_space<hbm>> -> memref<1x1x128xi32, #tpu.memory_space<hbm>>
        %dma_wait3A_55 = tpu.memref_squeeze %dma_wait3A_54 : memref<1x1x128xi32, #tpu.memory_space<hbm>> -> memref<128xi32, #tpu.memory_space<hbm>>
        tpu.wait_dma2 semaphore(%run_scoped3A : memref<!tpu.dma_semaphore, #tpu.memory_space<semaphore_mem>>) src(%dma_wait3A_55 : memref<128xi32, #tpu.memory_space<hbm>>) dst(%arg9 : memref<128xi32, #tpu.memory_space<vmem>>)
        tpu.yield
      }) : () -> ()
      %dma_start3A_35 = arith.constant 0 : i32
      %dma_start3A_36 = arith.constant 0 : i32
      %dma_start3A_37 = tpu.memref_slice %arg2[%dma_start3A_35, %dma_start3A_36] : memref<10240x128xf32, #tpu.memory_space<hbm>> -> memref<10240x128xf32, #tpu.memory_space<hbm>>
      tpu.enqueue_indirect_dma source(%dma_start3A_37 : memref<10240x128xf32, #tpu.memory_space<hbm>>) target(%arg11 : memref<128x128xf32, #tpu.memory_space<vmem>>) offsets(%arg7 : memref<128xi32, #tpu.memory_space<vmem>>) semaphore(%arg13 : memref<!tpu.dma_semaphore, #tpu.memory_space<semaphore_mem>>)
      %dma_wait3A_38 = arith.constant 0 : i32
      %dma_wait3A_39 = arith.constant 0 : i32
      %dma_wait3A_40 = tpu.memref_slice %arg2[%dma_wait3A_38, %dma_wait3A_39] : memref<10240x128xf32, #tpu.memory_space<hbm>> -> memref<10240x128xf32, #tpu.memory_space<hbm>>
      tpu.wait_indirect_dma semaphore(%arg13 : memref<!tpu.dma_semaphore, #tpu.memory_space<semaphore_mem>>) src(%dma_wait3A_40 : memref<10240x128xf32, #tpu.memory_space<hbm>>) dst(%arg11 : memref<128x128xf32, #tpu.memory_space<vmem>>)
      %dma_wait3A_41 = arith.constant 0 : i32
      %dma_wait3A_42 = arith.constant 0 : i32
      %dma_wait3A_43 = tpu.memref_slice %arg12[%dma_wait3A_41, %dma_wait3A_42] : memref<10240x128xf32, #tpu.memory_space<vmem_shared>> -> memref<10240x128xf32, #tpu.memory_space<vmem_shared>>
      tpu.wait_indirect_dma semaphore(%arg14 : memref<!tpu.dma_semaphore, #tpu.memory_space<semaphore_mem>>) src(%arg10 : memref<128x128xf32, #tpu.memory_space<vmem>>) dst(%dma_wait3A_43 : memref<10240x128xf32, #tpu.memory_space<vmem_shared>>)
      "tpu.region"() ({
        %run_scoped3A = tpu.sem_alloc : memref<!tpu.dma_semaphore, #tpu.memory_space<semaphore_mem>>
        %dma_start3A_44 = arith.constant 0 : i32
        %dma_start3A_45 = arith.constant 0 : i32
        %dma_start3A_46 = tpu.memref_slice %arg12[%dma_start3A_44, %dma_start3A_45] : memref<10240x128xf32, #tpu.memory_space<vmem_shared>> -> memref<10240x128xf32, #tpu.memory_space<vmem_shared>>
        tpu.enqueue_indirect_dma source(%arg11 : memref<128x128xf32, #tpu.memory_space<vmem>>) target(%dma_start3A_46 : memref<10240x128xf32, #tpu.memory_space<vmem_shared>>) offsets(%arg9 : memref<128xi32, #tpu.memory_space<vmem>>) semaphore(%run_scoped3A : memref<!tpu.dma_semaphore, #tpu.memory_space<semaphore_mem>>) {add = true}
        %dma_wait3A_47 = arith.constant 0 : i32
        %dma_wait3A_48 = arith.constant 0 : i32
        %dma_wait3A_49 = tpu.memref_slice %arg12[%dma_wait3A_47, %dma_wait3A_48] : memref<10240x128xf32, #tpu.memory_space<vmem_shared>> -> memref<10240x128xf32, #tpu.memory_space<vmem_shared>>
        tpu.wait_indirect_dma semaphore(%run_scoped3A : memref<!tpu.dma_semaphore, #tpu.memory_space<semaphore_mem>>) src(%arg11 : memref<128x128xf32, #tpu.memory_space<vmem>>) dst(%dma_wait3A_49 : memref<10240x128xf32, #tpu.memory_space<vmem_shared>>)
        tpu.yield
      }) : () -> ()
    }
    %scan3A_13 = arith.constant 40 : i32
    %barrier3A_14 = arith.constant 0 : index
    tpu.barrier barrier_id(%barrier3A_14)
    %scan3A_15 = arith.constant 0 : i32
    %scan3A_16 = arith.constant 0 : i32
    %scan3A_17 = arith.constant 5 : i32
    %scan3A_18 = arith.addi %scan3A_16, %scan3A_17 : i32
    %scan3A_19 = arith.constant 1 : i32
    scf.for %scan3A_21 = %scan3A_16 to %scan3A_18 step %scan3A_19  : i32 {
      %mul3A_22 = arith.constant 128 : i32
      %mul3A_23 = arith.muli %scan3A_21, %mul3A_22 : i32
      %add3A_24 = arith.addi %mul3A_2, %mul3A_23 : i32
      %iota3A = tpu.iota {dimensions = array<i32: 0>} : vector<16xi32>
      %add3A_25 = arith.constant 0 : i32
      %add3A_26 = arith.addi %add3A_24, %add3A_25 : i32
      %add3A_27 = vector.broadcast %add3A_26 : i32 to vector<16xi32>
      %add3A_28 = arith.addi %iota3A, %add3A_27 : vector<16xi32>
      %swap3A = arith.constant 0 : index
      %swap3A_29 = tpu.vector_load %arg8[%swap3A] {strides = array<i32>} : memref<128xi32, #tpu.memory_space<vmem>>, vector<16xi32>,
      %swap3A_30 = vector.shape_cast %swap3A_29 : vector<16xi32> to vector<16xi32>
      %swap3A_31 = vector.shape_cast %add3A_28 : vector<16xi32> to vector<16xi32>
      tpu.vector_store %arg8[%swap3A], %swap3A_31 {strides = array<i32>} : memref<128xi32, #tpu.memory_space<vmem>>, vector<16xi32>,
      %iota3A_32 = tpu.iota {dimensions = array<i32: 0>} : vector<16xi32>
      %add3A_33 = arith.constant 16 : i32
      %add3A_34 = arith.addi %add3A_24, %add3A_33 : i32
      %add3A_35 = vector.broadcast %add3A_34 : i32 to vector<16xi32>
      %add3A_36 = arith.addi %iota3A_32, %add3A_35 : vector<16xi32>
      %swap3A_37 = arith.constant 16 : index
      %swap3A_38 = tpu.vector_load %arg8[%swap3A_37] {strides = array<i32>} : memref<128xi32, #tpu.memory_space<vmem>>, vector<16xi32>,
      %swap3A_39 = vector.shape_cast %swap3A_38 : vector<16xi32> to vector<16xi32>
      %swap3A_40 = vector.shape_cast %add3A_36 : vector<16xi32> to vector<16xi32>
      tpu.vector_store %arg8[%swap3A_37], %swap3A_40 {strides = array<i32>} : memref<128xi32, #tpu.memory_space<vmem>>, vector<16xi32>,
      %iota3A_41 = tpu.iota {dimensions = array<i32: 0>} : vector<16xi32>
      %add3A_42 = arith.constant 32 : i32
      %add3A_43 = arith.addi %add3A_24, %add3A_42 : i32
      %add3A_44 = vector.broadcast %add3A_43 : i32 to vector<16xi32>
      %add3A_45 = arith.addi %iota3A_41, %add3A_44 : vector<16xi32>
      %swap3A_46 = arith.constant 32 : index
      %swap3A_47 = tpu.vector_load %arg8[%swap3A_46] {strides = array<i32>} : memref<128xi32, #tpu.memory_space<vmem>>, vector<16xi32>,
      %swap3A_48 = vector.shape_cast %swap3A_47 : vector<16xi32> to vector<16xi32>
      %swap3A_49 = vector.shape_cast %add3A_45 : vector<16xi32> to vector<16xi32>
      tpu.vector_store %arg8[%swap3A_46], %swap3A_49 {strides = array<i32>} : memref<128xi32, #tpu.memory_space<vmem>>, vector<16xi32>,
      %iota3A_50 = tpu.iota {dimensions = array<i32: 0>} : vector<16xi32>
      %add3A_51 = arith.constant 48 : i32
      %add3A_52 = arith.addi %add3A_24, %add3A_51 : i32
      %add3A_53 = vector.broadcast %add3A_52 : i32 to vector<16xi32>
      %add3A_54 = arith.addi %iota3A_50, %add3A_53 : vector<16xi32>
      %swap3A_55 = arith.constant 48 : index
      %swap3A_56 = tpu.vector_load %arg8[%swap3A_55] {strides = array<i32>} : memref<128xi32, #tpu.memory_space<vmem>>, vector<16xi32>,
      %swap3A_57 = vector.shape_cast %swap3A_56 : vector<16xi32> to vector<16xi32>
      %swap3A_58 = vector.shape_cast %add3A_54 : vector<16xi32> to vector<16xi32>
      tpu.vector_store %arg8[%swap3A_55], %swap3A_58 {strides = array<i32>} : memref<128xi32, #tpu.memory_space<vmem>>, vector<16xi32>,
      %iota3A_59 = tpu.iota {dimensions = array<i32: 0>} : vector<16xi32>
      %add3A_60 = arith.constant 64 : i32
      %add3A_61 = arith.addi %add3A_24, %add3A_60 : i32
      %add3A_62 = vector.broadcast %add3A_61 : i32 to vector<16xi32>
      %add3A_63 = arith.addi %iota3A_59, %add3A_62 : vector<16xi32>
      %swap3A_64 = arith.constant 64 : index
      %swap3A_65 = tpu.vector_load %arg8[%swap3A_64] {strides = array<i32>} : memref<128xi32, #tpu.memory_space<vmem>>, vector<16xi32>,
      %swap3A_66 = vector.shape_cast %swap3A_65 : vector<16xi32> to vector<16xi32>
      %swap3A_67 = vector.shape_cast %add3A_63 : vector<16xi32> to vector<16xi32>
      tpu.vector_store %arg8[%swap3A_64], %swap3A_67 {strides = array<i32>} : memref<128xi32, #tpu.memory_space<vmem>>, vector<16xi32>,
      %iota3A_68 = tpu.iota {dimensions = array<i32: 0>} : vector<16xi32>
      %add3A_69 = arith.constant 80 : i32
      %add3A_70 = arith.addi %add3A_24, %add3A_69 : i32
      %add3A_71 = vector.broadcast %add3A_70 : i32 to vector<16xi32>
      %add3A_72 = arith.addi %iota3A_68, %add3A_71 : vector<16xi32>
      %swap3A_73 = arith.constant 80 : index
      %swap3A_74 = tpu.vector_load %arg8[%swap3A_73] {strides = array<i32>} : memref<128xi32, #tpu.memory_space<vmem>>, vector<16xi32>,
      %swap3A_75 = vector.shape_cast %swap3A_74 : vector<16xi32> to vector<16xi32>
      %swap3A_76 = vector.shape_cast %add3A_72 : vector<16xi32> to vector<16xi32>
      tpu.vector_store %arg8[%swap3A_73], %swap3A_76 {strides = array<i32>} : memref<128xi32, #tpu.memory_space<vmem>>, vector<16xi32>,
      %iota3A_77 = tpu.iota {dimensions = array<i32: 0>} : vector<16xi32>
      %add3A_78 = arith.constant 96 : i32
      %add3A_79 = arith.addi %add3A_24, %add3A_78 : i32
      %add3A_80 = vector.broadcast %add3A_79 : i32 to vector<16xi32>
      %add3A_81 = arith.addi %iota3A_77, %add3A_80 : vector<16xi32>
      %swap3A_82 = arith.constant 96 : index
      %swap3A_83 = tpu.vector_load %arg8[%swap3A_82] {strides = array<i32>} : memref<128xi32, #tpu.memory_space<vmem>>, vector<16xi32>,
      %swap3A_84 = vector.shape_cast %swap3A_83 : vector<16xi32> to vector<16xi32>
      %swap3A_85 = vector.shape_cast %add3A_81 : vector<16xi32> to vector<16xi32>
      tpu.vector_store %arg8[%swap3A_82], %swap3A_85 {strides = array<i32>} : memref<128xi32, #tpu.memory_space<vmem>>, vector<16xi32>,
      %iota3A_86 = tpu.iota {dimensions = array<i32: 0>} : vector<16xi32>
      %add3A_87 = arith.constant 112 : i32
      %add3A_88 = arith.addi %add3A_24, %add3A_87 : i32
      %add3A_89 = vector.broadcast %add3A_88 : i32 to vector<16xi32>
      %add3A_90 = arith.addi %iota3A_86, %add3A_89 : vector<16xi32>
      %swap3A_91 = arith.constant 112 : index
      %swap3A_92 = tpu.vector_load %arg8[%swap3A_91] {strides = array<i32>} : memref<128xi32, #tpu.memory_space<vmem>>, vector<16xi32>,
      %swap3A_93 = vector.shape_cast %swap3A_92 : vector<16xi32> to vector<16xi32>
      %swap3A_94 = vector.shape_cast %add3A_90 : vector<16xi32> to vector<16xi32>
      tpu.vector_store %arg8[%swap3A_91], %swap3A_94 {strides = array<i32>} : memref<128xi32, #tpu.memory_space<vmem>>, vector<16xi32>,
      %dma_start3A = arith.constant 0 : i32
      %dma_start3A_95 = arith.constant 0 : i32
      %dma_start3A_96 = tpu.memref_slice %arg12[%dma_start3A, %dma_start3A_95] : memref<10240x128xf32, #tpu.memory_space<vmem_shared>> -> memref<10240x128xf32, #tpu.memory_space<vmem_shared>>
      tpu.enqueue_indirect_dma source(%dma_start3A_96 : memref<10240x128xf32, #tpu.memory_space<vmem_shared>>) target(%arg10 : memref<128x128xf32, #tpu.memory_space<vmem>>) offsets(%arg8 : memref<128xi32, #tpu.memory_space<vmem>>) semaphore(%arg13 : memref<!tpu.dma_semaphore, #tpu.memory_space<semaphore_mem>>)
      %dma_wait3A = arith.constant 0 : i32
      %dma_wait3A_97 = arith.constant 0 : i32
      %dma_wait3A_98 = tpu.memref_slice %arg12[%dma_wait3A, %dma_wait3A_97] : memref<10240x128xf32, #tpu.memory_space<vmem_shared>> -> memref<10240x128xf32, #tpu.memory_space<vmem_shared>>
      tpu.wait_indirect_dma semaphore(%arg13 : memref<!tpu.dma_semaphore, #tpu.memory_space<semaphore_mem>>) src(%dma_wait3A_98 : memref<10240x128xf32, #tpu.memory_space<vmem_shared>>) dst(%arg10 : memref<128x128xf32, #tpu.memory_space<vmem>>)
      "tpu.region"() ({
        %run_scoped3A = tpu.sem_alloc : memref<!tpu.dma_semaphore, #tpu.memory_space<semaphore_mem>>
        %dma_start3A_99 = arith.constant 0 : i32
        %dma_start3A_100 = tpu.memref_slice %arg6[%arg0, %add3A_24, %dma_start3A_99] : memref<2x10240x128xf32, #tpu.memory_space<hbm>> -> memref<1x128x128xf32, #tpu.memory_space<hbm>>
        %dma_start3A_101 = tpu.memref_squeeze %dma_start3A_100 : memref<1x128x128xf32, #tpu.memory_space<hbm>> -> memref<128x128xf32, #tpu.memory_space<hbm>>
        %dma_start3A_102 = arith.constant 0 : i32
        %dma_start3A_103 = tpu.memref_slice %arg6[%arg0, %add3A_24, %dma_start3A_102] : memref<2x10240x128xf32, #tpu.memory_space<hbm>> -> memref<1x128x128xf32, #tpu.memory_space<hbm>>
        %dma_start3A_104 = tpu.memref_squeeze %dma_start3A_103 : memref<1x128x128xf32, #tpu.memory_space<hbm>> -> memref<128x128xf32, #tpu.memory_space<hbm>>
        tpu.enqueue_dma source(%arg10 : memref<128x128xf32, #tpu.memory_space<vmem>>) target(%dma_start3A_104 : memref<128x128xf32, #tpu.memory_space<hbm>>) target_semaphore(%run_scoped3A : memref<!tpu.dma_semaphore, #tpu.memory_space<semaphore_mem>>)
        %dma_wait3A_105 = arith.constant 0 : i32
        %dma_wait3A_106 = tpu.memref_slice %arg6[%arg0, %add3A_24, %dma_wait3A_105] : memref<2x10240x128xf32, #tpu.memory_space<hbm>> -> memref<1x128x128xf32, #tpu.memory_space<hbm>>
        %dma_wait3A_107 = tpu.memref_squeeze %dma_wait3A_106 : memref<1x128x128xf32, #tpu.memory_space<hbm>> -> memref<128x128xf32, #tpu.memory_space<hbm>>
        %dma_wait3A_108 = arith.constant 0 : i32
        %dma_wait3A_109 = tpu.memref_slice %arg6[%arg0, %add3A_24, %dma_wait3A_108] : memref<2x10240x128xf32, #tpu.memory_space<hbm>> -> memref<1x128x128xf32, #tpu.memory_space<hbm>>
        %dma_wait3A_110 = tpu.memref_squeeze %dma_wait3A_109 : memref<1x128x128xf32, #tpu.memory_space<hbm>> -> memref<128x128xf32, #tpu.memory_space<hbm>>
        tpu.wait_dma2 semaphore(%run_scoped3A : memref<!tpu.dma_semaphore, #tpu.memory_space<semaphore_mem>>) src(%arg10 : memref<128x128xf32, #tpu.memory_space<vmem>>) dst(%dma_wait3A_110 : memref<128x128xf32, #tpu.memory_space<hbm>>)
        tpu.yield
      }) : () -> ()
    }
    %scan3A_20 = arith.constant 5 : i32
    return
  }
}

#map = affine_map<(d0, d1) -> (0, 0)>
#map1 = affine_map<(d0, d1) -> (0, 0, 0)>
module attributes {stable_mosaic.version = 14 : i64} {
  func.func @_agg2_body(%arg0: i32, %arg1: i32, %arg2: memref<10240x128xf32, #tpu.memory_space<hbm>>, %arg3: memref<10240x128xf32, #tpu.memory_space<hbm>>, %arg4: memref<16x160x128xi32, #tpu.memory_space<hbm>>, %arg5: memref<16x160x128xi32, #tpu.memory_space<hbm>>, %arg6: memref<128x128xf32, #tpu.memory_space<hbm>>, %arg7: memref<2x10240x128xf32, #tpu.memory_space<hbm>>, %arg8: memref<128xi32, #tpu.memory_space<vmem>>, %arg9: memref<128xi32, #tpu.memory_space<vmem>>, %arg10: memref<128xi32, #tpu.memory_space<vmem>>, %arg11: memref<128x128xf32, #tpu.memory_space<vmem>>, %arg12: memref<128x128xf32, #tpu.memory_space<vmem>>, %arg13: memref<10240x128xf32, #tpu.memory_space<vmem_shared>>, %arg14: memref<!tpu.dma_semaphore, #tpu.memory_space<semaphore_mem>>, %arg15: memref<!tpu.dma_semaphore, #tpu.memory_space<semaphore_mem>>) attributes {dimension_semantics = [#tpu.dimension_semantics<core_parallel>, #tpu.dimension_semantics<subcore_parallel>], iteration_bounds = array<i64: 2, 16>, scalar_prefetch = 0 : i64, scratch_operands = 8 : i64, tpu.core_type = #tpu.core_type<sc_vector_subcore>, window_params = [{transform_indices = #map}, {transform_indices = #map}, {transform_indices = #map1}, {transform_indices = #map1}, {transform_indices = #map}, {transform_indices = #map1}]} {
    %mul3A = arith.constant 640 : i32
    %mul3A_0 = arith.muli %arg1, %mul3A : i32
    "tpu.region"() ({
      %run_scoped3A = tpu.sem_alloc : memref<!tpu.dma_semaphore, #tpu.memory_space<semaphore_mem>>
      tpu.enqueue_dma source(%arg6 : memref<128x128xf32, #tpu.memory_space<hbm>>) target(%arg11 : memref<128x128xf32, #tpu.memory_space<vmem>>) target_semaphore(%run_scoped3A : memref<!tpu.dma_semaphore, #tpu.memory_space<semaphore_mem>>)
      tpu.wait_dma2 semaphore(%run_scoped3A : memref<!tpu.dma_semaphore, #tpu.memory_space<semaphore_mem>>) src(%arg6 : memref<128x128xf32, #tpu.memory_space<hbm>>) dst(%arg11 : memref<128x128xf32, #tpu.memory_space<vmem>>)
      tpu.yield
    }) : () -> ()
    %scan3A = arith.constant 0 : i32
    %scan3A_1 = arith.constant 0 : i32
    %scan3A_2 = arith.constant 5 : i32
    %scan3A_3 = arith.addi %scan3A_1, %scan3A_2 : i32
    %scan3A_4 = arith.constant 1 : i32
    scf.for %scan3A_19 = %scan3A_1 to %scan3A_3 step %scan3A_4  : i32 {
      %mul3A_20 = arith.constant 128 : i32
      %mul3A_21 = arith.muli %scan3A_19, %mul3A_20 : i32
      %add3A = arith.addi %mul3A_0, %mul3A_21 : i32
      %iota3A = tpu.iota {dimensions = array<i32: 0>} : vector<16xi32>
      %add3A_22 = arith.constant 0 : i32
      %add3A_23 = arith.addi %add3A, %add3A_22 : i32
      %add3A_24 = vector.broadcast %add3A_23 : i32 to vector<16xi32>
      %add3A_25 = arith.addi %iota3A, %add3A_24 : vector<16xi32>
      %swap3A = arith.constant 0 : index
      %swap3A_26 = tpu.vector_load %arg9[%swap3A] {strides = array<i32>} : memref<128xi32, #tpu.memory_space<vmem>>, vector<16xi32>,
      %swap3A_27 = vector.shape_cast %swap3A_26 : vector<16xi32> to vector<16xi32>
      %swap3A_28 = vector.shape_cast %add3A_25 : vector<16xi32> to vector<16xi32>
      tpu.vector_store %arg9[%swap3A], %swap3A_28 {strides = array<i32>} : memref<128xi32, #tpu.memory_space<vmem>>, vector<16xi32>,
      %iota3A_29 = tpu.iota {dimensions = array<i32: 0>} : vector<16xi32>
      %add3A_30 = arith.constant 16 : i32
      %add3A_31 = arith.addi %add3A, %add3A_30 : i32
      %add3A_32 = vector.broadcast %add3A_31 : i32 to vector<16xi32>
      %add3A_33 = arith.addi %iota3A_29, %add3A_32 : vector<16xi32>
      %swap3A_34 = arith.constant 16 : index
      %swap3A_35 = tpu.vector_load %arg9[%swap3A_34] {strides = array<i32>} : memref<128xi32, #tpu.memory_space<vmem>>, vector<16xi32>,
      %swap3A_36 = vector.shape_cast %swap3A_35 : vector<16xi32> to vector<16xi32>
      %swap3A_37 = vector.shape_cast %add3A_33 : vector<16xi32> to vector<16xi32>
      tpu.vector_store %arg9[%swap3A_34], %swap3A_37 {strides = array<i32>} : memref<128xi32, #tpu.memory_space<vmem>>, vector<16xi32>,
      %iota3A_38 = tpu.iota {dimensions = array<i32: 0>} : vector<16xi32>
      %add3A_39 = arith.constant 32 : i32
      %add3A_40 = arith.addi %add3A, %add3A_39 : i32
      %add3A_41 = vector.broadcast %add3A_40 : i32 to vector<16xi32>
      %add3A_42 = arith.addi %iota3A_38, %add3A_41 : vector<16xi32>
      %swap3A_43 = arith.constant 32 : index
      %swap3A_44 = tpu.vector_load %arg9[%swap3A_43] {strides = array<i32>} : memref<128xi32, #tpu.memory_space<vmem>>, vector<16xi32>,
      %swap3A_45 = vector.shape_cast %swap3A_44 : vector<16xi32> to vector<16xi32>
      %swap3A_46 = vector.shape_cast %add3A_42 : vector<16xi32> to vector<16xi32>
      tpu.vector_store %arg9[%swap3A_43], %swap3A_46 {strides = array<i32>} : memref<128xi32, #tpu.memory_space<vmem>>, vector<16xi32>,
      %iota3A_47 = tpu.iota {dimensions = array<i32: 0>} : vector<16xi32>
      %add3A_48 = arith.constant 48 : i32
      %add3A_49 = arith.addi %add3A, %add3A_48 : i32
      %add3A_50 = vector.broadcast %add3A_49 : i32 to vector<16xi32>
      %add3A_51 = arith.addi %iota3A_47, %add3A_50 : vector<16xi32>
      %swap3A_52 = arith.constant 48 : index
      %swap3A_53 = tpu.vector_load %arg9[%swap3A_52] {strides = array<i32>} : memref<128xi32, #tpu.memory_space<vmem>>, vector<16xi32>,
      %swap3A_54 = vector.shape_cast %swap3A_53 : vector<16xi32> to vector<16xi32>
      %swap3A_55 = vector.shape_cast %add3A_51 : vector<16xi32> to vector<16xi32>
      tpu.vector_store %arg9[%swap3A_52], %swap3A_55 {strides = array<i32>} : memref<128xi32, #tpu.memory_space<vmem>>, vector<16xi32>,
      %iota3A_56 = tpu.iota {dimensions = array<i32: 0>} : vector<16xi32>
      %add3A_57 = arith.constant 64 : i32
      %add3A_58 = arith.addi %add3A, %add3A_57 : i32
      %add3A_59 = vector.broadcast %add3A_58 : i32 to vector<16xi32>
      %add3A_60 = arith.addi %iota3A_56, %add3A_59 : vector<16xi32>
      %swap3A_61 = arith.constant 64 : index
      %swap3A_62 = tpu.vector_load %arg9[%swap3A_61] {strides = array<i32>} : memref<128xi32, #tpu.memory_space<vmem>>, vector<16xi32>,
      %swap3A_63 = vector.shape_cast %swap3A_62 : vector<16xi32> to vector<16xi32>
      %swap3A_64 = vector.shape_cast %add3A_60 : vector<16xi32> to vector<16xi32>
      tpu.vector_store %arg9[%swap3A_61], %swap3A_64 {strides = array<i32>} : memref<128xi32, #tpu.memory_space<vmem>>, vector<16xi32>,
      %iota3A_65 = tpu.iota {dimensions = array<i32: 0>} : vector<16xi32>
      %add3A_66 = arith.constant 80 : i32
      %add3A_67 = arith.addi %add3A, %add3A_66 : i32
      %add3A_68 = vector.broadcast %add3A_67 : i32 to vector<16xi32>
      %add3A_69 = arith.addi %iota3A_65, %add3A_68 : vector<16xi32>
      %swap3A_70 = arith.constant 80 : index
      %swap3A_71 = tpu.vector_load %arg9[%swap3A_70] {strides = array<i32>} : memref<128xi32, #tpu.memory_space<vmem>>, vector<16xi32>,
      %swap3A_72 = vector.shape_cast %swap3A_71 : vector<16xi32> to vector<16xi32>
      %swap3A_73 = vector.shape_cast %add3A_69 : vector<16xi32> to vector<16xi32>
      tpu.vector_store %arg9[%swap3A_70], %swap3A_73 {strides = array<i32>} : memref<128xi32, #tpu.memory_space<vmem>>, vector<16xi32>,
      %iota3A_74 = tpu.iota {dimensions = array<i32: 0>} : vector<16xi32>
      %add3A_75 = arith.constant 96 : i32
      %add3A_76 = arith.addi %add3A, %add3A_75 : i32
      %add3A_77 = vector.broadcast %add3A_76 : i32 to vector<16xi32>
      %add3A_78 = arith.addi %iota3A_74, %add3A_77 : vector<16xi32>
      %swap3A_79 = arith.constant 96 : index
      %swap3A_80 = tpu.vector_load %arg9[%swap3A_79] {strides = array<i32>} : memref<128xi32, #tpu.memory_space<vmem>>, vector<16xi32>,
      %swap3A_81 = vector.shape_cast %swap3A_80 : vector<16xi32> to vector<16xi32>
      %swap3A_82 = vector.shape_cast %add3A_78 : vector<16xi32> to vector<16xi32>
      tpu.vector_store %arg9[%swap3A_79], %swap3A_82 {strides = array<i32>} : memref<128xi32, #tpu.memory_space<vmem>>, vector<16xi32>,
      %iota3A_83 = tpu.iota {dimensions = array<i32: 0>} : vector<16xi32>
      %add3A_84 = arith.constant 112 : i32
      %add3A_85 = arith.addi %add3A, %add3A_84 : i32
      %add3A_86 = vector.broadcast %add3A_85 : i32 to vector<16xi32>
      %add3A_87 = arith.addi %iota3A_83, %add3A_86 : vector<16xi32>
      %swap3A_88 = arith.constant 112 : index
      %swap3A_89 = tpu.vector_load %arg9[%swap3A_88] {strides = array<i32>} : memref<128xi32, #tpu.memory_space<vmem>>, vector<16xi32>,
      %swap3A_90 = vector.shape_cast %swap3A_89 : vector<16xi32> to vector<16xi32>
      %swap3A_91 = vector.shape_cast %add3A_87 : vector<16xi32> to vector<16xi32>
      tpu.vector_store %arg9[%swap3A_88], %swap3A_91 {strides = array<i32>} : memref<128xi32, #tpu.memory_space<vmem>>, vector<16xi32>,
      "tpu.region"() ({
        %run_scoped3A = tpu.sem_alloc : memref<!tpu.dma_semaphore, #tpu.memory_space<semaphore_mem>>
        %dma_start3A = arith.constant 0 : i32
        %dma_start3A_92 = arith.constant 0 : i32
        %dma_start3A_93 = tpu.memref_slice %arg13[%dma_start3A, %dma_start3A_92] : memref<10240x128xf32, #tpu.memory_space<vmem_shared>> -> memref<10240x128xf32, #tpu.memory_space<vmem_shared>>
        tpu.enqueue_indirect_dma source(%arg11 : memref<128x128xf32, #tpu.memory_space<vmem>>) target(%dma_start3A_93 : memref<10240x128xf32, #tpu.memory_space<vmem_shared>>) offsets(%arg9 : memref<128xi32, #tpu.memory_space<vmem>>) semaphore(%run_scoped3A : memref<!tpu.dma_semaphore, #tpu.memory_space<semaphore_mem>>)
        %dma_wait3A = arith.constant 0 : i32
        %dma_wait3A_94 = arith.constant 0 : i32
        %dma_wait3A_95 = tpu.memref_slice %arg13[%dma_wait3A, %dma_wait3A_94] : memref<10240x128xf32, #tpu.memory_space<vmem_shared>> -> memref<10240x128xf32, #tpu.memory_space<vmem_shared>>
        tpu.wait_indirect_dma semaphore(%run_scoped3A : memref<!tpu.dma_semaphore, #tpu.memory_space<semaphore_mem>>) src(%arg11 : memref<128x128xf32, #tpu.memory_space<vmem>>) dst(%dma_wait3A_95 : memref<10240x128xf32, #tpu.memory_space<vmem_shared>>)
        tpu.yield
      }) : () -> ()
    }
    %scan3A_5 = arith.constant 5 : i32
    %barrier3A = arith.constant 0 : index
    tpu.barrier barrier_id(%barrier3A)
    %scan3A_6 = arith.constant 0 : i32
    %scan3A_7 = arith.constant 0 : i32
    %scan3A_8 = arith.constant 80 : i32
    %scan3A_9 = arith.addi %scan3A_7, %scan3A_8 : i32
    %scan3A_10 = arith.constant 1 : i32
    scf.for %scan3A_19 = %scan3A_7 to %scan3A_9 step %scan3A_10  : i32 {
      %mul3A_20 = arith.constant 2 : i32
      %mul3A_21 = arith.muli %mul3A_20, %scan3A_19 : i32
      "tpu.region"() ({
        %run_scoped3A = tpu.sem_alloc : memref<!tpu.dma_semaphore, #tpu.memory_space<semaphore_mem>>
        %dma_start3A_46 = arith.constant 0 : i32
        %dma_start3A_47 = tpu.memref_slice %arg4[%arg1, %mul3A_21, %dma_start3A_46] : memref<16x160x128xi32, #tpu.memory_space<hbm>> -> memref<1x1x128xi32, #tpu.memory_space<hbm>>
        %dma_start3A_48 = tpu.memref_squeeze %dma_start3A_47 : memref<1x1x128xi32, #tpu.memory_space<hbm>> -> memref<128xi32, #tpu.memory_space<hbm>>
        %dma_start3A_49 = arith.constant 0 : i32
        %dma_start3A_50 = tpu.memref_slice %arg4[%arg1, %mul3A_21, %dma_start3A_49] : memref<16x160x128xi32, #tpu.memory_space<hbm>> -> memref<1x1x128xi32, #tpu.memory_space<hbm>>
        %dma_start3A_51 = tpu.memref_squeeze %dma_start3A_50 : memref<1x1x128xi32, #tpu.memory_space<hbm>> -> memref<128xi32, #tpu.memory_space<hbm>>
        tpu.enqueue_dma source(%dma_start3A_51 : memref<128xi32, #tpu.memory_space<hbm>>) target(%arg8 : memref<128xi32, #tpu.memory_space<vmem>>) target_semaphore(%run_scoped3A : memref<!tpu.dma_semaphore, #tpu.memory_space<semaphore_mem>>)
        %dma_wait3A_52 = arith.constant 0 : i32
        %dma_wait3A_53 = tpu.memref_slice %arg4[%arg1, %mul3A_21, %dma_wait3A_52] : memref<16x160x128xi32, #tpu.memory_space<hbm>> -> memref<1x1x128xi32, #tpu.memory_space<hbm>>
        %dma_wait3A_54 = tpu.memref_squeeze %dma_wait3A_53 : memref<1x1x128xi32, #tpu.memory_space<hbm>> -> memref<128xi32, #tpu.memory_space<hbm>>
        %dma_wait3A_55 = arith.constant 0 : i32
        %dma_wait3A_56 = tpu.memref_slice %arg4[%arg1, %mul3A_21, %dma_wait3A_55] : memref<16x160x128xi32, #tpu.memory_space<hbm>> -> memref<1x1x128xi32, #tpu.memory_space<hbm>>
        %dma_wait3A_57 = tpu.memref_squeeze %dma_wait3A_56 : memref<1x1x128xi32, #tpu.memory_space<hbm>> -> memref<128xi32, #tpu.memory_space<hbm>>
        tpu.wait_dma2 semaphore(%run_scoped3A : memref<!tpu.dma_semaphore, #tpu.memory_space<semaphore_mem>>) src(%dma_wait3A_57 : memref<128xi32, #tpu.memory_space<hbm>>) dst(%arg8 : memref<128xi32, #tpu.memory_space<vmem>>)
        tpu.yield
      }) : () -> ()
      "tpu.region"() ({
        %run_scoped3A = tpu.sem_alloc : memref<!tpu.dma_semaphore, #tpu.memory_space<semaphore_mem>>
        %dma_start3A_46 = arith.constant 0 : i32
        %dma_start3A_47 = tpu.memref_slice %arg5[%arg1, %mul3A_21, %dma_start3A_46] : memref<16x160x128xi32, #tpu.memory_space<hbm>> -> memref<1x1x128xi32, #tpu.memory_space<hbm>>
        %dma_start3A_48 = tpu.memref_squeeze %dma_start3A_47 : memref<1x1x128xi32, #tpu.memory_space<hbm>> -> memref<128xi32, #tpu.memory_space<hbm>>
        %dma_start3A_49 = arith.constant 0 : i32
        %dma_start3A_50 = tpu.memref_slice %arg5[%arg1, %mul3A_21, %dma_start3A_49] : memref<16x160x128xi32, #tpu.memory_space<hbm>> -> memref<1x1x128xi32, #tpu.memory_space<hbm>>
        %dma_start3A_51 = tpu.memref_squeeze %dma_start3A_50 : memref<1x1x128xi32, #tpu.memory_space<hbm>> -> memref<128xi32, #tpu.memory_space<hbm>>
        tpu.enqueue_dma source(%dma_start3A_51 : memref<128xi32, #tpu.memory_space<hbm>>) target(%arg9 : memref<128xi32, #tpu.memory_space<vmem>>) target_semaphore(%run_scoped3A : memref<!tpu.dma_semaphore, #tpu.memory_space<semaphore_mem>>)
        %dma_wait3A_52 = arith.constant 0 : i32
        %dma_wait3A_53 = tpu.memref_slice %arg5[%arg1, %mul3A_21, %dma_wait3A_52] : memref<16x160x128xi32, #tpu.memory_space<hbm>> -> memref<1x1x128xi32, #tpu.memory_space<hbm>>
        %dma_wait3A_54 = tpu.memref_squeeze %dma_wait3A_53 : memref<1x1x128xi32, #tpu.memory_space<hbm>> -> memref<128xi32, #tpu.memory_space<hbm>>
        %dma_wait3A_55 = arith.constant 0 : i32
        %dma_wait3A_56 = tpu.memref_slice %arg5[%arg1, %mul3A_21, %dma_wait3A_55] : memref<16x160x128xi32, #tpu.memory_space<hbm>> -> memref<1x1x128xi32, #tpu.memory_space<hbm>>
        %dma_wait3A_57 = tpu.memref_squeeze %dma_wait3A_56 : memref<1x1x128xi32, #tpu.memory_space<hbm>> -> memref<128xi32, #tpu.memory_space<hbm>>
        tpu.wait_dma2 semaphore(%run_scoped3A : memref<!tpu.dma_semaphore, #tpu.memory_space<semaphore_mem>>) src(%dma_wait3A_57 : memref<128xi32, #tpu.memory_space<hbm>>) dst(%arg9 : memref<128xi32, #tpu.memory_space<vmem>>)
        tpu.yield
      }) : () -> ()
      %eq3A = arith.constant 0 : i32
      %eq3A_22 = arith.cmpi eq, %arg0, %eq3A : i32
      %convert_element_type3A = arith.extui %eq3A_22 : i1 to i32
      %cond3A = arith.constant 0 : i32
      %cond3A_23 = arith.cmpi ne, %convert_element_type3A, %cond3A : i32
      scf.if %cond3A_23 {
        %dma_start3A_46 = arith.constant 0 : i32
        %dma_start3A_47 = arith.constant 0 : i32
        %dma_start3A_48 = tpu.memref_slice %arg2[%dma_start3A_46, %dma_start3A_47] : memref<10240x128xf32, #tpu.memory_space<hbm>> -> memref<10240x128xf32, #tpu.memory_space<hbm>>
        tpu.enqueue_indirect_dma source(%dma_start3A_48 : memref<10240x128xf32, #tpu.memory_space<hbm>>) target(%arg11 : memref<128x128xf32, #tpu.memory_space<vmem>>) offsets(%arg8 : memref<128xi32, #tpu.memory_space<vmem>>) semaphore(%arg14 : memref<!tpu.dma_semaphore, #tpu.memory_space<semaphore_mem>>)
        %dma_wait3A_49 = arith.constant 0 : i32
        %dma_wait3A_50 = arith.constant 0 : i32
        %dma_wait3A_51 = tpu.memref_slice %arg2[%dma_wait3A_49, %dma_wait3A_50] : memref<10240x128xf32, #tpu.memory_space<hbm>> -> memref<10240x128xf32, #tpu.memory_space<hbm>>
        tpu.wait_indirect_dma semaphore(%arg14 : memref<!tpu.dma_semaphore, #tpu.memory_space<semaphore_mem>>) src(%dma_wait3A_51 : memref<10240x128xf32, #tpu.memory_space<hbm>>) dst(%arg11 : memref<128x128xf32, #tpu.memory_space<vmem>>)
      } else {
      }
      %eq3A_24 = arith.constant 1 : i32
      %eq3A_25 = arith.cmpi eq, %arg0, %eq3A_24 : i32
      %convert_element_type3A_26 = arith.extui %eq3A_25 : i1 to i32
      %cond3A_27 = arith.constant 0 : i32
      %cond3A_28 = arith.cmpi ne, %convert_element_type3A_26, %cond3A_27 : i32
      scf.if %cond3A_28 {
        %dma_start3A_46 = arith.constant 0 : i32
        %dma_start3A_47 = arith.constant 0 : i32
        %dma_start3A_48 = tpu.memref_slice %arg3[%dma_start3A_46, %dma_start3A_47] : memref<10240x128xf32, #tpu.memory_space<hbm>> -> memref<10240x128xf32, #tpu.memory_space<hbm>>
        tpu.enqueue_indirect_dma source(%dma_start3A_48 : memref<10240x128xf32, #tpu.memory_space<hbm>>) target(%arg11 : memref<128x128xf32, #tpu.memory_space<vmem>>) offsets(%arg8 : memref<128xi32, #tpu.memory_space<vmem>>) semaphore(%arg14 : memref<!tpu.dma_semaphore, #tpu.memory_space<semaphore_mem>>)
        %dma_wait3A_49 = arith.constant 0 : i32
        %dma_wait3A_50 = arith.constant 0 : i32
        %dma_wait3A_51 = tpu.memref_slice %arg3[%dma_wait3A_49, %dma_wait3A_50] : memref<10240x128xf32, #tpu.memory_space<hbm>> -> memref<10240x128xf32, #tpu.memory_space<hbm>>
        tpu.wait_indirect_dma semaphore(%arg14 : memref<!tpu.dma_semaphore, #tpu.memory_space<semaphore_mem>>) src(%dma_wait3A_51 : memref<10240x128xf32, #tpu.memory_space<hbm>>) dst(%arg11 : memref<128x128xf32, #tpu.memory_space<vmem>>)
      } else {
      }
      %dma_start3A = arith.constant 0 : i32
      %dma_start3A_29 = arith.constant 0 : i32
      %dma_start3A_30 = tpu.memref_slice %arg13[%dma_start3A, %dma_start3A_29] : memref<10240x128xf32, #tpu.memory_space<vmem_shared>> -> memref<10240x128xf32, #tpu.memory_space<vmem_shared>>
      tpu.enqueue_indirect_dma source(%arg11 : memref<128x128xf32, #tpu.memory_space<vmem>>) target(%dma_start3A_30 : memref<10240x128xf32, #tpu.memory_space<vmem_shared>>) offsets(%arg9 : memref<128xi32, #tpu.memory_space<vmem>>) semaphore(%arg15 : memref<!tpu.dma_semaphore, #tpu.memory_space<semaphore_mem>>) {add = true}
      %add3A = arith.constant 1 : i32
      %add3A_31 = arith.addi %mul3A_21, %add3A : i32
      "tpu.region"() ({
        %run_scoped3A = tpu.sem_alloc : memref<!tpu.dma_semaphore, #tpu.memory_space<semaphore_mem>>
        %dma_start3A_46 = arith.constant 0 : i32
        %dma_start3A_47 = tpu.memref_slice %arg4[%arg1, %add3A_31, %dma_start3A_46] : memref<16x160x128xi32, #tpu.memory_space<hbm>> -> memref<1x1x128xi32, #tpu.memory_space<hbm>>
        %dma_start3A_48 = tpu.memref_squeeze %dma_start3A_47 : memref<1x1x128xi32, #tpu.memory_space<hbm>> -> memref<128xi32, #tpu.memory_space<hbm>>
        %dma_start3A_49 = arith.constant 0 : i32
        %dma_start3A_50 = tpu.memref_slice %arg4[%arg1, %add3A_31, %dma_start3A_49] : memref<16x160x128xi32, #tpu.memory_space<hbm>> -> memref<1x1x128xi32, #tpu.memory_space<hbm>>
        %dma_start3A_51 = tpu.memref_squeeze %dma_start3A_50 : memref<1x1x128xi32, #tpu.memory_space<hbm>> -> memref<128xi32, #tpu.memory_space<hbm>>
        tpu.enqueue_dma source(%dma_start3A_51 : memref<128xi32, #tpu.memory_space<hbm>>) target(%arg8 : memref<128xi32, #tpu.memory_space<vmem>>) target_semaphore(%run_scoped3A : memref<!tpu.dma_semaphore, #tpu.memory_space<semaphore_mem>>)
        %dma_wait3A_52 = arith.constant 0 : i32
        %dma_wait3A_53 = tpu.memref_slice %arg4[%arg1, %add3A_31, %dma_wait3A_52] : memref<16x160x128xi32, #tpu.memory_space<hbm>> -> memref<1x1x128xi32, #tpu.memory_space<hbm>>
        %dma_wait3A_54 = tpu.memref_squeeze %dma_wait3A_53 : memref<1x1x128xi32, #tpu.memory_space<hbm>> -> memref<128xi32, #tpu.memory_space<hbm>>
        %dma_wait3A_55 = arith.constant 0 : i32
        %dma_wait3A_56 = tpu.memref_slice %arg4[%arg1, %add3A_31, %dma_wait3A_55] : memref<16x160x128xi32, #tpu.memory_space<hbm>> -> memref<1x1x128xi32, #tpu.memory_space<hbm>>
        %dma_wait3A_57 = tpu.memref_squeeze %dma_wait3A_56 : memref<1x1x128xi32, #tpu.memory_space<hbm>> -> memref<128xi32, #tpu.memory_space<hbm>>
        tpu.wait_dma2 semaphore(%run_scoped3A : memref<!tpu.dma_semaphore, #tpu.memory_space<semaphore_mem>>) src(%dma_wait3A_57 : memref<128xi32, #tpu.memory_space<hbm>>) dst(%arg8 : memref<128xi32, #tpu.memory_space<vmem>>)
        tpu.yield
      }) : () -> ()
      %add3A_32 = arith.constant 1 : i32
      %add3A_33 = arith.addi %mul3A_21, %add3A_32 : i32
      "tpu.region"() ({
        %run_scoped3A = tpu.sem_alloc : memref<!tpu.dma_semaphore, #tpu.memory_space<semaphore_mem>>
        %dma_start3A_46 = arith.constant 0 : i32
        %dma_start3A_47 = tpu.memref_slice %arg5[%arg1, %add3A_33, %dma_start3A_46] : memref<16x160x128xi32, #tpu.memory_space<hbm>> -> memref<1x1x128xi32, #tpu.memory_space<hbm>>
        %dma_start3A_48 = tpu.memref_squeeze %dma_start3A_47 : memref<1x1x128xi32, #tpu.memory_space<hbm>> -> memref<128xi32, #tpu.memory_space<hbm>>
        %dma_start3A_49 = arith.constant 0 : i32
        %dma_start3A_50 = tpu.memref_slice %arg5[%arg1, %add3A_33, %dma_start3A_49] : memref<16x160x128xi32, #tpu.memory_space<hbm>> -> memref<1x1x128xi32, #tpu.memory_space<hbm>>
        %dma_start3A_51 = tpu.memref_squeeze %dma_start3A_50 : memref<1x1x128xi32, #tpu.memory_space<hbm>> -> memref<128xi32, #tpu.memory_space<hbm>>
        tpu.enqueue_dma source(%dma_start3A_51 : memref<128xi32, #tpu.memory_space<hbm>>) target(%arg10 : memref<128xi32, #tpu.memory_space<vmem>>) target_semaphore(%run_scoped3A : memref<!tpu.dma_semaphore, #tpu.memory_space<semaphore_mem>>)
        %dma_wait3A_52 = arith.constant 0 : i32
        %dma_wait3A_53 = tpu.memref_slice %arg5[%arg1, %add3A_33, %dma_wait3A_52] : memref<16x160x128xi32, #tpu.memory_space<hbm>> -> memref<1x1x128xi32, #tpu.memory_space<hbm>>
        %dma_wait3A_54 = tpu.memref_squeeze %dma_wait3A_53 : memref<1x1x128xi32, #tpu.memory_space<hbm>> -> memref<128xi32, #tpu.memory_space<hbm>>
        %dma_wait3A_55 = arith.constant 0 : i32
        %dma_wait3A_56 = tpu.memref_slice %arg5[%arg1, %add3A_33, %dma_wait3A_55] : memref<16x160x128xi32, #tpu.memory_space<hbm>> -> memref<1x1x128xi32, #tpu.memory_space<hbm>>
        %dma_wait3A_57 = tpu.memref_squeeze %dma_wait3A_56 : memref<1x1x128xi32, #tpu.memory_space<hbm>> -> memref<128xi32, #tpu.memory_space<hbm>>
        tpu.wait_dma2 semaphore(%run_scoped3A : memref<!tpu.dma_semaphore, #tpu.memory_space<semaphore_mem>>) src(%dma_wait3A_57 : memref<128xi32, #tpu.memory_space<hbm>>) dst(%arg10 : memref<128xi32, #tpu.memory_space<vmem>>)
        tpu.yield
      }) : () -> ()
      %eq3A_34 = arith.constant 0 : i32
      %eq3A_35 = arith.cmpi eq, %arg0, %eq3A_34 : i32
      %convert_element_type3A_36 = arith.extui %eq3A_35 : i1 to i32
      %cond3A_37 = arith.constant 0 : i32
      %cond3A_38 = arith.cmpi ne, %convert_element_type3A_36, %cond3A_37 : i32
      scf.if %cond3A_38 {
        %dma_start3A_46 = arith.constant 0 : i32
        %dma_start3A_47 = arith.constant 0 : i32
        %dma_start3A_48 = tpu.memref_slice %arg2[%dma_start3A_46, %dma_start3A_47] : memref<10240x128xf32, #tpu.memory_space<hbm>> -> memref<10240x128xf32, #tpu.memory_space<hbm>>
        tpu.enqueue_indirect_dma source(%dma_start3A_48 : memref<10240x128xf32, #tpu.memory_space<hbm>>) target(%arg12 : memref<128x128xf32, #tpu.memory_space<vmem>>) offsets(%arg8 : memref<128xi32, #tpu.memory_space<vmem>>) semaphore(%arg14 : memref<!tpu.dma_semaphore, #tpu.memory_space<semaphore_mem>>)
        %dma_wait3A_49 = arith.constant 0 : i32
        %dma_wait3A_50 = arith.constant 0 : i32
        %dma_wait3A_51 = tpu.memref_slice %arg2[%dma_wait3A_49, %dma_wait3A_50] : memref<10240x128xf32, #tpu.memory_space<hbm>> -> memref<10240x128xf32, #tpu.memory_space<hbm>>
        tpu.wait_indirect_dma semaphore(%arg14 : memref<!tpu.dma_semaphore, #tpu.memory_space<semaphore_mem>>) src(%dma_wait3A_51 : memref<10240x128xf32, #tpu.memory_space<hbm>>) dst(%arg12 : memref<128x128xf32, #tpu.memory_space<vmem>>)
      } else {
      }
      %eq3A_39 = arith.constant 1 : i32
      %eq3A_40 = arith.cmpi eq, %arg0, %eq3A_39 : i32
      %convert_element_type3A_41 = arith.extui %eq3A_40 : i1 to i32
      %cond3A_42 = arith.constant 0 : i32
      %cond3A_43 = arith.cmpi ne, %convert_element_type3A_41, %cond3A_42 : i32
      scf.if %cond3A_43 {
        %dma_start3A_46 = arith.constant 0 : i32
        %dma_start3A_47 = arith.constant 0 : i32
        %dma_start3A_48 = tpu.memref_slice %arg3[%dma_start3A_46, %dma_start3A_47] : memref<10240x128xf32, #tpu.memory_space<hbm>> -> memref<10240x128xf32, #tpu.memory_space<hbm>>
        tpu.enqueue_indirect_dma source(%dma_start3A_48 : memref<10240x128xf32, #tpu.memory_space<hbm>>) target(%arg12 : memref<128x128xf32, #tpu.memory_space<vmem>>) offsets(%arg8 : memref<128xi32, #tpu.memory_space<vmem>>) semaphore(%arg14 : memref<!tpu.dma_semaphore, #tpu.memory_space<semaphore_mem>>)
        %dma_wait3A_49 = arith.constant 0 : i32
        %dma_wait3A_50 = arith.constant 0 : i32
        %dma_wait3A_51 = tpu.memref_slice %arg3[%dma_wait3A_49, %dma_wait3A_50] : memref<10240x128xf32, #tpu.memory_space<hbm>> -> memref<10240x128xf32, #tpu.memory_space<hbm>>
        tpu.wait_indirect_dma semaphore(%arg14 : memref<!tpu.dma_semaphore, #tpu.memory_space<semaphore_mem>>) src(%dma_wait3A_51 : memref<10240x128xf32, #tpu.memory_space<hbm>>) dst(%arg12 : memref<128x128xf32, #tpu.memory_space<vmem>>)
      } else {
      }
      %dma_wait3A = arith.constant 0 : i32
      %dma_wait3A_44 = arith.constant 0 : i32
      %dma_wait3A_45 = tpu.memref_slice %arg13[%dma_wait3A, %dma_wait3A_44] : memref<10240x128xf32, #tpu.memory_space<vmem_shared>> -> memref<10240x128xf32, #tpu.memory_space<vmem_shared>>
      tpu.wait_indirect_dma semaphore(%arg15 : memref<!tpu.dma_semaphore, #tpu.memory_space<semaphore_mem>>) src(%arg11 : memref<128x128xf32, #tpu.memory_space<vmem>>) dst(%dma_wait3A_45 : memref<10240x128xf32, #tpu.memory_space<vmem_shared>>)
      "tpu.region"() ({
        %run_scoped3A = tpu.sem_alloc : memref<!tpu.dma_semaphore, #tpu.memory_space<semaphore_mem>>
        %dma_start3A_46 = arith.constant 0 : i32
        %dma_start3A_47 = arith.constant 0 : i32
        %dma_start3A_48 = tpu.memref_slice %arg13[%dma_start3A_46, %dma_start3A_47] : memref<10240x128xf32, #tpu.memory_space<vmem_shared>> -> memref<10240x128xf32, #tpu.memory_space<vmem_shared>>
        tpu.enqueue_indirect_dma source(%arg12 : memref<128x128xf32, #tpu.memory_space<vmem>>) target(%dma_start3A_48 : memref<10240x128xf32, #tpu.memory_space<vmem_shared>>) offsets(%arg10 : memref<128xi32, #tpu.memory_space<vmem>>) semaphore(%run_scoped3A : memref<!tpu.dma_semaphore, #tpu.memory_space<semaphore_mem>>) {add = true}
        %dma_wait3A_49 = arith.constant 0 : i32
        %dma_wait3A_50 = arith.constant 0 : i32
        %dma_wait3A_51 = tpu.memref_slice %arg13[%dma_wait3A_49, %dma_wait3A_50] : memref<10240x128xf32, #tpu.memory_space<vmem_shared>> -> memref<10240x128xf32, #tpu.memory_space<vmem_shared>>
        tpu.wait_indirect_dma semaphore(%run_scoped3A : memref<!tpu.dma_semaphore, #tpu.memory_space<semaphore_mem>>) src(%arg12 : memref<128x128xf32, #tpu.memory_space<vmem>>) dst(%dma_wait3A_51 : memref<10240x128xf32, #tpu.memory_space<vmem_shared>>)
        tpu.yield
      }) : () -> ()
    }
    %scan3A_11 = arith.constant 80 : i32
    %barrier3A_12 = arith.constant 0 : index
    tpu.barrier barrier_id(%barrier3A_12)
    %scan3A_13 = arith.constant 0 : i32
    %scan3A_14 = arith.constant 0 : i32
    %scan3A_15 = arith.constant 5 : i32
    %scan3A_16 = arith.addi %scan3A_14, %scan3A_15 : i32
    %scan3A_17 = arith.constant 1 : i32
    scf.for %scan3A_19 = %scan3A_14 to %scan3A_16 step %scan3A_17  : i32 {
      %mul3A_20 = arith.constant 128 : i32
      %mul3A_21 = arith.muli %scan3A_19, %mul3A_20 : i32
      %add3A = arith.addi %mul3A_0, %mul3A_21 : i32
      %iota3A = tpu.iota {dimensions = array<i32: 0>} : vector<16xi32>
      %add3A_22 = arith.constant 0 : i32
      %add3A_23 = arith.addi %add3A, %add3A_22 : i32
      %add3A_24 = vector.broadcast %add3A_23 : i32 to vector<16xi32>
      %add3A_25 = arith.addi %iota3A, %add3A_24 : vector<16xi32>
      %swap3A = arith.constant 0 : index
      %swap3A_26 = tpu.vector_load %arg9[%swap3A] {strides = array<i32>} : memref<128xi32, #tpu.memory_space<vmem>>, vector<16xi32>,
      %swap3A_27 = vector.shape_cast %swap3A_26 : vector<16xi32> to vector<16xi32>
      %swap3A_28 = vector.shape_cast %add3A_25 : vector<16xi32> to vector<16xi32>
      tpu.vector_store %arg9[%swap3A], %swap3A_28 {strides = array<i32>} : memref<128xi32, #tpu.memory_space<vmem>>, vector<16xi32>,
      %iota3A_29 = tpu.iota {dimensions = array<i32: 0>} : vector<16xi32>
      %add3A_30 = arith.constant 16 : i32
      %add3A_31 = arith.addi %add3A, %add3A_30 : i32
      %add3A_32 = vector.broadcast %add3A_31 : i32 to vector<16xi32>
      %add3A_33 = arith.addi %iota3A_29, %add3A_32 : vector<16xi32>
      %swap3A_34 = arith.constant 16 : index
      %swap3A_35 = tpu.vector_load %arg9[%swap3A_34] {strides = array<i32>} : memref<128xi32, #tpu.memory_space<vmem>>, vector<16xi32>,
      %swap3A_36 = vector.shape_cast %swap3A_35 : vector<16xi32> to vector<16xi32>
      %swap3A_37 = vector.shape_cast %add3A_33 : vector<16xi32> to vector<16xi32>
      tpu.vector_store %arg9[%swap3A_34], %swap3A_37 {strides = array<i32>} : memref<128xi32, #tpu.memory_space<vmem>>, vector<16xi32>,
      %iota3A_38 = tpu.iota {dimensions = array<i32: 0>} : vector<16xi32>
      %add3A_39 = arith.constant 32 : i32
      %add3A_40 = arith.addi %add3A, %add3A_39 : i32
      %add3A_41 = vector.broadcast %add3A_40 : i32 to vector<16xi32>
      %add3A_42 = arith.addi %iota3A_38, %add3A_41 : vector<16xi32>
      %swap3A_43 = arith.constant 32 : index
      %swap3A_44 = tpu.vector_load %arg9[%swap3A_43] {strides = array<i32>} : memref<128xi32, #tpu.memory_space<vmem>>, vector<16xi32>,
      %swap3A_45 = vector.shape_cast %swap3A_44 : vector<16xi32> to vector<16xi32>
      %swap3A_46 = vector.shape_cast %add3A_42 : vector<16xi32> to vector<16xi32>
      tpu.vector_store %arg9[%swap3A_43], %swap3A_46 {strides = array<i32>} : memref<128xi32, #tpu.memory_space<vmem>>, vector<16xi32>,
      %iota3A_47 = tpu.iota {dimensions = array<i32: 0>} : vector<16xi32>
      %add3A_48 = arith.constant 48 : i32
      %add3A_49 = arith.addi %add3A, %add3A_48 : i32
      %add3A_50 = vector.broadcast %add3A_49 : i32 to vector<16xi32>
      %add3A_51 = arith.addi %iota3A_47, %add3A_50 : vector<16xi32>
      %swap3A_52 = arith.constant 48 : index
      %swap3A_53 = tpu.vector_load %arg9[%swap3A_52] {strides = array<i32>} : memref<128xi32, #tpu.memory_space<vmem>>, vector<16xi32>,
      %swap3A_54 = vector.shape_cast %swap3A_53 : vector<16xi32> to vector<16xi32>
      %swap3A_55 = vector.shape_cast %add3A_51 : vector<16xi32> to vector<16xi32>
      tpu.vector_store %arg9[%swap3A_52], %swap3A_55 {strides = array<i32>} : memref<128xi32, #tpu.memory_space<vmem>>, vector<16xi32>,
      %iota3A_56 = tpu.iota {dimensions = array<i32: 0>} : vector<16xi32>
      %add3A_57 = arith.constant 64 : i32
      %add3A_58 = arith.addi %add3A, %add3A_57 : i32
      %add3A_59 = vector.broadcast %add3A_58 : i32 to vector<16xi32>
      %add3A_60 = arith.addi %iota3A_56, %add3A_59 : vector<16xi32>
      %swap3A_61 = arith.constant 64 : index
      %swap3A_62 = tpu.vector_load %arg9[%swap3A_61] {strides = array<i32>} : memref<128xi32, #tpu.memory_space<vmem>>, vector<16xi32>,
      %swap3A_63 = vector.shape_cast %swap3A_62 : vector<16xi32> to vector<16xi32>
      %swap3A_64 = vector.shape_cast %add3A_60 : vector<16xi32> to vector<16xi32>
      tpu.vector_store %arg9[%swap3A_61], %swap3A_64 {strides = array<i32>} : memref<128xi32, #tpu.memory_space<vmem>>, vector<16xi32>,
      %iota3A_65 = tpu.iota {dimensions = array<i32: 0>} : vector<16xi32>
      %add3A_66 = arith.constant 80 : i32
      %add3A_67 = arith.addi %add3A, %add3A_66 : i32
      %add3A_68 = vector.broadcast %add3A_67 : i32 to vector<16xi32>
      %add3A_69 = arith.addi %iota3A_65, %add3A_68 : vector<16xi32>
      %swap3A_70 = arith.constant 80 : index
      %swap3A_71 = tpu.vector_load %arg9[%swap3A_70] {strides = array<i32>} : memref<128xi32, #tpu.memory_space<vmem>>, vector<16xi32>,
      %swap3A_72 = vector.shape_cast %swap3A_71 : vector<16xi32> to vector<16xi32>
      %swap3A_73 = vector.shape_cast %add3A_69 : vector<16xi32> to vector<16xi32>
      tpu.vector_store %arg9[%swap3A_70], %swap3A_73 {strides = array<i32>} : memref<128xi32, #tpu.memory_space<vmem>>, vector<16xi32>,
      %iota3A_74 = tpu.iota {dimensions = array<i32: 0>} : vector<16xi32>
      %add3A_75 = arith.constant 96 : i32
      %add3A_76 = arith.addi %add3A, %add3A_75 : i32
      %add3A_77 = vector.broadcast %add3A_76 : i32 to vector<16xi32>
      %add3A_78 = arith.addi %iota3A_74, %add3A_77 : vector<16xi32>
      %swap3A_79 = arith.constant 96 : index
      %swap3A_80 = tpu.vector_load %arg9[%swap3A_79] {strides = array<i32>} : memref<128xi32, #tpu.memory_space<vmem>>, vector<16xi32>,
      %swap3A_81 = vector.shape_cast %swap3A_80 : vector<16xi32> to vector<16xi32>
      %swap3A_82 = vector.shape_cast %add3A_78 : vector<16xi32> to vector<16xi32>
      tpu.vector_store %arg9[%swap3A_79], %swap3A_82 {strides = array<i32>} : memref<128xi32, #tpu.memory_space<vmem>>, vector<16xi32>,
      %iota3A_83 = tpu.iota {dimensions = array<i32: 0>} : vector<16xi32>
      %add3A_84 = arith.constant 112 : i32
      %add3A_85 = arith.addi %add3A, %add3A_84 : i32
      %add3A_86 = vector.broadcast %add3A_85 : i32 to vector<16xi32>
      %add3A_87 = arith.addi %iota3A_83, %add3A_86 : vector<16xi32>
      %swap3A_88 = arith.constant 112 : index
      %swap3A_89 = tpu.vector_load %arg9[%swap3A_88] {strides = array<i32>} : memref<128xi32, #tpu.memory_space<vmem>>, vector<16xi32>,
      %swap3A_90 = vector.shape_cast %swap3A_89 : vector<16xi32> to vector<16xi32>
      %swap3A_91 = vector.shape_cast %add3A_87 : vector<16xi32> to vector<16xi32>
      tpu.vector_store %arg9[%swap3A_88], %swap3A_91 {strides = array<i32>} : memref<128xi32, #tpu.memory_space<vmem>>, vector<16xi32>,
      %dma_start3A = arith.constant 0 : i32
      %dma_start3A_92 = arith.constant 0 : i32
      %dma_start3A_93 = tpu.memref_slice %arg13[%dma_start3A, %dma_start3A_92] : memref<10240x128xf32, #tpu.memory_space<vmem_shared>> -> memref<10240x128xf32, #tpu.memory_space<vmem_shared>>
      tpu.enqueue_indirect_dma source(%dma_start3A_93 : memref<10240x128xf32, #tpu.memory_space<vmem_shared>>) target(%arg11 : memref<128x128xf32, #tpu.memory_space<vmem>>) offsets(%arg9 : memref<128xi32, #tpu.memory_space<vmem>>) semaphore(%arg14 : memref<!tpu.dma_semaphore, #tpu.memory_space<semaphore_mem>>)
      %dma_wait3A = arith.constant 0 : i32
      %dma_wait3A_94 = arith.constant 0 : i32
      %dma_wait3A_95 = tpu.memref_slice %arg13[%dma_wait3A, %dma_wait3A_94] : memref<10240x128xf32, #tpu.memory_space<vmem_shared>> -> memref<10240x128xf32, #tpu.memory_space<vmem_shared>>
      tpu.wait_indirect_dma semaphore(%arg14 : memref<!tpu.dma_semaphore, #tpu.memory_space<semaphore_mem>>) src(%dma_wait3A_95 : memref<10240x128xf32, #tpu.memory_space<vmem_shared>>) dst(%arg11 : memref<128x128xf32, #tpu.memory_space<vmem>>)
      "tpu.region"() ({
        %run_scoped3A = tpu.sem_alloc : memref<!tpu.dma_semaphore, #tpu.memory_space<semaphore_mem>>
        %dma_start3A_96 = arith.constant 0 : i32
        %dma_start3A_97 = tpu.memref_slice %arg7[%arg0, %add3A, %dma_start3A_96] : memref<2x10240x128xf32, #tpu.memory_space<hbm>> -> memref<1x128x128xf32, #tpu.memory_space<hbm>>
        %dma_start3A_98 = tpu.memref_squeeze %dma_start3A_97 : memref<1x128x128xf32, #tpu.memory_space<hbm>> -> memref<128x128xf32, #tpu.memory_space<hbm>>
        %dma_start3A_99 = arith.constant 0 : i32
        %dma_start3A_100 = tpu.memref_slice %arg7[%arg0, %add3A, %dma_start3A_99] : memref<2x10240x128xf32, #tpu.memory_space<hbm>> -> memref<1x128x128xf32, #tpu.memory_space<hbm>>
        %dma_start3A_101 = tpu.memref_squeeze %dma_start3A_100 : memref<1x128x128xf32, #tpu.memory_space<hbm>> -> memref<128x128xf32, #tpu.memory_space<hbm>>
        tpu.enqueue_dma source(%arg11 : memref<128x128xf32, #tpu.memory_space<vmem>>) target(%dma_start3A_101 : memref<128x128xf32, #tpu.memory_space<hbm>>) target_semaphore(%run_scoped3A : memref<!tpu.dma_semaphore, #tpu.memory_space<semaphore_mem>>)
        %dma_wait3A_102 = arith.constant 0 : i32
        %dma_wait3A_103 = tpu.memref_slice %arg7[%arg0, %add3A, %dma_wait3A_102] : memref<2x10240x128xf32, #tpu.memory_space<hbm>> -> memref<1x128x128xf32, #tpu.memory_space<hbm>>
        %dma_wait3A_104 = tpu.memref_squeeze %dma_wait3A_103 : memref<1x128x128xf32, #tpu.memory_space<hbm>> -> memref<128x128xf32, #tpu.memory_space<hbm>>
        %dma_wait3A_105 = arith.constant 0 : i32
        %dma_wait3A_106 = tpu.memref_slice %arg7[%arg0, %add3A, %dma_wait3A_105] : memref<2x10240x128xf32, #tpu.memory_space<hbm>> -> memref<1x128x128xf32, #tpu.memory_space<hbm>>
        %dma_wait3A_107 = tpu.memref_squeeze %dma_wait3A_106 : memref<1x128x128xf32, #tpu.memory_space<hbm>> -> memref<128x128xf32, #tpu.memory_space<hbm>>
        tpu.wait_dma2 semaphore(%run_scoped3A : memref<!tpu.dma_semaphore, #tpu.memory_space<semaphore_mem>>) src(%arg11 : memref<128x128xf32, #tpu.memory_space<vmem>>) dst(%dma_wait3A_107 : memref<128x128xf32, #tpu.memory_space<hbm>>)
        tpu.yield
      }) : () -> ()
    }
    %scan3A_18 = arith.constant 5 : i32
    return
  }
}

#map = affine_map<(d0, d1) -> (0, 0, 0)>
#map1 = affine_map<(d0, d1) -> (0, 0)>
module attributes {stable_mosaic.version = 14 : i64} {
  func.func @_cnt_body(%arg0: i32, %arg1: i32, %arg2: memref<32x80x128xi32, #tpu.memory_space<hbm>>, %arg3: memref<128x128xf32, #tpu.memory_space<hbm>>, %arg4: memref<128x128xf32, #tpu.memory_space<hbm>>, %arg5: memref<2x10240x128xf32, #tpu.memory_space<hbm>>, %arg6: memref<128xi32, #tpu.memory_space<vmem>>, %arg7: memref<128x128xf32, #tpu.memory_space<vmem>>, %arg8: memref<128x128xf32, #tpu.memory_space<vmem>>, %arg9: memref<10240x128xf32, #tpu.memory_space<vmem_shared>>, %arg10: memref<!tpu.dma_semaphore, #tpu.memory_space<semaphore_mem>>) attributes {dimension_semantics = [#tpu.dimension_semantics<core_parallel>, #tpu.dimension_semantics<subcore_parallel>], iteration_bounds = array<i64: 2, 16>, scalar_prefetch = 0 : i64, scratch_operands = 5 : i64, tpu.core_type = #tpu.core_type<sc_vector_subcore>, window_params = [{transform_indices = #map}, {transform_indices = #map1}, {transform_indices = #map1}, {transform_indices = #map}]} {
    %mul3A = arith.constant 16 : i32
    %mul3A_0 = arith.muli %arg0, %mul3A : i32
    %add3A = arith.addi %mul3A_0, %arg1 : i32
    %mul3A_1 = arith.constant 640 : i32
    %mul3A_2 = arith.muli %arg1, %mul3A_1 : i32
    "tpu.region"() ({
      %run_scoped3A = tpu.sem_alloc : memref<!tpu.dma_semaphore, #tpu.memory_space<semaphore_mem>>
      tpu.enqueue_dma source(%arg3 : memref<128x128xf32, #tpu.memory_space<hbm>>) target(%arg7 : memref<128x128xf32, #tpu.memory_space<vmem>>) target_semaphore(%run_scoped3A : memref<!tpu.dma_semaphore, #tpu.memory_space<semaphore_mem>>)
      tpu.wait_dma2 semaphore(%run_scoped3A : memref<!tpu.dma_semaphore, #tpu.memory_space<semaphore_mem>>) src(%arg3 : memref<128x128xf32, #tpu.memory_space<hbm>>) dst(%arg7 : memref<128x128xf32, #tpu.memory_space<vmem>>)
      tpu.yield
    }) : () -> ()
    "tpu.region"() ({
      %run_scoped3A = tpu.sem_alloc : memref<!tpu.dma_semaphore, #tpu.memory_space<semaphore_mem>>
      tpu.enqueue_dma source(%arg4 : memref<128x128xf32, #tpu.memory_space<hbm>>) target(%arg8 : memref<128x128xf32, #tpu.memory_space<vmem>>) target_semaphore(%run_scoped3A : memref<!tpu.dma_semaphore, #tpu.memory_space<semaphore_mem>>)
      tpu.wait_dma2 semaphore(%run_scoped3A : memref<!tpu.dma_semaphore, #tpu.memory_space<semaphore_mem>>) src(%arg4 : memref<128x128xf32, #tpu.memory_space<hbm>>) dst(%arg8 : memref<128x128xf32, #tpu.memory_space<vmem>>)
      tpu.yield
    }) : () -> ()
    %scan3A = arith.constant 0 : i32
    %scan3A_3 = arith.constant 0 : i32
    %scan3A_4 = arith.constant 5 : i32
    %scan3A_5 = arith.addi %scan3A_3, %scan3A_4 : i32
    %scan3A_6 = arith.constant 1 : i32
    scf.for %scan3A_21 = %scan3A_3 to %scan3A_5 step %scan3A_6  : i32 {
      %mul3A_22 = arith.constant 128 : i32
      %mul3A_23 = arith.muli %scan3A_21, %mul3A_22 : i32
      %add3A_24 = arith.addi %mul3A_2, %mul3A_23 : i32
      %iota3A = tpu.iota {dimensions = array<i32: 0>} : vector<16xi32>
      %add3A_25 = arith.constant 0 : i32
      %add3A_26 = arith.addi %add3A_24, %add3A_25 : i32
      %add3A_27 = vector.broadcast %add3A_26 : i32 to vector<16xi32>
      %add3A_28 = arith.addi %iota3A, %add3A_27 : vector<16xi32>
      %swap3A = arith.constant 0 : index
      %swap3A_29 = tpu.vector_load %arg6[%swap3A] {strides = array<i32>} : memref<128xi32, #tpu.memory_space<vmem>>, vector<16xi32>,
      %swap3A_30 = vector.shape_cast %swap3A_29 : vector<16xi32> to vector<16xi32>
      %swap3A_31 = vector.shape_cast %add3A_28 : vector<16xi32> to vector<16xi32>
      tpu.vector_store %arg6[%swap3A], %swap3A_31 {strides = array<i32>} : memref<128xi32, #tpu.memory_space<vmem>>, vector<16xi32>,
      %iota3A_32 = tpu.iota {dimensions = array<i32: 0>} : vector<16xi32>
      %add3A_33 = arith.constant 16 : i32
      %add3A_34 = arith.addi %add3A_24, %add3A_33 : i32
      %add3A_35 = vector.broadcast %add3A_34 : i32 to vector<16xi32>
      %add3A_36 = arith.addi %iota3A_32, %add3A_35 : vector<16xi32>
      %swap3A_37 = arith.constant 16 : index
      %swap3A_38 = tpu.vector_load %arg6[%swap3A_37] {strides = array<i32>} : memref<128xi32, #tpu.memory_space<vmem>>, vector<16xi32>,
      %swap3A_39 = vector.shape_cast %swap3A_38 : vector<16xi32> to vector<16xi32>
      %swap3A_40 = vector.shape_cast %add3A_36 : vector<16xi32> to vector<16xi32>
      tpu.vector_store %arg6[%swap3A_37], %swap3A_40 {strides = array<i32>} : memref<128xi32, #tpu.memory_space<vmem>>, vector<16xi32>,
      %iota3A_41 = tpu.iota {dimensions = array<i32: 0>} : vector<16xi32>
      %add3A_42 = arith.constant 32 : i32
      %add3A_43 = arith.addi %add3A_24, %add3A_42 : i32
      %add3A_44 = vector.broadcast %add3A_43 : i32 to vector<16xi32>
      %add3A_45 = arith.addi %iota3A_41, %add3A_44 : vector<16xi32>
      %swap3A_46 = arith.constant 32 : index
      %swap3A_47 = tpu.vector_load %arg6[%swap3A_46] {strides = array<i32>} : memref<128xi32, #tpu.memory_space<vmem>>, vector<16xi32>,
      %swap3A_48 = vector.shape_cast %swap3A_47 : vector<16xi32> to vector<16xi32>
      %swap3A_49 = vector.shape_cast %add3A_45 : vector<16xi32> to vector<16xi32>
      tpu.vector_store %arg6[%swap3A_46], %swap3A_49 {strides = array<i32>} : memref<128xi32, #tpu.memory_space<vmem>>, vector<16xi32>,
      %iota3A_50 = tpu.iota {dimensions = array<i32: 0>} : vector<16xi32>
      %add3A_51 = arith.constant 48 : i32
      %add3A_52 = arith.addi %add3A_24, %add3A_51 : i32
      %add3A_53 = vector.broadcast %add3A_52 : i32 to vector<16xi32>
      %add3A_54 = arith.addi %iota3A_50, %add3A_53 : vector<16xi32>
      %swap3A_55 = arith.constant 48 : index
      %swap3A_56 = tpu.vector_load %arg6[%swap3A_55] {strides = array<i32>} : memref<128xi32, #tpu.memory_space<vmem>>, vector<16xi32>,
      %swap3A_57 = vector.shape_cast %swap3A_56 : vector<16xi32> to vector<16xi32>
      %swap3A_58 = vector.shape_cast %add3A_54 : vector<16xi32> to vector<16xi32>
      tpu.vector_store %arg6[%swap3A_55], %swap3A_58 {strides = array<i32>} : memref<128xi32, #tpu.memory_space<vmem>>, vector<16xi32>,
      %iota3A_59 = tpu.iota {dimensions = array<i32: 0>} : vector<16xi32>
      %add3A_60 = arith.constant 64 : i32
      %add3A_61 = arith.addi %add3A_24, %add3A_60 : i32
      %add3A_62 = vector.broadcast %add3A_61 : i32 to vector<16xi32>
      %add3A_63 = arith.addi %iota3A_59, %add3A_62 : vector<16xi32>
      %swap3A_64 = arith.constant 64 : index
      %swap3A_65 = tpu.vector_load %arg6[%swap3A_64] {strides = array<i32>} : memref<128xi32, #tpu.memory_space<vmem>>, vector<16xi32>,
      %swap3A_66 = vector.shape_cast %swap3A_65 : vector<16xi32> to vector<16xi32>
      %swap3A_67 = vector.shape_cast %add3A_63 : vector<16xi32> to vector<16xi32>
      tpu.vector_store %arg6[%swap3A_64], %swap3A_67 {strides = array<i32>} : memref<128xi32, #tpu.memory_space<vmem>>, vector<16xi32>,
      %iota3A_68 = tpu.iota {dimensions = array<i32: 0>} : vector<16xi32>
      %add3A_69 = arith.constant 80 : i32
      %add3A_70 = arith.addi %add3A_24, %add3A_69 : i32
      %add3A_71 = vector.broadcast %add3A_70 : i32 to vector<16xi32>
      %add3A_72 = arith.addi %iota3A_68, %add3A_71 : vector<16xi32>
      %swap3A_73 = arith.constant 80 : index
      %swap3A_74 = tpu.vector_load %arg6[%swap3A_73] {strides = array<i32>} : memref<128xi32, #tpu.memory_space<vmem>>, vector<16xi32>,
      %swap3A_75 = vector.shape_cast %swap3A_74 : vector<16xi32> to vector<16xi32>
      %swap3A_76 = vector.shape_cast %add3A_72 : vector<16xi32> to vector<16xi32>
      tpu.vector_store %arg6[%swap3A_73], %swap3A_76 {strides = array<i32>} : memref<128xi32, #tpu.memory_space<vmem>>, vector<16xi32>,
      %iota3A_77 = tpu.iota {dimensions = array<i32: 0>} : vector<16xi32>
      %add3A_78 = arith.constant 96 : i32
      %add3A_79 = arith.addi %add3A_24, %add3A_78 : i32
      %add3A_80 = vector.broadcast %add3A_79 : i32 to vector<16xi32>
      %add3A_81 = arith.addi %iota3A_77, %add3A_80 : vector<16xi32>
      %swap3A_82 = arith.constant 96 : index
      %swap3A_83 = tpu.vector_load %arg6[%swap3A_82] {strides = array<i32>} : memref<128xi32, #tpu.memory_space<vmem>>, vector<16xi32>,
      %swap3A_84 = vector.shape_cast %swap3A_83 : vector<16xi32> to vector<16xi32>
      %swap3A_85 = vector.shape_cast %add3A_81 : vector<16xi32> to vector<16xi32>
      tpu.vector_store %arg6[%swap3A_82], %swap3A_85 {strides = array<i32>} : memref<128xi32, #tpu.memory_space<vmem>>, vector<16xi32>,
      %iota3A_86 = tpu.iota {dimensions = array<i32: 0>} : vector<16xi32>
      %add3A_87 = arith.constant 112 : i32
      %add3A_88 = arith.addi %add3A_24, %add3A_87 : i32
      %add3A_89 = vector.broadcast %add3A_88 : i32 to vector<16xi32>
      %add3A_90 = arith.addi %iota3A_86, %add3A_89 : vector<16xi32>
      %swap3A_91 = arith.constant 112 : index
      %swap3A_92 = tpu.vector_load %arg6[%swap3A_91] {strides = array<i32>} : memref<128xi32, #tpu.memory_space<vmem>>, vector<16xi32>,
      %swap3A_93 = vector.shape_cast %swap3A_92 : vector<16xi32> to vector<16xi32>
      %swap3A_94 = vector.shape_cast %add3A_90 : vector<16xi32> to vector<16xi32>
      tpu.vector_store %arg6[%swap3A_91], %swap3A_94 {strides = array<i32>} : memref<128xi32, #tpu.memory_space<vmem>>, vector<16xi32>,
      "tpu.region"() ({
        %run_scoped3A = tpu.sem_alloc : memref<!tpu.dma_semaphore, #tpu.memory_space<semaphore_mem>>
        %dma_start3A = arith.constant 0 : i32
        %dma_start3A_95 = arith.constant 0 : i32
        %dma_start3A_96 = tpu.memref_slice %arg9[%dma_start3A, %dma_start3A_95] : memref<10240x128xf32, #tpu.memory_space<vmem_shared>> -> memref<10240x128xf32, #tpu.memory_space<vmem_shared>>
        tpu.enqueue_indirect_dma source(%arg7 : memref<128x128xf32, #tpu.memory_space<vmem>>) target(%dma_start3A_96 : memref<10240x128xf32, #tpu.memory_space<vmem_shared>>) offsets(%arg6 : memref<128xi32, #tpu.memory_space<vmem>>) semaphore(%run_scoped3A : memref<!tpu.dma_semaphore, #tpu.memory_space<semaphore_mem>>)
        %dma_wait3A = arith.constant 0 : i32
        %dma_wait3A_97 = arith.constant 0 : i32
        %dma_wait3A_98 = tpu.memref_slice %arg9[%dma_wait3A, %dma_wait3A_97] : memref<10240x128xf32, #tpu.memory_space<vmem_shared>> -> memref<10240x128xf32, #tpu.memory_space<vmem_shared>>
        tpu.wait_indirect_dma semaphore(%run_scoped3A : memref<!tpu.dma_semaphore, #tpu.memory_space<semaphore_mem>>) src(%arg7 : memref<128x128xf32, #tpu.memory_space<vmem>>) dst(%dma_wait3A_98 : memref<10240x128xf32, #tpu.memory_space<vmem_shared>>)
        tpu.yield
      }) : () -> ()
    }
    %scan3A_7 = arith.constant 5 : i32
    %barrier3A = arith.constant 0 : index
    tpu.barrier barrier_id(%barrier3A)
    %scan3A_8 = arith.constant 0 : i32
    %scan3A_9 = arith.constant 0 : i32
    %scan3A_10 = arith.constant 80 : i32
    %scan3A_11 = arith.addi %scan3A_9, %scan3A_10 : i32
    %scan3A_12 = arith.constant 1 : i32
    scf.for %scan3A_21 = %scan3A_9 to %scan3A_11 step %scan3A_12  : i32 {
      "tpu.region"() ({
        %run_scoped3A = tpu.sem_alloc : memref<!tpu.dma_semaphore, #tpu.memory_space<semaphore_mem>>
        %dma_start3A = arith.constant 0 : i32
        %dma_start3A_22 = tpu.memref_slice %arg2[%add3A, %scan3A_21, %dma_start3A] : memref<32x80x128xi32, #tpu.memory_space<hbm>> -> memref<1x1x128xi32, #tpu.memory_space<hbm>>
        %dma_start3A_23 = tpu.memref_squeeze %dma_start3A_22 : memref<1x1x128xi32, #tpu.memory_space<hbm>> -> memref<128xi32, #tpu.memory_space<hbm>>
        %dma_start3A_24 = arith.constant 0 : i32
        %dma_start3A_25 = tpu.memref_slice %arg2[%add3A, %scan3A_21, %dma_start3A_24] : memref<32x80x128xi32, #tpu.memory_space<hbm>> -> memref<1x1x128xi32, #tpu.memory_space<hbm>>
        %dma_start3A_26 = tpu.memref_squeeze %dma_start3A_25 : memref<1x1x128xi32, #tpu.memory_space<hbm>> -> memref<128xi32, #tpu.memory_space<hbm>>
        tpu.enqueue_dma source(%dma_start3A_26 : memref<128xi32, #tpu.memory_space<hbm>>) target(%arg6 : memref<128xi32, #tpu.memory_space<vmem>>) target_semaphore(%run_scoped3A : memref<!tpu.dma_semaphore, #tpu.memory_space<semaphore_mem>>)
        %dma_wait3A = arith.constant 0 : i32
        %dma_wait3A_27 = tpu.memref_slice %arg2[%add3A, %scan3A_21, %dma_wait3A] : memref<32x80x128xi32, #tpu.memory_space<hbm>> -> memref<1x1x128xi32, #tpu.memory_space<hbm>>
        %dma_wait3A_28 = tpu.memref_squeeze %dma_wait3A_27 : memref<1x1x128xi32, #tpu.memory_space<hbm>> -> memref<128xi32, #tpu.memory_space<hbm>>
        %dma_wait3A_29 = arith.constant 0 : i32
        %dma_wait3A_30 = tpu.memref_slice %arg2[%add3A, %scan3A_21, %dma_wait3A_29] : memref<32x80x128xi32, #tpu.memory_space<hbm>> -> memref<1x1x128xi32, #tpu.memory_space<hbm>>
        %dma_wait3A_31 = tpu.memref_squeeze %dma_wait3A_30 : memref<1x1x128xi32, #tpu.memory_space<hbm>> -> memref<128xi32, #tpu.memory_space<hbm>>
        tpu.wait_dma2 semaphore(%run_scoped3A : memref<!tpu.dma_semaphore, #tpu.memory_space<semaphore_mem>>) src(%dma_wait3A_31 : memref<128xi32, #tpu.memory_space<hbm>>) dst(%arg6 : memref<128xi32, #tpu.memory_space<vmem>>)
        tpu.yield
      }) : () -> ()
      "tpu.region"() ({
        %run_scoped3A = tpu.sem_alloc : memref<!tpu.dma_semaphore, #tpu.memory_space<semaphore_mem>>
        %dma_start3A = arith.constant 0 : i32
        %dma_start3A_22 = arith.constant 0 : i32
        %dma_start3A_23 = tpu.memref_slice %arg9[%dma_start3A, %dma_start3A_22] : memref<10240x128xf32, #tpu.memory_space<vmem_shared>> -> memref<10240x128xf32, #tpu.memory_space<vmem_shared>>
        tpu.enqueue_indirect_dma source(%arg8 : memref<128x128xf32, #tpu.memory_space<vmem>>) target(%dma_start3A_23 : memref<10240x128xf32, #tpu.memory_space<vmem_shared>>) offsets(%arg6 : memref<128xi32, #tpu.memory_space<vmem>>) semaphore(%run_scoped3A : memref<!tpu.dma_semaphore, #tpu.memory_space<semaphore_mem>>) {add = true}
        %dma_wait3A = arith.constant 0 : i32
        %dma_wait3A_24 = arith.constant 0 : i32
        %dma_wait3A_25 = tpu.memref_slice %arg9[%dma_wait3A, %dma_wait3A_24] : memref<10240x128xf32, #tpu.memory_space<vmem_shared>> -> memref<10240x128xf32, #tpu.memory_space<vmem_shared>>
        tpu.wait_indirect_dma semaphore(%run_scoped3A : memref<!tpu.dma_semaphore, #tpu.memory_space<semaphore_mem>>) src(%arg8 : memref<128x128xf32, #tpu.memory_space<vmem>>) dst(%dma_wait3A_25 : memref<10240x128xf32, #tpu.memory_space<vmem_shared>>)
        tpu.yield
      }) : () -> ()
    }
    %scan3A_13 = arith.constant 80 : i32
    %barrier3A_14 = arith.constant 0 : index
    tpu.barrier barrier_id(%barrier3A_14)
    %scan3A_15 = arith.constant 0 : i32
    %scan3A_16 = arith.constant 0 : i32
    %scan3A_17 = arith.constant 5 : i32
    %scan3A_18 = arith.addi %scan3A_16, %scan3A_17 : i32
    %scan3A_19 = arith.constant 1 : i32
    scf.for %scan3A_21 = %scan3A_16 to %scan3A_18 step %scan3A_19  : i32 {
      %mul3A_22 = arith.constant 128 : i32
      %mul3A_23 = arith.muli %scan3A_21, %mul3A_22 : i32
      %add3A_24 = arith.addi %mul3A_2, %mul3A_23 : i32
      %iota3A = tpu.iota {dimensions = array<i32: 0>} : vector<16xi32>
      %add3A_25 = arith.constant 0 : i32
      %add3A_26 = arith.addi %add3A_24, %add3A_25 : i32
      %add3A_27 = vector.broadcast %add3A_26 : i32 to vector<16xi32>
      %add3A_28 = arith.addi %iota3A, %add3A_27 : vector<16xi32>
      %swap3A = arith.constant 0 : index
      %swap3A_29 = tpu.vector_load %arg6[%swap3A] {strides = array<i32>} : memref<128xi32, #tpu.memory_space<vmem>>, vector<16xi32>,
      %swap3A_30 = vector.shape_cast %swap3A_29 : vector<16xi32> to vector<16xi32>
      %swap3A_31 = vector.shape_cast %add3A_28 : vector<16xi32> to vector<16xi32>
      tpu.vector_store %arg6[%swap3A], %swap3A_31 {strides = array<i32>} : memref<128xi32, #tpu.memory_space<vmem>>, vector<16xi32>,
      %iota3A_32 = tpu.iota {dimensions = array<i32: 0>} : vector<16xi32>
      %add3A_33 = arith.constant 16 : i32
      %add3A_34 = arith.addi %add3A_24, %add3A_33 : i32
      %add3A_35 = vector.broadcast %add3A_34 : i32 to vector<16xi32>
      %add3A_36 = arith.addi %iota3A_32, %add3A_35 : vector<16xi32>
      %swap3A_37 = arith.constant 16 : index
      %swap3A_38 = tpu.vector_load %arg6[%swap3A_37] {strides = array<i32>} : memref<128xi32, #tpu.memory_space<vmem>>, vector<16xi32>,
      %swap3A_39 = vector.shape_cast %swap3A_38 : vector<16xi32> to vector<16xi32>
      %swap3A_40 = vector.shape_cast %add3A_36 : vector<16xi32> to vector<16xi32>
      tpu.vector_store %arg6[%swap3A_37], %swap3A_40 {strides = array<i32>} : memref<128xi32, #tpu.memory_space<vmem>>, vector<16xi32>,
      %iota3A_41 = tpu.iota {dimensions = array<i32: 0>} : vector<16xi32>
      %add3A_42 = arith.constant 32 : i32
      %add3A_43 = arith.addi %add3A_24, %add3A_42 : i32
      %add3A_44 = vector.broadcast %add3A_43 : i32 to vector<16xi32>
      %add3A_45 = arith.addi %iota3A_41, %add3A_44 : vector<16xi32>
      %swap3A_46 = arith.constant 32 : index
      %swap3A_47 = tpu.vector_load %arg6[%swap3A_46] {strides = array<i32>} : memref<128xi32, #tpu.memory_space<vmem>>, vector<16xi32>,
      %swap3A_48 = vector.shape_cast %swap3A_47 : vector<16xi32> to vector<16xi32>
      %swap3A_49 = vector.shape_cast %add3A_45 : vector<16xi32> to vector<16xi32>
      tpu.vector_store %arg6[%swap3A_46], %swap3A_49 {strides = array<i32>} : memref<128xi32, #tpu.memory_space<vmem>>, vector<16xi32>,
      %iota3A_50 = tpu.iota {dimensions = array<i32: 0>} : vector<16xi32>
      %add3A_51 = arith.constant 48 : i32
      %add3A_52 = arith.addi %add3A_24, %add3A_51 : i32
      %add3A_53 = vector.broadcast %add3A_52 : i32 to vector<16xi32>
      %add3A_54 = arith.addi %iota3A_50, %add3A_53 : vector<16xi32>
      %swap3A_55 = arith.constant 48 : index
      %swap3A_56 = tpu.vector_load %arg6[%swap3A_55] {strides = array<i32>} : memref<128xi32, #tpu.memory_space<vmem>>, vector<16xi32>,
      %swap3A_57 = vector.shape_cast %swap3A_56 : vector<16xi32> to vector<16xi32>
      %swap3A_58 = vector.shape_cast %add3A_54 : vector<16xi32> to vector<16xi32>
      tpu.vector_store %arg6[%swap3A_55], %swap3A_58 {strides = array<i32>} : memref<128xi32, #tpu.memory_space<vmem>>, vector<16xi32>,
      %iota3A_59 = tpu.iota {dimensions = array<i32: 0>} : vector<16xi32>
      %add3A_60 = arith.constant 64 : i32
      %add3A_61 = arith.addi %add3A_24, %add3A_60 : i32
      %add3A_62 = vector.broadcast %add3A_61 : i32 to vector<16xi32>
      %add3A_63 = arith.addi %iota3A_59, %add3A_62 : vector<16xi32>
      %swap3A_64 = arith.constant 64 : index
      %swap3A_65 = tpu.vector_load %arg6[%swap3A_64] {strides = array<i32>} : memref<128xi32, #tpu.memory_space<vmem>>, vector<16xi32>,
      %swap3A_66 = vector.shape_cast %swap3A_65 : vector<16xi32> to vector<16xi32>
      %swap3A_67 = vector.shape_cast %add3A_63 : vector<16xi32> to vector<16xi32>
      tpu.vector_store %arg6[%swap3A_64], %swap3A_67 {strides = array<i32>} : memref<128xi32, #tpu.memory_space<vmem>>, vector<16xi32>,
      %iota3A_68 = tpu.iota {dimensions = array<i32: 0>} : vector<16xi32>
      %add3A_69 = arith.constant 80 : i32
      %add3A_70 = arith.addi %add3A_24, %add3A_69 : i32
      %add3A_71 = vector.broadcast %add3A_70 : i32 to vector<16xi32>
      %add3A_72 = arith.addi %iota3A_68, %add3A_71 : vector<16xi32>
      %swap3A_73 = arith.constant 80 : index
      %swap3A_74 = tpu.vector_load %arg6[%swap3A_73] {strides = array<i32>} : memref<128xi32, #tpu.memory_space<vmem>>, vector<16xi32>,
      %swap3A_75 = vector.shape_cast %swap3A_74 : vector<16xi32> to vector<16xi32>
      %swap3A_76 = vector.shape_cast %add3A_72 : vector<16xi32> to vector<16xi32>
      tpu.vector_store %arg6[%swap3A_73], %swap3A_76 {strides = array<i32>} : memref<128xi32, #tpu.memory_space<vmem>>, vector<16xi32>,
      %iota3A_77 = tpu.iota {dimensions = array<i32: 0>} : vector<16xi32>
      %add3A_78 = arith.constant 96 : i32
      %add3A_79 = arith.addi %add3A_24, %add3A_78 : i32
      %add3A_80 = vector.broadcast %add3A_79 : i32 to vector<16xi32>
      %add3A_81 = arith.addi %iota3A_77, %add3A_80 : vector<16xi32>
      %swap3A_82 = arith.constant 96 : index
      %swap3A_83 = tpu.vector_load %arg6[%swap3A_82] {strides = array<i32>} : memref<128xi32, #tpu.memory_space<vmem>>, vector<16xi32>,
      %swap3A_84 = vector.shape_cast %swap3A_83 : vector<16xi32> to vector<16xi32>
      %swap3A_85 = vector.shape_cast %add3A_81 : vector<16xi32> to vector<16xi32>
      tpu.vector_store %arg6[%swap3A_82], %swap3A_85 {strides = array<i32>} : memref<128xi32, #tpu.memory_space<vmem>>, vector<16xi32>,
      %iota3A_86 = tpu.iota {dimensions = array<i32: 0>} : vector<16xi32>
      %add3A_87 = arith.constant 112 : i32
      %add3A_88 = arith.addi %add3A_24, %add3A_87 : i32
      %add3A_89 = vector.broadcast %add3A_88 : i32 to vector<16xi32>
      %add3A_90 = arith.addi %iota3A_86, %add3A_89 : vector<16xi32>
      %swap3A_91 = arith.constant 112 : index
      %swap3A_92 = tpu.vector_load %arg6[%swap3A_91] {strides = array<i32>} : memref<128xi32, #tpu.memory_space<vmem>>, vector<16xi32>,
      %swap3A_93 = vector.shape_cast %swap3A_92 : vector<16xi32> to vector<16xi32>
      %swap3A_94 = vector.shape_cast %add3A_90 : vector<16xi32> to vector<16xi32>
      tpu.vector_store %arg6[%swap3A_91], %swap3A_94 {strides = array<i32>} : memref<128xi32, #tpu.memory_space<vmem>>, vector<16xi32>,
      %dma_start3A = arith.constant 0 : i32
      %dma_start3A_95 = arith.constant 0 : i32
      %dma_start3A_96 = tpu.memref_slice %arg9[%dma_start3A, %dma_start3A_95] : memref<10240x128xf32, #tpu.memory_space<vmem_shared>> -> memref<10240x128xf32, #tpu.memory_space<vmem_shared>>
      tpu.enqueue_indirect_dma source(%dma_start3A_96 : memref<10240x128xf32, #tpu.memory_space<vmem_shared>>) target(%arg7 : memref<128x128xf32, #tpu.memory_space<vmem>>) offsets(%arg6 : memref<128xi32, #tpu.memory_space<vmem>>) semaphore(%arg10 : memref<!tpu.dma_semaphore, #tpu.memory_space<semaphore_mem>>)
      %dma_wait3A = arith.constant 0 : i32
      %dma_wait3A_97 = arith.constant 0 : i32
      %dma_wait3A_98 = tpu.memref_slice %arg9[%dma_wait3A, %dma_wait3A_97] : memref<10240x128xf32, #tpu.memory_space<vmem_shared>> -> memref<10240x128xf32, #tpu.memory_space<vmem_shared>>
      tpu.wait_indirect_dma semaphore(%arg10 : memref<!tpu.dma_semaphore, #tpu.memory_space<semaphore_mem>>) src(%dma_wait3A_98 : memref<10240x128xf32, #tpu.memory_space<vmem_shared>>) dst(%arg7 : memref<128x128xf32, #tpu.memory_space<vmem>>)
      "tpu.region"() ({
        %run_scoped3A = tpu.sem_alloc : memref<!tpu.dma_semaphore, #tpu.memory_space<semaphore_mem>>
        %dma_start3A_99 = arith.constant 0 : i32
        %dma_start3A_100 = tpu.memref_slice %arg5[%arg0, %add3A_24, %dma_start3A_99] : memref<2x10240x128xf32, #tpu.memory_space<hbm>> -> memref<1x128x128xf32, #tpu.memory_space<hbm>>
        %dma_start3A_101 = tpu.memref_squeeze %dma_start3A_100 : memref<1x128x128xf32, #tpu.memory_space<hbm>> -> memref<128x128xf32, #tpu.memory_space<hbm>>
        %dma_start3A_102 = arith.constant 0 : i32
        %dma_start3A_103 = tpu.memref_slice %arg5[%arg0, %add3A_24, %dma_start3A_102] : memref<2x10240x128xf32, #tpu.memory_space<hbm>> -> memref<1x128x128xf32, #tpu.memory_space<hbm>>
        %dma_start3A_104 = tpu.memref_squeeze %dma_start3A_103 : memref<1x128x128xf32, #tpu.memory_space<hbm>> -> memref<128x128xf32, #tpu.memory_space<hbm>>
        tpu.enqueue_dma source(%arg7 : memref<128x128xf32, #tpu.memory_space<vmem>>) target(%dma_start3A_104 : memref<128x128xf32, #tpu.memory_space<hbm>>) target_semaphore(%run_scoped3A : memref<!tpu.dma_semaphore, #tpu.memory_space<semaphore_mem>>)
        %dma_wait3A_105 = arith.constant 0 : i32
        %dma_wait3A_106 = tpu.memref_slice %arg5[%arg0, %add3A_24, %dma_wait3A_105] : memref<2x10240x128xf32, #tpu.memory_space<hbm>> -> memref<1x128x128xf32, #tpu.memory_space<hbm>>
        %dma_wait3A_107 = tpu.memref_squeeze %dma_wait3A_106 : memref<1x128x128xf32, #tpu.memory_space<hbm>> -> memref<128x128xf32, #tpu.memory_space<hbm>>
        %dma_wait3A_108 = arith.constant 0 : i32
        %dma_wait3A_109 = tpu.memref_slice %arg5[%arg0, %add3A_24, %dma_wait3A_108] : memref<2x10240x128xf32, #tpu.memory_space<hbm>> -> memref<1x128x128xf32, #tpu.memory_space<hbm>>
        %dma_wait3A_110 = tpu.memref_squeeze %dma_wait3A_109 : memref<1x128x128xf32, #tpu.memory_space<hbm>> -> memref<128x128xf32, #tpu.memory_space<hbm>>
        tpu.wait_dma2 semaphore(%run_scoped3A : memref<!tpu.dma_semaphore, #tpu.memory_space<semaphore_mem>>) src(%arg7 : memref<128x128xf32, #tpu.memory_space<vmem>>) dst(%dma_wait3A_110 : memref<128x128xf32, #tpu.memory_space<hbm>>)
        tpu.yield
      }) : () -> ()
    }
    %scan3A_20 = arith.constant 5 : i32
    return
  }
}

module attributes {stable_mosaic.version = 14 : i64} {
  func.func @_mlp1_body(%arg0: i32, %arg1: memref<2x1024x128xf32, #tpu.memory_space<vmem>>, %arg2: memref<2x1024x128xf32, #tpu.memory_space<vmem>>, %arg3: memref<1024x128xf32, #tpu.memory_space<vmem>>, %arg4: memref<128x128xf32, #tpu.memory_space<vmem>>, %arg5: memref<128x128xf32, #tpu.memory_space<vmem>>, %arg6: memref<128x128xf32, #tpu.memory_space<vmem>>, %arg7: memref<128x128xf32, #tpu.memory_space<vmem>>, %arg8: memref<1x128xf32, #tpu.memory_space<vmem>>, %arg9: memref<1x128xf32, #tpu.memory_space<vmem>>, %arg10: memref<1024x128xf32, #tpu.memory_space<vmem>>, %arg11: memref<1024x128xf32, #tpu.memory_space<vmem>>, %arg12: memref<1024x8xf32, #tpu.memory_space<vmem>>) attributes {dimension_semantics = [#tpu.dimension_semantics<arbitrary>], iteration_bounds = array<i64: 10>, scalar_prefetch = 0 : i64, scratch_operands = 0 : i64, tpu.core_type = #tpu.core_type<tc>, window_params = [{transform_indices = @transform_0, window_bounds = array<i64: 2, 1024, 128>}, {transform_indices = @transform_1, window_bounds = array<i64: 2, 1024, 128>}, {transform_indices = @transform_2, window_bounds = array<i64: 1024, 128>}, {pipeline_mode = #tpu.pipeline_mode<synchronous>, transform_indices = @transform_3, window_bounds = array<i64: 128, 128>}, {pipeline_mode = #tpu.pipeline_mode<synchronous>, transform_indices = @transform_4, window_bounds = array<i64: 128, 128>}, {pipeline_mode = #tpu.pipeline_mode<synchronous>, transform_indices = @transform_5, window_bounds = array<i64: 128, 128>}, {pipeline_mode = #tpu.pipeline_mode<synchronous>, transform_indices = @transform_6, window_bounds = array<i64: 128, 128>}, {pipeline_mode = #tpu.pipeline_mode<synchronous>, transform_indices = @transform_7, window_bounds = array<i64: 1, 128>}, {pipeline_mode = #tpu.pipeline_mode<synchronous>, transform_indices = @transform_8, window_bounds = array<i64: 1, 128>}, {transform_indices = @transform_9, window_bounds = array<i64: 1024, 128>}, {transform_indices = @transform_10, window_bounds = array<i64: 1024, 128>}, {transform_indices = @transform_11, window_bounds = array<i64: 1024, 8>}]} {
    %get3A = arith.constant 0 : index
    %get3A_0 = arith.constant 0 : index
    %get3A_1 = arith.constant 0 : index
    %get3A_2 = vector.load %arg2[%get3A, %get3A_0, %get3A_1] : memref<2x1024x128xf32, #tpu.memory_space<vmem>>, vector<1x1024x1xf32>
    %get3A_3 = vector.shape_cast %get3A_2 : vector<1x1024x1xf32> to vector<1024x1xf32>
    %get3A_4 = arith.constant 1 : index
    %get3A_5 = arith.constant 0 : index
    %get3A_6 = arith.constant 0 : index
    %get3A_7 = vector.load %arg2[%get3A_4, %get3A_5, %get3A_6] : memref<2x1024x128xf32, #tpu.memory_space<vmem>>, vector<1x1024x1xf32>
    %get3A_8 = vector.shape_cast %get3A_7 : vector<1x1024x1xf32> to vector<1024x1xf32>
    %add3A = arith.addf %get3A_3, %get3A_8 : vector<1024x1xf32>
    %max3A = arith.constant 1.000000e+00 : f32
    %max3A_9 = vector.broadcast %max3A : f32 to vector<1024x1xf32>
    %max3A_10 = arith.maximumf %add3A, %max3A_9 : vector<1024x1xf32>
    %div3A = arith.constant 1.000000e+00 : f32
    %div3A_11 = vector.broadcast %div3A : f32 to vector<1024x1xf32>
    %div3A_12 = arith.divf %div3A_11, %max3A_10 : vector<1024x1xf32>
    %get3A_13 = arith.constant 0 : index
    %get3A_14 = arith.constant 0 : index
    %get3A_15 = arith.constant 0 : index
    %get3A_16 = vector.load %arg1[%get3A_13, %get3A_14, %get3A_15] : memref<2x1024x128xf32, #tpu.memory_space<vmem>>, vector<1x1024x128xf32>
    %get3A_17 = vector.shape_cast %get3A_16 : vector<1x1024x128xf32> to vector<1024x128xf32>
    %get3A_18 = arith.constant 1 : index
    %get3A_19 = arith.constant 0 : index
    %get3A_20 = arith.constant 0 : index
    %get3A_21 = vector.load %arg1[%get3A_18, %get3A_19, %get3A_20] : memref<2x1024x128xf32, #tpu.memory_space<vmem>>, vector<1x1024x128xf32>
    %get3A_22 = vector.shape_cast %get3A_21 : vector<1x1024x128xf32> to vector<1024x128xf32>
    %add3A_23 = arith.addf %get3A_17, %get3A_22 : vector<1024x128xf32>
    %mul3A = vector.broadcast %div3A_12 : vector<1024x1xf32> to vector<1024x128xf32>
    %mul3A_24 = arith.mulf %add3A_23, %mul3A : vector<1024x128xf32>
    %get3A_25 = arith.constant 0 : index
    %get3A_26 = arith.constant 0 : index
    %get3A_27 = vector.load %arg3[%get3A_25, %get3A_26] : memref<1024x128xf32, #tpu.memory_space<vmem>>, vector<1024x128xf32>
    %broadcast_in_dim3A = vector.shape_cast %div3A_12 : vector<1024x1xf32> to vector<1024x1xf32>
    %broadcast_in_dim3A_28 = vector.broadcast %broadcast_in_dim3A : vector<1024x1xf32> to vector<1024x8xf32>
    %swap3A = arith.constant 0 : index
    %swap3A_29 = arith.constant 0 : index
    %swap3A_30 = vector.load %arg12[%swap3A, %swap3A_29] : memref<1024x8xf32, #tpu.memory_space<vmem>>, vector<1024x8xf32>
    tpu.vector_store %arg12[%swap3A, %swap3A_29], %broadcast_in_dim3A_28 {strides = array<i32>} : memref<1024x8xf32, #tpu.memory_space<vmem>>, vector<1024x8xf32>,
    %get3A_31 = arith.constant 0 : index
    %get3A_32 = arith.constant 0 : index
    %get3A_33 = vector.load %arg4[%get3A_31, %get3A_32] : memref<128x128xf32, #tpu.memory_space<vmem>>, vector<128x128xf32>
    %dot_general3A = arith.constant dense<0.000000e+00> : vector<1024x128xf32>
    %dot_general3A_34 = tpu.matmul %mul3A_24, %get3A_33, %dot_general3A {dimension_numbers = #tpu.dot_dimension_numbers<[1], [0], [0], [1], [0, 0, 1, 1], [], []>, transpose_lhs_hint = false} : vector<1024x128xf32>, vector<128x128xf32>, vector<1024x128xf32> -> vector<1024x128xf32>
    %get3A_35 = arith.constant 0 : index
    %get3A_36 = arith.constant 0 : index
    %get3A_37 = vector.load %arg6[%get3A_35, %get3A_36] : memref<128x128xf32, #tpu.memory_space<vmem>>, vector<128x128xf32>
    %dot_general3A_38 = arith.constant dense<0.000000e+00> : vector<1024x128xf32>
    %dot_general3A_39 = tpu.matmul %get3A_27, %get3A_37, %dot_general3A_38 {dimension_numbers = #tpu.dot_dimension_numbers<[1], [0], [0], [1], [0, 0, 1, 1], [], []>, transpose_lhs_hint = false} : vector<1024x128xf32>, vector<128x128xf32>, vector<1024x128xf32> -> vector<1024x128xf32>
    %add3A_40 = arith.addf %dot_general3A_34, %dot_general3A_39 : vector<1024x128xf32>
    %get3A_41 = arith.constant 0 : index
    %get3A_42 = arith.constant 0 : index
    %get3A_43 = vector.load %arg8[%get3A_41, %get3A_42] : memref<1x128xf32, #tpu.memory_space<vmem>>, vector<1x128xf32>
    %add3A_44 = vector.broadcast %get3A_43 : vector<1x128xf32> to vector<1024x128xf32>
    %add3A_45 = arith.addf %add3A_40, %add3A_44 : vector<1024x128xf32>
    %max3A_46 = arith.constant 0.000000e+00 : f32
    %max3A_47 = vector.broadcast %max3A_46 : f32 to vector<1024x128xf32>
    %max3A_48 = arith.maximumf %add3A_45, %max3A_47 : vector<1024x128xf32>
    %swap3A_49 = arith.constant 0 : index
    %swap3A_50 = arith.constant 0 : index
    %swap3A_51 = vector.load %arg10[%swap3A_49, %swap3A_50] : memref<1024x128xf32, #tpu.memory_space<vmem>>, vector<1024x128xf32>
    tpu.vector_store %arg10[%swap3A_49, %swap3A_50], %max3A_48 {strides = array<i32>} : memref<1024x128xf32, #tpu.memory_space<vmem>>, vector<1024x128xf32>,
    %get3A_52 = arith.constant 0 : index
    %get3A_53 = arith.constant 0 : index
    %get3A_54 = vector.load %arg5[%get3A_52, %get3A_53] : memref<128x128xf32, #tpu.memory_space<vmem>>, vector<128x128xf32>
    %dot_general3A_55 = arith.constant dense<0.000000e+00> : vector<1024x128xf32>
    %dot_general3A_56 = tpu.matmul %mul3A_24, %get3A_54, %dot_general3A_55 {dimension_numbers = #tpu.dot_dimension_numbers<[1], [0], [0], [1], [0, 0, 1, 1], [], []>, transpose_lhs_hint = false} : vector<1024x128xf32>, vector<128x128xf32>, vector<1024x128xf32> -> vector<1024x128xf32>
    %get3A_57 = arith.constant 0 : index
    %get3A_58 = arith.constant 0 : index
    %get3A_59 = vector.load %arg7[%get3A_57, %get3A_58] : memref<128x128xf32, #tpu.memory_space<vmem>>, vector<128x128xf32>
    %dot_general3A_60 = arith.constant dense<0.000000e+00> : vector<1024x128xf32>
    %dot_general3A_61 = tpu.matmul %get3A_27, %get3A_59, %dot_general3A_60 {dimension_numbers = #tpu.dot_dimension_numbers<[1], [0], [0], [1], [0, 0, 1, 1], [], []>, transpose_lhs_hint = false} : vector<1024x128xf32>, vector<128x128xf32>, vector<1024x128xf32> -> vector<1024x128xf32>
    %add3A_62 = arith.addf %dot_general3A_56, %dot_general3A_61 : vector<1024x128xf32>
    %get3A_63 = arith.constant 0 : index
    %get3A_64 = arith.constant 0 : index
    %get3A_65 = vector.load %arg9[%get3A_63, %get3A_64] : memref<1x128xf32, #tpu.memory_space<vmem>>, vector<1x128xf32>
    %add3A_66 = vector.broadcast %get3A_65 : vector<1x128xf32> to vector<1024x128xf32>
    %add3A_67 = arith.addf %add3A_62, %add3A_66 : vector<1024x128xf32>
    %max3A_68 = arith.constant 0.000000e+00 : f32
    %max3A_69 = vector.broadcast %max3A_68 : f32 to vector<1024x128xf32>
    %max3A_70 = arith.maximumf %add3A_67, %max3A_69 : vector<1024x128xf32>
    %swap3A_71 = arith.constant 0 : index
    %swap3A_72 = arith.constant 0 : index
    %swap3A_73 = vector.load %arg11[%swap3A_71, %swap3A_72] : memref<1024x128xf32, #tpu.memory_space<vmem>>, vector<1024x128xf32>
    tpu.vector_store %arg11[%swap3A_71, %swap3A_72], %max3A_70 {strides = array<i32>} : memref<1024x128xf32, #tpu.memory_space<vmem>>, vector<1024x128xf32>,
    return
  }
  func.func @transform_0(%arg0: i32) -> (i32, i32, i32) {
    %c0_i32 = arith.constant 0 : i32
    %c0_i32_0 = arith.constant 0 : i32
    %c0_i32_1 = arith.constant 0 : i32
    return %c0_i32, %arg0, %c0_i32_0 : i32, i32, i32
  }
  func.func @transform_1(%arg0: i32) -> (i32, i32, i32) {
    %c0_i32 = arith.constant 0 : i32
    %c0_i32_0 = arith.constant 0 : i32
    %c0_i32_1 = arith.constant 0 : i32
    return %c0_i32, %arg0, %c0_i32_0 : i32, i32, i32
  }
  func.func @transform_2(%arg0: i32) -> (i32, i32) {
    %c0_i32 = arith.constant 0 : i32
    %c0_i32_0 = arith.constant 0 : i32
    return %arg0, %c0_i32 : i32, i32
  }
  func.func @transform_3(%arg0: i32) -> (i32, i32) {
    %c0_i32 = arith.constant 0 : i32
    %c0_i32_0 = arith.constant 0 : i32
    %c0_i32_1 = arith.constant 0 : i32
    return %c0_i32, %c0_i32_0 : i32, i32
  }
  func.func @transform_4(%arg0: i32) -> (i32, i32) {
    %c0_i32 = arith.constant 0 : i32
    %c0_i32_0 = arith.constant 0 : i32
    %c0_i32_1 = arith.constant 0 : i32
    return %c0_i32, %c0_i32_0 : i32, i32
  }
  func.func @transform_5(%arg0: i32) -> (i32, i32) {
    %c0_i32 = arith.constant 0 : i32
    %c0_i32_0 = arith.constant 0 : i32
    %c0_i32_1 = arith.constant 0 : i32
    return %c0_i32, %c0_i32_0 : i32, i32
  }
  func.func @transform_6(%arg0: i32) -> (i32, i32) {
    %c0_i32 = arith.constant 0 : i32
    %c0_i32_0 = arith.constant 0 : i32
    %c0_i32_1 = arith.constant 0 : i32
    return %c0_i32, %c0_i32_0 : i32, i32
  }
  func.func @transform_7(%arg0: i32) -> (i32, i32) {
    %c0_i32 = arith.constant 0 : i32
    %c0_i32_0 = arith.constant 0 : i32
    %c0_i32_1 = arith.constant 0 : i32
    return %c0_i32, %c0_i32_0 : i32, i32
  }
  func.func @transform_8(%arg0: i32) -> (i32, i32) {
    %c0_i32 = arith.constant 0 : i32
    %c0_i32_0 = arith.constant 0 : i32
    %c0_i32_1 = arith.constant 0 : i32
    return %c0_i32, %c0_i32_0 : i32, i32
  }
  func.func @transform_9(%arg0: i32) -> (i32, i32) {
    %c0_i32 = arith.constant 0 : i32
    %c0_i32_0 = arith.constant 0 : i32
    return %arg0, %c0_i32 : i32, i32
  }
  func.func @transform_10(%arg0: i32) -> (i32, i32) {
    %c0_i32 = arith.constant 0 : i32
    %c0_i32_0 = arith.constant 0 : i32
    return %arg0, %c0_i32 : i32, i32
  }
  func.func @transform_11(%arg0: i32) -> (i32, i32) {
    %c0_i32 = arith.constant 0 : i32
    %c0_i32_0 = arith.constant 0 : i32
    return %arg0, %c0_i32 : i32, i32
  }
}

module attributes {stable_mosaic.version = 14 : i64} {
  func.func @_head_body(%arg0: memref<10240x128xf32, #tpu.memory_space<vmem>>, %arg1: memref<1x128xf32, #tpu.memory_space<vmem>>, %arg2: memref<1x128xf32, #tpu.memory_space<vmem>>, %arg3: memref<128x64xf32, #tpu.memory_space<vmem>>, %arg4: memref<1x64xf32, #tpu.memory_space<vmem>>, %arg5: memref<1x64xf32, #tpu.memory_space<vmem>>, %arg6: memref<1x64xf32, #tpu.memory_space<vmem>>, %arg7: memref<64x8xf32, #tpu.memory_space<vmem>>, %arg8: memref<1x8xf32, #tpu.memory_space<vmem>>, %arg9: memref<10240x8xf32, #tpu.memory_space<vmem>>) attributes {dimension_semantics = [], scalar_prefetch = 0 : i64, scratch_operands = 0 : i64, tpu.core_type = #tpu.core_type<tc>} {
    %get3A = arith.constant 0 : index
    %get3A_0 = arith.constant 0 : index
    %get3A_1 = vector.load %arg0[%get3A, %get3A_0] : memref<10240x128xf32, #tpu.memory_space<vmem>>, vector<10240x128xf32>
    %iota3A = tpu.iota {dimensions = array<i32: 0>} : vector<10240x1xi32>
    %lt3A = arith.constant 10000 : i32
    %lt3A_2 = vector.broadcast %lt3A : i32 to vector<10240x1xi32>
    %lt3A_3 = arith.cmpi slt, %iota3A, %lt3A_2 : vector<10240x1xi32>
    %convert_element_type3A = arith.extui %lt3A_3 : vector<10240x1xi1> to vector<10240x1xi32>
    %convert_element_type3A_4 = arith.sitofp %convert_element_type3A : vector<10240x1xi32> to vector<10240x1xf32>
    %mul3A = vector.broadcast %convert_element_type3A_4 : vector<10240x1xf32> to vector<10240x128xf32>
    %mul3A_5 = arith.mulf %get3A_1, %mul3A : vector<10240x128xf32>
    %reduce_sum3A = arith.constant dense<0.000000e+00> : vector<128xf32>
    %reduce_sum3A_6 = vector.multi_reduction <add>, %mul3A_5, %reduce_sum3A [0] : vector<10240x128xf32> to vector<128xf32>
    %broadcast_in_dim3A = vector.shape_cast %reduce_sum3A_6 : vector<128xf32> to vector<1x128xf32>
    %mul3A_7 = arith.constant 9.99999974E-5 : f32
    %mul3A_8 = vector.broadcast %mul3A_7 : f32 to vector<1x128xf32>
    %mul3A_9 = arith.mulf %broadcast_in_dim3A, %mul3A_8 : vector<1x128xf32>
    %sub3A = vector.broadcast %mul3A_9 : vector<1x128xf32> to vector<10240x128xf32>
    %sub3A_10 = arith.subf %get3A_1, %sub3A : vector<10240x128xf32>
    %mul3A_11 = vector.broadcast %convert_element_type3A_4 : vector<10240x1xf32> to vector<10240x128xf32>
    %mul3A_12 = arith.mulf %sub3A_10, %mul3A_11 : vector<10240x128xf32>
    %mul3A_13 = arith.mulf %mul3A_12, %mul3A_12 : vector<10240x128xf32>
    %reduce_sum3A_14 = arith.constant dense<0.000000e+00> : vector<128xf32>
    %reduce_sum3A_15 = vector.multi_reduction <add>, %mul3A_13, %reduce_sum3A_14 [0] : vector<10240x128xf32> to vector<128xf32>
    %broadcast_in_dim3A_16 = vector.shape_cast %reduce_sum3A_15 : vector<128xf32> to vector<1x128xf32>
    %mul3A_17 = arith.constant 9.99999974E-5 : f32
    %mul3A_18 = vector.broadcast %mul3A_17 : f32 to vector<1x128xf32>
    %mul3A_19 = arith.mulf %broadcast_in_dim3A_16, %mul3A_18 : vector<1x128xf32>
    %get3A_20 = arith.constant 0 : index
    %get3A_21 = arith.constant 0 : index
    %get3A_22 = vector.load %arg1[%get3A_20, %get3A_21] : memref<1x128xf32, #tpu.memory_space<vmem>>, vector<1x128xf32>
    %sub3A_23 = vector.broadcast %mul3A_9 : vector<1x128xf32> to vector<10240x128xf32>
    %sub3A_24 = arith.subf %get3A_1, %sub3A_23 : vector<10240x128xf32>
    %mul3A_25 = vector.broadcast %get3A_22 : vector<1x128xf32> to vector<10240x128xf32>
    %mul3A_26 = arith.mulf %mul3A_25, %sub3A_24 : vector<10240x128xf32>
    %add3A = arith.constant 9.99999974E-6 : f32
    %add3A_27 = vector.broadcast %add3A : f32 to vector<1x128xf32>
    %add3A_28 = arith.addf %mul3A_19, %add3A_27 : vector<1x128xf32>
    %rsqrt3A = math.rsqrt %add3A_28 : vector<1x128xf32>
    %mul3A_29 = vector.broadcast %rsqrt3A : vector<1x128xf32> to vector<10240x128xf32>
    %mul3A_30 = arith.mulf %mul3A_26, %mul3A_29 : vector<10240x128xf32>
    %get3A_31 = arith.constant 0 : index
    %get3A_32 = arith.constant 0 : index
    %get3A_33 = vector.load %arg2[%get3A_31, %get3A_32] : memref<1x128xf32, #tpu.memory_space<vmem>>, vector<1x128xf32>
    %add3A_34 = vector.broadcast %get3A_33 : vector<1x128xf32> to vector<10240x128xf32>
    %add3A_35 = arith.addf %mul3A_30, %add3A_34 : vector<10240x128xf32>
    %max3A = arith.constant 0.000000e+00 : f32
    %max3A_36 = vector.broadcast %max3A : f32 to vector<10240x128xf32>
    %max3A_37 = arith.maximumf %add3A_35, %max3A_36 : vector<10240x128xf32>
    %get3A_38 = arith.constant 0 : index
    %get3A_39 = arith.constant 0 : index
    %get3A_40 = vector.load %arg3[%get3A_38, %get3A_39] : memref<128x64xf32, #tpu.memory_space<vmem>>, vector<128x64xf32>
    %dot_general3A = arith.constant dense<0.000000e+00> : vector<10240x64xf32>
    %dot_general3A_41 = tpu.matmul %max3A_37, %get3A_40, %dot_general3A {dimension_numbers = #tpu.dot_dimension_numbers<[1], [0], [0], [1], [0, 0, 1, 1], [], []>, transpose_lhs_hint = false} : vector<10240x128xf32>, vector<128x64xf32>, vector<10240x64xf32> -> vector<10240x64xf32>
    %get3A_42 = arith.constant 0 : index
    %get3A_43 = arith.constant 0 : index
    %get3A_44 = vector.load %arg4[%get3A_42, %get3A_43] : memref<1x64xf32, #tpu.memory_space<vmem>>, vector<1x64xf32>
    %add3A_45 = vector.broadcast %get3A_44 : vector<1x64xf32> to vector<10240x64xf32>
    %add3A_46 = arith.addf %dot_general3A_41, %add3A_45 : vector<10240x64xf32>
    %mul3A_47 = vector.broadcast %convert_element_type3A_4 : vector<10240x1xf32> to vector<10240x64xf32>
    %mul3A_48 = arith.mulf %add3A_46, %mul3A_47 : vector<10240x64xf32>
    %reduce_sum3A_49 = arith.constant dense<0.000000e+00> : vector<64xf32>
    %reduce_sum3A_50 = vector.multi_reduction <add>, %mul3A_48, %reduce_sum3A_49 [0] : vector<10240x64xf32> to vector<64xf32>
    %broadcast_in_dim3A_51 = vector.shape_cast %reduce_sum3A_50 : vector<64xf32> to vector<1x64xf32>
    %mul3A_52 = arith.constant 9.99999974E-5 : f32
    %mul3A_53 = vector.broadcast %mul3A_52 : f32 to vector<1x64xf32>
    %mul3A_54 = arith.mulf %broadcast_in_dim3A_51, %mul3A_53 : vector<1x64xf32>
    %sub3A_55 = vector.broadcast %mul3A_54 : vector<1x64xf32> to vector<10240x64xf32>
    %sub3A_56 = arith.subf %add3A_46, %sub3A_55 : vector<10240x64xf32>
    %mul3A_57 = vector.broadcast %convert_element_type3A_4 : vector<10240x1xf32> to vector<10240x64xf32>
    %mul3A_58 = arith.mulf %sub3A_56, %mul3A_57 : vector<10240x64xf32>
    %mul3A_59 = arith.mulf %mul3A_58, %mul3A_58 : vector<10240x64xf32>
    %reduce_sum3A_60 = arith.constant dense<0.000000e+00> : vector<64xf32>
    %reduce_sum3A_61 = vector.multi_reduction <add>, %mul3A_59, %reduce_sum3A_60 [0] : vector<10240x64xf32> to vector<64xf32>
    %broadcast_in_dim3A_62 = vector.shape_cast %reduce_sum3A_61 : vector<64xf32> to vector<1x64xf32>
    %mul3A_63 = arith.constant 9.99999974E-5 : f32
    %mul3A_64 = vector.broadcast %mul3A_63 : f32 to vector<1x64xf32>
    %mul3A_65 = arith.mulf %broadcast_in_dim3A_62, %mul3A_64 : vector<1x64xf32>
    %get3A_66 = arith.constant 0 : index
    %get3A_67 = arith.constant 0 : index
    %get3A_68 = vector.load %arg5[%get3A_66, %get3A_67] : memref<1x64xf32, #tpu.memory_space<vmem>>, vector<1x64xf32>
    %sub3A_69 = vector.broadcast %mul3A_54 : vector<1x64xf32> to vector<10240x64xf32>
    %sub3A_70 = arith.subf %add3A_46, %sub3A_69 : vector<10240x64xf32>
    %mul3A_71 = vector.broadcast %get3A_68 : vector<1x64xf32> to vector<10240x64xf32>
    %mul3A_72 = arith.mulf %mul3A_71, %sub3A_70 : vector<10240x64xf32>
    %add3A_73 = arith.constant 9.99999974E-6 : f32
    %add3A_74 = vector.broadcast %add3A_73 : f32 to vector<1x64xf32>
    %add3A_75 = arith.addf %mul3A_65, %add3A_74 : vector<1x64xf32>
    %rsqrt3A_76 = math.rsqrt %add3A_75 : vector<1x64xf32>
    %mul3A_77 = vector.broadcast %rsqrt3A_76 : vector<1x64xf32> to vector<10240x64xf32>
    %mul3A_78 = arith.mulf %mul3A_72, %mul3A_77 : vector<10240x64xf32>
    %get3A_79 = arith.constant 0 : index
    %get3A_80 = arith.constant 0 : index
    %get3A_81 = vector.load %arg6[%get3A_79, %get3A_80] : memref<1x64xf32, #tpu.memory_space<vmem>>, vector<1x64xf32>
    %add3A_82 = vector.broadcast %get3A_81 : vector<1x64xf32> to vector<10240x64xf32>
    %add3A_83 = arith.addf %mul3A_78, %add3A_82 : vector<10240x64xf32>
    %max3A_84 = arith.constant 0.000000e+00 : f32
    %max3A_85 = vector.broadcast %max3A_84 : f32 to vector<10240x64xf32>
    %max3A_86 = arith.maximumf %add3A_83, %max3A_85 : vector<10240x64xf32>
    %get3A_87 = arith.constant 0 : index
    %get3A_88 = arith.constant 0 : index
    %get3A_89 = vector.load %arg7[%get3A_87, %get3A_88] : memref<64x8xf32, #tpu.memory_space<vmem>>, vector<64x8xf32>
    %dot_general3A_90 = arith.constant dense<0.000000e+00> : vector<10240x8xf32>
    %dot_general3A_91 = tpu.matmul %max3A_86, %get3A_89, %dot_general3A_90 {dimension_numbers = #tpu.dot_dimension_numbers<[1], [0], [0], [1], [0, 0, 1, 1], [], []>, transpose_lhs_hint = false} : vector<10240x64xf32>, vector<64x8xf32>, vector<10240x8xf32> -> vector<10240x8xf32>
    %get3A_92 = arith.constant 0 : index
    %get3A_93 = arith.constant 0 : index
    %get3A_94 = vector.load %arg8[%get3A_92, %get3A_93] : memref<1x8xf32, #tpu.memory_space<vmem>>, vector<1x8xf32>
    %add3A_95 = vector.broadcast %get3A_94 : vector<1x8xf32> to vector<10240x8xf32>
    %add3A_96 = arith.addf %dot_general3A_91, %add3A_95 : vector<10240x8xf32>
    %swap3A = arith.constant 0 : index
    %swap3A_97 = arith.constant 0 : index
    %swap3A_98 = vector.load %arg9[%swap3A, %swap3A_97] : memref<10240x8xf32, #tpu.memory_space<vmem>>, vector<10240x8xf32>
    tpu.vector_store %arg9[%swap3A, %swap3A_97], %add3A_96 {strides = array<i32>} : memref<10240x8xf32, #tpu.memory_space<vmem>>, vector<10240x8xf32>,
    return
  }
}

module attributes {stable_mosaic.version = 14 : i64} {
  func.func @_mlp2_body(%arg0: i32, %arg1: memref<2x1024x128xf32, #tpu.memory_space<vmem>>, %arg2: memref<1024x8xf32, #tpu.memory_space<vmem>>, %arg3: memref<1024x128xf32, #tpu.memory_space<vmem>>, %arg4: memref<1024x128xf32, #tpu.memory_space<vmem>>, %arg5: memref<128x256xf32, #tpu.memory_space<vmem>>, %arg6: memref<128x256xf32, #tpu.memory_space<vmem>>, %arg7: memref<128x256xf32, #tpu.memory_space<vmem>>, %arg8: memref<128x256xf32, #tpu.memory_space<vmem>>, %arg9: memref<1x256xf32, #tpu.memory_space<vmem>>, %arg10: memref<256x128xf32, #tpu.memory_space<vmem>>, %arg11: memref<1x128xf32, #tpu.memory_space<vmem>>, %arg12: memref<1024x128xf32, #tpu.memory_space<vmem>>) attributes {dimension_semantics = [#tpu.dimension_semantics<arbitrary>], iteration_bounds = array<i64: 10>, scalar_prefetch = 0 : i64, scratch_operands = 0 : i64, tpu.core_type = #tpu.core_type<tc>, window_params = [{transform_indices = @transform_0, window_bounds = array<i64: 2, 1024, 128>}, {transform_indices = @transform_1, window_bounds = array<i64: 1024, 8>}, {transform_indices = @transform_2, window_bounds = array<i64: 1024, 128>}, {transform_indices = @transform_3, window_bounds = array<i64: 1024, 128>}, {pipeline_mode = #tpu.pipeline_mode<synchronous>, transform_indices = @transform_4, window_bounds = array<i64: 128, 256>}, {pipeline_mode = #tpu.pipeline_mode<synchronous>, transform_indices = @transform_5, window_bounds = array<i64: 128, 256>}, {pipeline_mode = #tpu.pipeline_mode<synchronous>, transform_indices = @transform_6, window_bounds = array<i64: 128, 256>}, {pipeline_mode = #tpu.pipeline_mode<synchronous>, transform_indices = @transform_7, window_bounds = array<i64: 128, 256>}, {pipeline_mode = #tpu.pipeline_mode<synchronous>, transform_indices = @transform_8, window_bounds = array<i64: 1, 256>}, {pipeline_mode = #tpu.pipeline_mode<synchronous>, transform_indices = @transform_9, window_bounds = array<i64: 256, 128>}, {pipeline_mode = #tpu.pipeline_mode<synchronous>, transform_indices = @transform_10, window_bounds = array<i64: 1, 128>}, {transform_indices = @transform_11, window_bounds = array<i64: 1024, 128>}]} {
    %get3A = arith.constant 0 : index
    %get3A_0 = arith.constant 0 : index
    %get3A_1 = vector.load %arg2[%get3A, %get3A_0] : memref<1024x8xf32, #tpu.memory_space<vmem>>, vector<1024x1xf32>
    %get3A_2 = arith.constant 0 : index
    %get3A_3 = arith.constant 0 : index
    %get3A_4 = arith.constant 0 : index
    %get3A_5 = vector.load %arg1[%get3A_2, %get3A_3, %get3A_4] : memref<2x1024x128xf32, #tpu.memory_space<vmem>>, vector<1x1024x128xf32>
    %get3A_6 = vector.shape_cast %get3A_5 : vector<1x1024x128xf32> to vector<1024x128xf32>
    %mul3A = vector.broadcast %get3A_1 : vector<1024x1xf32> to vector<1024x128xf32>
    %mul3A_7 = arith.mulf %get3A_6, %mul3A : vector<1024x128xf32>
    %get3A_8 = arith.constant 1 : index
    %get3A_9 = arith.constant 0 : index
    %get3A_10 = arith.constant 0 : index
    %get3A_11 = vector.load %arg1[%get3A_8, %get3A_9, %get3A_10] : memref<2x1024x128xf32, #tpu.memory_space<vmem>>, vector<1x1024x128xf32>
    %get3A_12 = vector.shape_cast %get3A_11 : vector<1x1024x128xf32> to vector<1024x128xf32>
    %mul3A_13 = vector.broadcast %get3A_1 : vector<1024x1xf32> to vector<1024x128xf32>
    %mul3A_14 = arith.mulf %get3A_12, %mul3A_13 : vector<1024x128xf32>
    %get3A_15 = arith.constant 0 : index
    %get3A_16 = arith.constant 0 : index
    %get3A_17 = vector.load %arg5[%get3A_15, %get3A_16] : memref<128x256xf32, #tpu.memory_space<vmem>>, vector<128x256xf32>
    %dot_general3A = arith.constant dense<0.000000e+00> : vector<1024x256xf32>
    %dot_general3A_18 = tpu.matmul %mul3A_7, %get3A_17, %dot_general3A {dimension_numbers = #tpu.dot_dimension_numbers<[1], [0], [0], [1], [0, 0, 1, 1], [], []>, transpose_lhs_hint = false} : vector<1024x128xf32>, vector<128x256xf32>, vector<1024x256xf32> -> vector<1024x256xf32>
    %get3A_19 = arith.constant 0 : index
    %get3A_20 = arith.constant 0 : index
    %get3A_21 = vector.load %arg6[%get3A_19, %get3A_20] : memref<128x256xf32, #tpu.memory_space<vmem>>, vector<128x256xf32>
    %dot_general3A_22 = arith.constant dense<0.000000e+00> : vector<1024x256xf32>
    %dot_general3A_23 = tpu.matmul %mul3A_14, %get3A_21, %dot_general3A_22 {dimension_numbers = #tpu.dot_dimension_numbers<[1], [0], [0], [1], [0, 0, 1, 1], [], []>, transpose_lhs_hint = false} : vector<1024x128xf32>, vector<128x256xf32>, vector<1024x256xf32> -> vector<1024x256xf32>
    %add3A = arith.addf %dot_general3A_18, %dot_general3A_23 : vector<1024x256xf32>
    %get3A_24 = arith.constant 0 : index
    %get3A_25 = arith.constant 0 : index
    %get3A_26 = vector.load %arg3[%get3A_24, %get3A_25] : memref<1024x128xf32, #tpu.memory_space<vmem>>, vector<1024x128xf32>
    %get3A_27 = arith.constant 0 : index
    %get3A_28 = arith.constant 0 : index
    %get3A_29 = vector.load %arg7[%get3A_27, %get3A_28] : memref<128x256xf32, #tpu.memory_space<vmem>>, vector<128x256xf32>
    %dot_general3A_30 = arith.constant dense<0.000000e+00> : vector<1024x256xf32>
    %dot_general3A_31 = tpu.matmul %get3A_26, %get3A_29, %dot_general3A_30 {dimension_numbers = #tpu.dot_dimension_numbers<[1], [0], [0], [1], [0, 0, 1, 1], [], []>, transpose_lhs_hint = false} : vector<1024x128xf32>, vector<128x256xf32>, vector<1024x256xf32> -> vector<1024x256xf32>
    %add3A_32 = arith.addf %add3A, %dot_general3A_31 : vector<1024x256xf32>
    %get3A_33 = arith.constant 0 : index
    %get3A_34 = arith.constant 0 : index
    %get3A_35 = vector.load %arg4[%get3A_33, %get3A_34] : memref<1024x128xf32, #tpu.memory_space<vmem>>, vector<1024x128xf32>
    %get3A_36 = arith.constant 0 : index
    %get3A_37 = arith.constant 0 : index
    %get3A_38 = vector.load %arg8[%get3A_36, %get3A_37] : memref<128x256xf32, #tpu.memory_space<vmem>>, vector<128x256xf32>
    %dot_general3A_39 = arith.constant dense<0.000000e+00> : vector<1024x256xf32>
    %dot_general3A_40 = tpu.matmul %get3A_35, %get3A_38, %dot_general3A_39 {dimension_numbers = #tpu.dot_dimension_numbers<[1], [0], [0], [1], [0, 0, 1, 1], [], []>, transpose_lhs_hint = false} : vector<1024x128xf32>, vector<128x256xf32>, vector<1024x256xf32> -> vector<1024x256xf32>
    %add3A_41 = arith.addf %add3A_32, %dot_general3A_40 : vector<1024x256xf32>
    %get3A_42 = arith.constant 0 : index
    %get3A_43 = arith.constant 0 : index
    %get3A_44 = vector.load %arg9[%get3A_42, %get3A_43] : memref<1x256xf32, #tpu.memory_space<vmem>>, vector<1x256xf32>
    %add3A_45 = vector.broadcast %get3A_44 : vector<1x256xf32> to vector<1024x256xf32>
    %add3A_46 = arith.addf %add3A_41, %add3A_45 : vector<1024x256xf32>
    %max3A = arith.constant 0.000000e+00 : f32
    %max3A_47 = vector.broadcast %max3A : f32 to vector<1024x256xf32>
    %max3A_48 = arith.maximumf %add3A_46, %max3A_47 : vector<1024x256xf32>
    %get3A_49 = arith.constant 0 : index
    %get3A_50 = arith.constant 0 : index
    %get3A_51 = vector.load %arg10[%get3A_49, %get3A_50] : memref<256x128xf32, #tpu.memory_space<vmem>>, vector<256x128xf32>
    %dot_general3A_52 = arith.constant dense<0.000000e+00> : vector<1024x128xf32>
    %dot_general3A_53 = tpu.matmul %max3A_48, %get3A_51, %dot_general3A_52 {dimension_numbers = #tpu.dot_dimension_numbers<[1], [0], [0], [1], [0, 0, 1, 1], [], []>, transpose_lhs_hint = false} : vector<1024x256xf32>, vector<256x128xf32>, vector<1024x128xf32> -> vector<1024x128xf32>
    %get3A_54 = arith.constant 0 : index
    %get3A_55 = arith.constant 0 : index
    %get3A_56 = vector.load %arg11[%get3A_54, %get3A_55] : memref<1x128xf32, #tpu.memory_space<vmem>>, vector<1x128xf32>
    %add3A_57 = vector.broadcast %get3A_56 : vector<1x128xf32> to vector<1024x128xf32>
    %add3A_58 = arith.addf %dot_general3A_53, %add3A_57 : vector<1024x128xf32>
    %swap3A = arith.constant 0 : index
    %swap3A_59 = arith.constant 0 : index
    %swap3A_60 = vector.load %arg12[%swap3A, %swap3A_59] : memref<1024x128xf32, #tpu.memory_space<vmem>>, vector<1024x128xf32>
    tpu.vector_store %arg12[%swap3A, %swap3A_59], %add3A_58 {strides = array<i32>} : memref<1024x128xf32, #tpu.memory_space<vmem>>, vector<1024x128xf32>,
    return
  }
  func.func @transform_0(%arg0: i32) -> (i32, i32, i32) {
    %c0_i32 = arith.constant 0 : i32
    %c0_i32_0 = arith.constant 0 : i32
    %c0_i32_1 = arith.constant 0 : i32
    return %c0_i32, %arg0, %c0_i32_0 : i32, i32, i32
  }
  func.func @transform_1(%arg0: i32) -> (i32, i32) {
    %c0_i32 = arith.constant 0 : i32
    %c0_i32_0 = arith.constant 0 : i32
    return %arg0, %c0_i32 : i32, i32
  }
  func.func @transform_2(%arg0: i32) -> (i32, i32) {
    %c0_i32 = arith.constant 0 : i32
    %c0_i32_0 = arith.constant 0 : i32
    return %arg0, %c0_i32 : i32, i32
  }
  func.func @transform_3(%arg0: i32) -> (i32, i32) {
    %c0_i32 = arith.constant 0 : i32
    %c0_i32_0 = arith.constant 0 : i32
    return %arg0, %c0_i32 : i32, i32
  }
  func.func @transform_4(%arg0: i32) -> (i32, i32) {
    %c0_i32 = arith.constant 0 : i32
    %c0_i32_0 = arith.constant 0 : i32
    %c0_i32_1 = arith.constant 0 : i32
    return %c0_i32, %c0_i32_0 : i32, i32
  }
  func.func @transform_5(%arg0: i32) -> (i32, i32) {
    %c0_i32 = arith.constant 0 : i32
    %c0_i32_0 = arith.constant 0 : i32
    %c0_i32_1 = arith.constant 0 : i32
    return %c0_i32, %c0_i32_0 : i32, i32
  }
  func.func @transform_6(%arg0: i32) -> (i32, i32) {
    %c0_i32 = arith.constant 0 : i32
    %c0_i32_0 = arith.constant 0 : i32
    %c0_i32_1 = arith.constant 0 : i32
    return %c0_i32, %c0_i32_0 : i32, i32
  }
  func.func @transform_7(%arg0: i32) -> (i32, i32) {
    %c0_i32 = arith.constant 0 : i32
    %c0_i32_0 = arith.constant 0 : i32
    %c0_i32_1 = arith.constant 0 : i32
    return %c0_i32, %c0_i32_0 : i32, i32
  }
  func.func @transform_8(%arg0: i32) -> (i32, i32) {
    %c0_i32 = arith.constant 0 : i32
    %c0_i32_0 = arith.constant 0 : i32
    %c0_i32_1 = arith.constant 0 : i32
    return %c0_i32, %c0_i32_0 : i32, i32
  }
  func.func @transform_9(%arg0: i32) -> (i32, i32) {
    %c0_i32 = arith.constant 0 : i32
    %c0_i32_0 = arith.constant 0 : i32
    %c0_i32_1 = arith.constant 0 : i32
    return %c0_i32, %c0_i32_0 : i32, i32
  }
  func.func @transform_10(%arg0: i32) -> (i32, i32) {
    %c0_i32 = arith.constant 0 : i32
    %c0_i32_0 = arith.constant 0 : i32
    %c0_i32_1 = arith.constant 0 : i32
    return %c0_i32, %c0_i32_0 : i32, i32
  }
  func.func @transform_11(%arg0: i32) -> (i32, i32) {
    %c0_i32 = arith.constant 0 : i32
    %c0_i32_0 = arith.constant 0 : i32
    return %arg0, %c0_i32 : i32, i32
  }
}

</mosaic_0001>

<sc_bundles>
// kernel: kernel.11.cloned.1.call-start
scs
__scs_entry_jumppad:
0x0: {  	(pc) =	sbr.rel $0x88, $3  }
0x1: {  	(tag) =	ssettag $0x0;
	lr =	simm.s32 $0x1  }
0x2: {  	[smem:$0x3F8F] =	sst lr;
	_ =	strace $0xD0000000  }
0x3: {  	_ = 	snop  }
0x4: {  	_ = 	snop  }
0x5: {  	_ = 	snop  }
0x6: {  	_ = 	snop  }
0x7: {  	_ = 	snop  }
__scs_overlays_trampoline_lowered:
0x8: {  	[smem:$0x3F9E] =	sst s0  }
0x9: {  	[smem:$0x3F9F] =	sst s1  }
0xa: {  	[smem:$0x3FA0] =	sst s2  }
0xb: {  	[smem:$0x3FA1] =	sst s3  }
0xc: {  	[smem:$0x3FA2] =	sst s4  }
0xd: {  	[smem:$0x3FA3] =	sst s5  }
0xe: {  	[smem:$0x3FA4] =	sst s6  }
0xf: {  	[smem:$0x3FA5] =	sst s7  }
0x10: {  	[smem:$0x3FA6] =	sst s8  }
0x11: {  	[smem:$0x3FA7] =	sst s9;
	s0 =	simm.s32 @!p0 $0x0  }
0x12: {  	s1 =	sld [smem:$0x3F8D];
	s0 =	simm.s32 @p0 $0x1  }
0x13: {  	[smem:$0x3FA8] =	sst s0;
	s0 =	simm.s32 @!p1 $0x0  }
0x14: {  	s2 =	sld [smem:$0x3F8C];
	s0 =	simm.s32 @p1 $0x1  }
0x15: {  	[smem:$0x3FA9] =	sst s0;
	s0 =	simm.s32 @!p2 $0x0  }
0x16: {  	s3 =	sld [smem:$0x3FDB];
	s0 =	simm.s32 @p2 $0x1  }
0x17: {  	s4 =	simm.s32 $0x1BF5;
	[smem:$0x3FAB] =	sst s0  }
0x18: {  	s0 =	sld [smem:$0x3F8E];
	_ =	swait.ge [sflag:s4], $0x0  }
0x19: {  	s7 =	sld [smem:$0x3F8F]  }
0x1a: {  	s8 =	sadd.s32 $0xFFFFE003, lr  }
0x1b: {  	s9 =	sadd.s32 $0xFFFFFEF7, lr;
	s5 =	simm.s32 $0xFFFFFFFF;
	p2 =	slt.u32 s8, $0xFFFFF086  }
0x1c: {  	p1 =	slt.u32 s9, $0xF7A;
	s5 =	simm.s32 @!p2 $0x0  }
0x1d: {  	s5 =	simm.s32 @p1 $0x1;
	p0 =	seq.s32 s7, s2  }
0x1e: {  	s7 =	smul.u32 @!p0 $0xF7A, s2;
	p2 =	seq.s32 @!p0 s5, $0x0  }
0x1f: {  	s9 =	smul.u32 $0xF7A, s1;
	s8 =	simm.s32 @!p0 $0x1BF5;
	p2 =	por !p2, p0  }
0x20: {  	[sflag:s8] =	ssyncset.s32 @!p0 $0xFFFFF086;
	s6 =	sadd.s32 @!p0 s3, s7;
	s7 =	simm.s32 @!p0 $0x108  }
0x21: {  	s3 =	sadd.s32 s3, s9;
	s6 =	sadd.s32 @!p0 $0x88, s6;
	s7 =	simm.s32 @p2 $0x1082  }
0x22: {  	[simem:s7], [sflag:s8] =	dma.local @!p0 [hbm:s6], $0xF7A  }
0x23: {  	s9 =	sor.u32 $0xD0000000, s2;
	s6 =	simm.s32 $0x108;
	_ =	swait.ge @!p0 [sflag:s8], $0x0  }
0x24: {  	s3 =	sadd.s32 $0x88, s3;
	s6 =	simm.s32 @!p1 $0x1082;
	[sflag:s4] =	ssyncset.s32 $0xFFFFF086  }
0x25: {  	[simem:s6], [sflag:s4] =	dma.local [hbm:s3], $0xF7A  }
0x26: {  	[smem:$0x3F8F] =	sst s1;
	(tag) =	ssettag s2;
	_ =	strace s9  }
0x27: {  	s1 =	sld [smem:$0x3F9F]  }
0x28: {  	s2 =	sld [smem:$0x3FA0]  }
0x29: {  	s4 =	sld [smem:$0x3FA2]  }
0x2a: {  	p0 =	seq.s32 s5, $0x0;
	s5 =	sld [smem:$0x3FA3]  }
0x2b: {  	s6 =	sld [smem:$0x3FA4]  }
0x2c: {  	s7 =	sld [smem:$0x3FA5]  }
0x2d: {  	s3 =	simm.s32 $0x108;
	s8 =	sld [smem:$0x3FA6]  }
0x2e: {  	s3 =	simm.s32 @!p0 $0x1082;
	s9 =	sld [smem:$0x3FA7]  }
0x2f: {  	lr =	sadd.s32 s0, s3;
	s0 =	sld [smem:$0x3F9E]  }
0x30: {  	s3 =	sld [smem:$0x3FA1]  }
0x31: {  	[smem:$0x3FAA] =	sst s10  }
0x32: {  	s10 =	sld [smem:$0x3FA8];
	_ =	sdelay $0x3  }
0x33: {  	p0 =	seq.s32 s10, $0x1;
	s10 =	sld [smem:$0x3FAA];
	_ =	sdelay $0x3  }
0x34: {  	[smem:$0x3FAA] =	sst s10  }
0x35: {  	s10 =	sld [smem:$0x3FA9];
	_ =	sdelay $0x3  }
0x36: {  	p1 =	seq.s32 s10, $0x1;
	s10 =	sld [smem:$0x3FAA];
	_ =	sdelay $0x3  }
0x37: {  	[smem:$0x3FAA] =	sst s10  }
0x38: {  	s10 =	sld [smem:$0x3FAB]  }
0x39: {  	_ = 	snop;
	(pc) =	sbr.ind lr, $3  }
0x3a: {  	_ = 	snop  }
0x3b: {  	_ = 	snop  }
0x3c: {  	p2 =	seq.s32 s10, $0x1;
	s10 =	sld [smem:$0x3FAA]  }
0x3d: {  	_ =	shalt  }
0x3e: {  	_ =	shalt  }
0x3f: {  	_ =	shalt  }
0x40: {  	_ =	shalt  }
0x41: {  	_ =	shalt  }
0x42: {  	_ =	shalt  }
0x43: {  	_ =	shalt  }
0x44: {  	_ =	shalt  }
0x45: {  	_ =	shalt  }
0x46: {  	_ =	shalt  }
0x47: {  	_ =	shalt  }
0x48: {  	_ =	shalt  }
0x49: {  	_ =	shalt  }
0x4a: {  	_ =	shalt  }
0x4b: {  	_ =	shalt  }
0x4c: {  	_ =	shalt  }
0x4d: {  	_ =	shalt  }
0x4e: {  	_ =	shalt  }
0x4f: {  	_ =	shalt  }
0x50: {  	_ =	shalt  }
0x51: {  	_ =	shalt  }
0x52: {  	_ =	shalt  }
0x53: {  	_ =	shalt  }
0x54: {  	_ =	shalt  }
0x55: {  	_ =	shalt  }
0x56: {  	_ =	shalt  }
0x57: {  	_ =	shalt  }
0x58: {  	_ =	shalt  }
0x59: {  	_ =	shalt  }
0x5a: {  	_ =	shalt  }
0x5b: {  	_ =	shalt  }
0x5c: {  	_ =	shalt  }
0x5d: {  	_ =	shalt  }
0x5e: {  	_ =	shalt  }
0x5f: {  	_ =	shalt  }
0x60: {  	_ =	shalt  }
0x61: {  	_ =	shalt  }
0x62: {  	_ =	shalt  }
0x63: {  	_ =	shalt  }
0x64: {  	_ =	shalt  }
0x65: {  	_ =	shalt  }
0x66: {  	_ =	shalt  }
0x67: {  	_ =	shalt  }
0x68: {  	_ =	shalt  }
0x69: {  	_ =	shalt  }
0x6a: {  	_ =	shalt  }
0x6b: {  	_ =	shalt  }
0x6c: {  	_ =	shalt  }
0x6d: {  	_ =	shalt  }
0x6e: {  	_ =	shalt  }
0x6f: {  	_ =	shalt  }
0x70: {  	_ =	shalt  }
0x71: {  	_ =	shalt  }
0x72: {  	_ =	shalt  }
0x73: {  	_ =	shalt  }
0x74: {  	_ =	shalt  }
0x75: {  	_ =	shalt  }
0x76: {  	_ =	shalt  }
0x77: {  	_ =	shalt  }
0x78: {  	_ =	shalt  }
0x79: {  	_ =	shalt  }
0x7a: {  	_ =	shalt  }
0x7b: {  	_ =	shalt  }
0x7c: {  	_ =	shalt  }
0x7d: {  	_ =	shalt  }
0x7e: {  	_ =	shalt  }
0x7f: {  	_ =	shalt  }
0x80: {  	_ =	shalt  }
0x81: {  	_ =	shalt  }
0x82: {  	_ =	shalt  }
0x83: {  	_ =	shalt  }
0x84: {  	_ =	shalt  }
0x85: {  	_ =	shalt  }
0x86: {  	_ =	shalt  }
0x87: {  	_ =	shalt  }
.Lfunc_end0:
.L_simem_size_0:
called_computation.1_lowered:
.L_overlay_start_0:
0x88: {  	s2 =	sld [smem:$0x3FD9]  }
0x89: {  	s3 =	sld [smem:$0x3FFE];
	_ =	sdelay $0x1  }
0x8a: {  	s1 =	srdreg.scid  }
0x8b: {  	s0 =	sand.u32 $0x1, s1  }
0x8c: {  	s16 =	sshll.u32 s0, $0xA;
	s2 =	sadd.s32 s3, s2  }
0x8d: {  	s2 =	sadd.s32 s2, s16  }
0x8e: {  	[smem:$0x3FB6] =	sst s2  }
0x8f: {  	_ = 	snop  }
0x90: {  	(tm) =	ssettm $0x1  }
0x91: {  	s17 =	sld [smem:$0x3FFB];
	_ =	sdelay $0x3  }
0x92: {  	_ =	strace s17  }
0x93: {  	s2 =	sld [smem:$0x3FFC];
	_ =	sdelay $0x3  }
0x94: {  	_ =	strace s2  }
0x95: {  	s2 =	sld [smem:$0x3FFD];
	_ =	sdelay $0x3  }
0x96: {  	_ =	strace s2  }
0x97: {  	_ =	strace $0x8FFFFFFF  }
0x98: {  	s18 =	sld [smem:$0x3FDB];
	_ =	sdelay $0x1  }
0x99: {  	s19 =	simm.s32 $_scs_section_size  }
0x9a: {  	s4 =	simm.s32 $_size__tile_overlayer_lowered;
	s5 =	simm.s32 $_tile_overlayer_lowered  }
0x9b: {  	s22 =	simm.s32 $0x1BFF;
	s21 =	sshll.u32 s5, $0x1;
	s2 =	sadd.s32 s19, s18  }
0x9c: {  	s6 =	simm.s32 $0x0;
	s20 =	sshll.u32 s4, $0x1;
	s4 =	sadd.s32 s21, s2  }
0x9d: {  	[timem:s6], [sflag:s22] =	dma.local [hbm:s4], s20  }
0x9e: {  	_ =	swait.ge [sflag:s22], s20  }
0x9f: {  	s3 =	ssub.s32 $0x0, s20;
	[sflag:s22] =	ssyncset.done $0x0  }
0xa0: {  	[sflag:s22] =	ssyncadd.s32 s3;
	_ =	sdelay $0x1  }
0xa1: {  	s23 =	simm.s32 $0x1B8B  }
0xa2: {  	_ =	swait.ge [sflag:s23], $0x1  }
0xa3: {  	[sflag:s23] =	ssyncset.done $0x0  }
0xa4: {  	s25 =	simm.s32 $0x1B8E;
	s24 =	sld [smem:$0x3FFE];
	[sflag:s23] =	ssyncadd.s32 $0xFFFFFFFF  }
0xa5: {  	s26 =	simm.s32 $execute0_lowered;
	[smem:$0x3FD2] =	sst s25  }
0xa6: {  	s4 =	sshll.u32 s26, $0x1;
	_ =	strace $0x80000046;
	[dreg:$0x1] =	wrdreg $0xFFFFFFFF  }
0xa7: {  	s28 =	simm.s32 $_size_execute0_lowered;
	s2 =	sadd.s32 s2, s4;
	[dreg:$0x0] =	wrdreg $0x0  }
0xa8: {  	s4 =	sshll.u32 s28, $0x1;
	[dreg:$0x2] =	wrdreg s2  }
0xa9: {  	[dreg:$0x3] =	wrdreg s4  }
0xaa: {  	[dreg:$0x4] =	wrdreg $0xC0  }
0xab: {  	_ =	task [dreg:s6], $0x5FFFF  }
0xac: {  	[dreg:$0x1] =	wrdreg $0xFFFFFFFF  }
0xad: {  	[dreg:$0x0] =	wrdreg $0x60  }
0xae: {  	[dreg:$0x2] =	wrdreg s24  }
0xaf: {  	[dreg:$0x3] =	wrdreg $0x81800  }
0xb0: {  	[dreg:$0x4] =	wrdreg $0xA  }
0xb1: {  	_ =	task.clear_ibuf [dreg:s6], $0x5FFFF;
	_ =	strace $0x90000046  }
0xb2: {  	s29 =	simm.s32 $0xA;
	_ =	strace $0x80000048  }
0xb3: {  	_ =	swait.ge [sflag:s29], $0x1  }
0xb4: {  	[sflag:s29] =	ssyncadd.s32 $0xFFFFFFFF  }
0xb5: {  	_ =	strace $0x90000048  }
0xb6: {  	_ =	sfence  }
0xb7: {  	s30 =	sld [smem:$0x0];
	_ =	sdelay $0x2  }
0xb8: {  	s31 =	sshll.u32 s1, $0xD;
	s1 =	sshrl.u32 s1, $0x2  }
0xb9: {  	s3 =	sand.u32 $0x4000, s31;
	s1 =	sadd.s32 s1, s30  }
0xba: {  	s0 =	sor.u32 s3, s0;
	s1 =	sshll.u32 s1, $0x11  }
0xbb: {  	s0 =	sor.u32 s1, s0  }
0xbc: {  	s0 =	sadd.s32 $0x8F2B, s0  }
0xbd: {  	[sflag:s0] =	ssyncadd.remote.s32 $0x1  }
0xbe: {  	_ =	sfence.sel $0xFFFF  }
0xbf: {  	[dreg:$0x0] =	wrdreg $0xFFFFFFFF;
	(pc) =	sbr.abs _section_cstart, $3  }
0xc0: {  	[dreg:$0x1] =	wrdreg $0xFFFFFFFF  }
0xc1: {  	_ =	task.clear_ibuf [dreg:s6], $0x2FFFF;
	_ =	strace $0x9FFFFFFF  }
0xc2: {  	(tm) =	ssettm $0x7FFFFFFF  }
0xc3: {  	_ =	shalt  }
tec
execute0_lowered:
.L_overlay_start_1:
0x0: {  	(tag) =	ssettag $0x1  }
0x1: {  	s9 =	rddreg [dreg:$0x0]  }
0x2: {  	s1 =	rddreg [dreg:$0x1]  }
0x3: {  	s0 =	rddreg [dreg:$0x2];
	s3 =	simm.s32 $0x0;
	s2 =	srdreg.scid  }
0x4: {  	s14 =	simm.s32 $0x80;
	s15 =	simm.s32 $0x1;
	s16 =	simm.s32 $0x100  }
0x5: {  	s17 =	simm.s32 $0x4180;
	s18 =	simm.s32 $0x2;
	s19 =	simm.s32 $0x0  }
0x6: {  	[smem:$0x7FF] =	sst s3;
	s8 =	sand.u32 $0x1, s2;
	s2 =	stileid.u32  }
0x7: {  	s4 =	sadd.s32 $0x18C00, s9;
	s5 =	sadd.s32 $0xEC00, s9;
	s10 =	smul.u32 $0x140000, s8  }
0x8: {  	s6 =	sadd.s32 $0x4C00, s9;
	s7 =	sadd.s32 $0x40C00, s9;
	s11 =	smul.u32 $0x14000, s2  }
0x9: {  	_ =	strace $0x80000047;
	s30 =	ssub.s32 $0x2, s8;
	s8 =	sshll.u32 s8, $0x4  }
0xa: {  	s12 =	sshrl.u32 s30, $0x1;
	s31 =	sor.u32 s2, s8;
	s10 =	sadd.s32 s11, s10  }
0xb: {  	s8 =	smul.u32 $0x280, s2;
	s11 =	ssub.s32 s30, s12;
	s10 =	sshrl.u32 s10, $0x3  }
0xc: {  	s12 =	simm.s32 $0x180;
	s13 =	sadd.s32 s10, s9;
	s9 =	smul.u32 $0x2800, s31  }
0xd: {  	v0 =	vlaneseq.u32;
	s10 =	smax.u32 s11, $0x1;
	s11 =	sadd.s32 $0x41400, s13;
	s13 =	simm.s32 $0x3  }
.LBB2_1:
0xe: {  	[tilespmem:s12], [sflag:$0x3] =	stream.linear.gather [hbm4b:s7+s3], $0x4000, $0x38;
	[tilespmem:$0x1C180] =	vst v63  }
0xf: {  	_ =	swait.ge [sflag:s13], $0x4000  }
0x10: {  	s20 =	sadd.s32 $0x0, s8;
	[sflag:s13] =	ssyncset.done $0x0  }
0x11: {  	v1 =	vor.u32 s20, v0;
	s22 =	sadd.s32 $0x60, s20;
	[sflag:s13] =	ssyncadd.s32 $0xFFFFC000  }
0x12: {  	s30 =	sadd.s32 $0x30, s20;
	v2 =	vor.u32 s22, v0;
	[tilespmem:$0x80] =	vst v1  }
0x13: {  	s21 =	sadd.s32 $0x70, s20;
	v3 =	vor.u32 s30, v0;
	[tilespmem:$0xE0] =	vst v2  }
0x14: {  	s29 =	sadd.s32 $0x40, s20;
	v1 =	vor.u32 s21, v0;
	[tilespmem:$0xB0] =	vst v3  }
0x15: {  	s28 =	sadd.s32 $0x50, s20;
	v2 =	vor.u32 s29, v0;
	[tilespmem:$0xF0] =	vst v1  }
0x16: {  	s31 =	sadd.s32 $0x20, s20;
	v1 =	vor.u32 s28, v0;
	[tilespmem:$0xC0] =	vst v2  }
0x17: {  	s21 =	sadd.s32 $0x10, s20;
	s20 =	simm.s32 $0x80;
	[tilespmem:$0xD0] =	vst v1;
	v1 =	vor.u32 s31, v0  }
.LBB2_2:
0x18: {  	p0 =	sne.s32 s20, $0x200;
	v2 =	vor.u32 s21, v0;
	[tilespmem:$0xA0] =	vst v1  }
0x19: {  	[tilespmem:$0x90] =	vst v2;
	[spmem:s1] =	stream.indirect.scatter [tilespmem:s12], [sflag:$0x3], $0x80, s14, s14, $0xb8  }
0x1a: {  	_ =	swait.ge [sflag:s13], $0x4000  }
0x1b: {  	s21 =	sadd.s32 s20, s8;
	[sflag:s13] =	ssyncset.done $0x0  }
0x1c: {  	v1 =	vor.u32 s21, v0;
	s22 =	sadd.s32 $0x70, s21;
	[sflag:s13] =	ssyncadd.s32 $0xFFFFC000  }
0x1d: {  	s23 =	sadd.s32 $0x60, s21;
	[tilespmem:$0x80] =	vst v1;
	v1 =	vor.u32 s22, v0  }
.Ltmp0:
0x1e: {  	v2 =	vor.u32 s23, v0;
	s22 =	sadd.s32 $0x50, s21;
	[tilespmem:$0xF0] =	vst v1;
	(pc) =	sbr.rel @p0 .LBB2_2-.Ltmp0, $4  }
0x1f: {  	s23 =	sadd.s32 $0x40, s21;
	v1 =	vor.u32 s22, v0;
	[tilespmem:$0xE0] =	vst v2  }
0x20: {  	s22 =	sadd.s32 $0x30, s21;
	v2 =	vor.u32 s23, v0;
	[tilespmem:$0xD0] =	vst v1  }
0x21: {  	s23 =	sadd.s32 $0x20, s21;
	v3 =	vor.u32 s22, v0;
	[tilespmem:$0xC0] =	vst v2  }
0x22: {  	s20 =	sadd.s32 $0x80, s20;
	s21 =	sadd.s32 $0x10, s21;
	v1 =	vor.u32 s23, v0;
	[tilespmem:$0xB0] =	vst v3  }
0x23: {  	v2 =	vor.u32 s21, v0;
	[tilespmem:$0xA0] =	vst v1;
	s20 =	simm.s32 $0x0  }
0x24: {  	[tilespmem:$0x90] =	vst v2;
	s25 =	sand.u32 $0x3C00, s20  }
0x25: {  	[spmem:s1] =	stream.indirect.scatter [tilespmem:s12], [sflag:$0x3], $0x80, s14, s14, $0xb8;
	[tilespmem:$0x1C180] =	vst v63  }
0x26: {  	s20 =	sand.u32 $0x300, s20;
	s21 =	sadd.s32 s9, s25;
	_ =	swait.ge [sflag:s13], $0x4000  }
0x27: {  	s20 =	sor.u32 s20, s21;
	[sflag:s13] =	ssyncset.done $0x0  }
0x28: {  	s20 =	sshrl.u32 s20, $0x3;
	[sflag:s13] =	ssyncadd.s32 $0xFFFFC000  }
0x29: {  	s26 =	sadd.s32 s5, s20;
	[bflag:$0x0] =	sbarrier.arrive $0xFFFF  }
0x2a: {  	[tilespmem:s3], [sflag:$0x3] =	stream.linear.gather [hbm4b:s26+s3], $0x80, $0x38;
	[tilespmem:$0x1C180] =	vst v63  }
0x2b: {  	_ =	swait.ge [sflag:s13], $0x80  }
0x2c: {  	[sflag:s13] =	ssyncset.done $0x0  }
0x2d: {  	s28 =	sadd.s32 s6, s20;
	[sflag:s13] =	ssyncadd.s32 $0xFFFFFF80  }
0x2e: {  	[tilespmem:s14], [sflag:$0x3] =	stream.linear.gather [hbm4b:s28+s3], $0x80, $0x38;
	[tilespmem:$0x1C180] =	vst v63  }
0x2f: {  	_ =	swait.ge [sflag:s13], $0x80  }
0x30: {  	[sflag:s13] =	ssyncset.done $0x0  }
0x31: {  	[sflag:s13] =	ssyncadd.s32 $0xFFFFFF80  }
0x32: {  	[tilespmem:s12], [sflag:$0x1] =	stream.indirect.gather [hbm4b:s4+s14], $0x80, s3, s14, $0xb8;
	[tilespmem:$0x1C180] =	vst v63  }
0x33: {  	_ =	swait.ge [sflag:s15], $0x4000  }
0x34: {  	[sflag:s15] =	ssyncset.done $0x0  }
0x35: {  	s20 =	sor.u32 $0x10, s20;
	[sflag:s15] =	ssyncadd.s32 $0xFFFFC000  }
0x36: {  	[spmem:s1] =	stream.indirect.scatter.add.f32 [tilespmem:s12], [sflag:$0x2], $0x80, s14, s14, $0xb8;
	[tilespmem:$0x1C180] =	vst v63  }
0x37: {  	s29 =	sadd.s32 s5, s20  }
0x38: {  	[tilespmem:s3], [sflag:$0x3] =	stream.linear.gather [hbm4b:s29+s3], $0x80, $0x38;
	[tilespmem:$0x1C180] =	vst v63  }
0x39: {  	_ =	swait.ge [sflag:s13], $0x80  }
0x3a: {  	[sflag:s13] =	ssyncset.done $0x0  }
0x3b: {  	s20 =	sadd.s32 s6, s20;
	[sflag:s13] =	ssyncadd.s32 $0xFFFFFF80  }
0x3c: {  	[tilespmem:s16], [sflag:$0x3] =	stream.linear.gather [hbm4b:s20+s3], $0x80, $0x38;
	[tilespmem:$0x1C180] =	vst v63  }
0x3d: {  	_ =	swait.ge [sflag:s13], $0x80  }
0x3e: {  	[sflag:s13] =	ssyncset.done $0x0  }
0x3f: {  	[sflag:s13] =	ssyncadd.s32 $0xFFFFFF80  }
0x40: {  	[tilespmem:s17], [sflag:$0x1] =	stream.indirect.gather [hbm4b:s4+s14], $0x80, s3, s14, $0xb8;
	[tilespmem:$0x1C180] =	vst v63  }
0x41: {  	_ =	swait.ge [sflag:s15], $0x4000  }
0x42: {  	s30 =	simm.s32 $0x100;
	[sflag:s15] =	ssyncset.done $0x0  }
0x43: {  	s31 =	sand.u32 $0x3C00, s30;
	[sflag:s15] =	ssyncadd.s32 $0xFFFFC000  }
0x44: {  	s21 =	sadd.s32 s9, s31;
	s20 =	sand.u32 $0x300, s30;
	_ =	swait.ge [sflag:s18], $0x4000  }
0x45: {  	s21 =	sor.u32 s20, s21;
	[sflag:s18] =	ssyncset.done $0x0  }
0x46: {  	s20 =	simm.s32 $0x200;
	s22 =	sshrl.u32 s21, $0x3;
	[sflag:s18] =	ssyncadd.s32 $0xFFFFC000  }
.LBB2_4:
0x47: {  	[spmem:s1] =	stream.indirect.scatter.add.f32 [tilespmem:s17], [sflag:$0x3], $0x80, s16, s14, $0xb8;
	[tilespmem:$0x1C180] =	vst v63  }
0x48: {  	s21 =	smov.u32 s20  }
0x49: {  	p0 =	sne.s32 s20, $0x2700;
	s20 =	sadd.s32 $0x100, s20;
	_ =	swait.ge [sflag:s13], $0x4000  }
0x4a: {  	[sflag:s13] =	ssyncset.done $0x0  }
0x4b: {  	s23 =	sadd.s32 s5, s22;
	[sflag:s13] =	ssyncadd.s32 $0xFFFFC000  }
0x4c: {  	[tilespmem:s3], [sflag:$0x3] =	stream.linear.gather [hbm4b:s23+s3], $0x80, $0x38;
	[tilespmem:$0x1C180] =	vst v63  }
0x4d: {  	_ =	swait.ge [sflag:s13], $0x80  }
0x4e: {  	[sflag:s13] =	ssyncset.done $0x0  }
0x4f: {  	s23 =	sadd.s32 s6, s22;
	[sflag:s13] =	ssyncadd.s32 $0xFFFFFF80  }
0x50: {  	[tilespmem:s14], [sflag:$0x3] =	stream.linear.gather [hbm4b:s23+s3], $0x80, $0x38;
	[tilespmem:$0x1C180] =	vst v63  }
0x51: {  	_ =	swait.ge [sflag:s13], $0x80  }
0x52: {  	[sflag:s13] =	ssyncset.done $0x0  }
0x53: {  	[sflag:s13] =	ssyncadd.s32 $0xFFFFFF80  }
0x54: {  	[tilespmem:s12], [sflag:$0x1] =	stream.indirect.gather [hbm4b:s4+s14], $0x80, s3, s14, $0xb8;
	[tilespmem:$0x1C180] =	vst v63  }
0x55: {  	_ =	swait.ge [sflag:s15], $0x4000  }
0x56: {  	[sflag:s15] =	ssyncset.done $0x0  }
0x57: {  	s22 =	sor.u32 $0x10, s22;
	[sflag:s15] =	ssyncadd.s32 $0xFFFFC000  }
0x58: {  	[spmem:s1] =	stream.indirect.scatter.add.f32 [tilespmem:s12], [sflag:$0x2], $0x80, s14, s14, $0xb8;
	[tilespmem:$0x1C180] =	vst v63  }
0x59: {  	s23 =	sadd.s32 s5, s22  }
0x5a: {  	[tilespmem:s3], [sflag:$0x3] =	stream.linear.gather [hbm4b:s23+s3], $0x80, $0x38;
	[tilespmem:$0x1C180] =	vst v63  }
0x5b: {  	_ =	swait.ge [sflag:s13], $0x80  }
0x5c: {  	[sflag:s13] =	ssyncset.done $0x0  }
0x5d: {  	s22 =	sadd.s32 s6, s22;
	[sflag:s13] =	ssyncadd.s32 $0xFFFFFF80  }
0x5e: {  	[tilespmem:s16], [sflag:$0x3] =	stream.linear.gather [hbm4b:s22+s3], $0x80, $0x38;
	[tilespmem:$0x1C180] =	vst v63  }
0x5f: {  	_ =	swait.ge [sflag:s13], $0x80  }
0x60: {  	[sflag:s13] =	ssyncset.done $0x0  }
0x61: {  	[sflag:s13] =	ssyncadd.s32 $0xFFFFFF80  }
0x62: {  	[tilespmem:s17], [sflag:$0x1] =	stream.indirect.gather [hbm4b:s4+s14], $0x80, s3, s14, $0xb8;
	[tilespmem:$0x1C180] =	vst v63  }
0x63: {  	_ =	swait.ge [sflag:s15], $0x4000  }
.Ltmp1:
0x64: {  	[sflag:s15] =	ssyncset.done $0x0;
	(pc) =	sbr.rel @p0 .LBB2_4-.Ltmp1, $4  }
0x65: {  	s22 =	sand.u32 $0x3C00, s21;
	[sflag:s15] =	ssyncadd.s32 $0xFFFFC000  }
0x66: {  	s21 =	sand.u32 $0x300, s21;
	s22 =	sadd.s32 s9, s22;
	_ =	swait.ge [sflag:s18], $0x4000  }
0x67: {  	s21 =	sor.u32 s21, s22;
	[sflag:s18] =	ssyncset.done $0x0  }
0x68: {  	s22 =	sshrl.u32 s21, $0x3;
	[sflag:s18] =	ssyncadd.s32 $0xFFFFC000  }
0x69: {  	[spmem:s1] =	stream.indirect.scatter.add.f32 [tilespmem:s17], [sflag:$0x3], $0x80, s16, s14, $0xb8;
	[tilespmem:$0x1C180] =	vst v63  }
0x6a: {  	_ =	swait.ge [sflag:s13], $0x4000  }
0x6b: {  	[sflag:s13] =	ssyncset.done $0x0  }
0x6c: {  	s20 =	sadd.s32 s5, s22;
	[sflag:s13] =	ssyncadd.s32 $0xFFFFC000  }
0x6d: {  	[tilespmem:s3], [sflag:$0x3] =	stream.linear.gather [hbm4b:s20+s3], $0x80, $0x38;
	[tilespmem:$0x1C180] =	vst v63  }
0x6e: {  	_ =	swait.ge [sflag:s13], $0x80  }
0x6f: {  	[sflag:s13] =	ssyncset.done $0x0  }
0x70: {  	s21 =	sadd.s32 s6, s22;
	[sflag:s13] =	ssyncadd.s32 $0xFFFFFF80  }
0x71: {  	[tilespmem:s14], [sflag:$0x3] =	stream.linear.gather [hbm4b:s21+s3], $0x80, $0x38;
	[tilespmem:$0x1C180] =	vst v63  }
0x72: {  	_ =	swait.ge [sflag:s13], $0x80  }
0x73: {  	[sflag:s13] =	ssyncset.done $0x0  }
0x74: {  	[sflag:s13] =	ssyncadd.s32 $0xFFFFFF80  }
0x75: {  	[tilespmem:s12], [sflag:$0x1] =	stream.indirect.gather [hbm4b:s4+s14], $0x80, s3, s14, $0xb8;
	[tilespmem:$0x1C180] =	vst v63  }
0x76: {  	_ =	swait.ge [sflag:s15], $0x4000  }
0x77: {  	[sflag:s15] =	ssyncset.done $0x0  }
0x78: {  	s23 =	sor.u32 $0x10, s22;
	[sflag:s15] =	ssyncadd.s32 $0xFFFFC000  }
0x79: {  	[spmem:s1] =	stream.indirect.scatter.add.f32 [tilespmem:s12], [sflag:$0x2], $0x80, s14, s14, $0xb8;
	[tilespmem:$0x1C180] =	vst v63  }
0x7a: {  	s21 =	sadd.s32 s5, s23  }
0x7b: {  	[tilespmem:s3], [sflag:$0x3] =	stream.linear.gather [hbm4b:s21+s3], $0x80, $0x38;
	[tilespmem:$0x1C180] =	vst v63  }
0x7c: {  	_ =	swait.ge [sflag:s13], $0x80  }
0x7d: {  	[sflag:s13] =	ssyncset.done $0x0  }
0x7e: {  	s20 =	sadd.s32 s6, s23;
	[sflag:s13] =	ssyncadd.s32 $0xFFFFFF80  }
0x7f: {  	[tilespmem:s16], [sflag:$0x3] =	stream.linear.gather [hbm4b:s20+s3], $0x80, $0x38;
	[tilespmem:$0x1C180] =	vst v63  }
0x80: {  	_ =	swait.ge [sflag:s13], $0x80  }
0x81: {  	[sflag:s13] =	ssyncset.done $0x0  }
0x82: {  	[sflag:s13] =	ssyncadd.s32 $0xFFFFFF80  }
0x83: {  	[tilespmem:s17], [sflag:$0x1] =	stream.indirect.gather [hbm4b:s4+s14], $0x80, s3, s14, $0xb8;
	[tilespmem:$0x1C180] =	vst v63  }
0x84: {  	_ =	swait.ge [sflag:s15], $0x4000  }
0x85: {  	[sflag:s15] =	ssyncset.done $0x0  }
0x86: {  	[sflag:s15] =	ssyncadd.s32 $0xFFFFC000  }
0x87: {  	_ =	swait.ge [sflag:s18], $0x4000  }
0x88: {  	[sflag:s18] =	ssyncset.done $0x0  }
0x89: {  	[sflag:s18] =	ssyncadd.s32 $0xFFFFC000  }
0x8a: {  	[spmem:s1] =	stream.indirect.scatter.add.f32 [tilespmem:s17], [sflag:$0x3], $0x80, s16, s14, $0xb8;
	[tilespmem:$0x1C180] =	vst v63  }
0x8b: {  	_ =	swait.ge [sflag:s13], $0x4000  }
0x8c: {  	[sflag:s13] =	ssyncset.done $0x0  }
0x8d: {  	s24 =	sadd.s32 $0x0, s8;
	[sflag:s13] =	ssyncadd.s32 $0xFFFFC000  }
0x8e: {  	v1 =	vor.u32 s24, v0;
	s28 =	sadd.s32 $0x20, s24;
	[bflag:$0x0] =	sbarrier.arrive $0xFFFF  }
0x8f: {  	s25 =	sadd.s32 $0x10, s24;
	v2 =	vor.u32 s28, v0;
	[tilespmem:$0x80] =	vst v1  }
0x90: {  	s30 =	sadd.s32 $0x40, s24;
	v1 =	vor.u32 s25, v0;
	[tilespmem:$0xA0] =	vst v2  }
0x91: {  	s26 =	sadd.s32 $0x70, s24;
	v2 =	vor.u32 s30, v0;
	[tilespmem:$0x90] =	vst v1  }
0x92: {  	s20 =	sadd.s32 $0x30, s24;
	v1 =	vor.u32 s26, v0;
	[tilespmem:$0xC0] =	vst v2  }
0x93: {  	s29 =	sadd.s32 $0x50, s24;
	v2 =	vor.u32 s20, v0;
	[tilespmem:$0xF0] =	vst v1  }
0x94: {  	s31 =	sadd.s32 $0x60, s24;
	v1 =	vor.u32 s29, v0;
	[tilespmem:$0xB0] =	vst v2  }
0x95: {  	[tilespmem:$0xD0] =	vst v1;
	v1 =	vor.u32 s31, v0  }
0x96: {  	s22 =	smov.u32 s11;
	s21 =	smov.u32 s11;
	s20 =	simm.s32 $0x80;
	[tilespmem:$0xE0] =	vst v1  }
0x97: {  	[tilespmem:s12], [sflag:$0x1] =	stream.indirect.gather [spmem:s1], $0x80, s14, s14, $0xb8;
	[tilespmem:$0x1C180] =	vst v63  }
.LBB2_6:
0x98: {  	p0 =	sne.s32 s20, $0x200;
	_ =	swait.ge [sflag:s15], $0x4000;
	s22 =	sadd.s32 $0x800, s22  }
0x99: {  	s23 =	smov.u32 s20;
	s20 =	sadd.s32 $0x80, s20;
	[sflag:s15] =	ssyncset.done $0x0  }
0x9a: {  	[sflag:s15] =	ssyncadd.s32 $0xFFFFC000  }
0x9b: {  	[hbm4b:s21+s3] =	stream.linear.scatter [tilespmem:s12], [sflag:$0x3], $0x4000, $0x38;
	[tilespmem:$0x1C180] =	vst v63  }
0x9c: {  	s21 =	smov.u32 s22;
	_ =	swait.ge [sflag:s13], $0x4000  }
0x9d: {  	s23 =	sadd.s32 s23, s8;
	[sflag:s13] =	ssyncset.done $0x0  }
0x9e: {  	v1 =	vor.u32 s23, v0;
	s24 =	sadd.s32 $0x10, s23;
	s25 =	sadd.s32 $0x20, s23;
	[sflag:s13] =	ssyncadd.s32 $0xFFFFC000  }
0x9f: {  	s26 =	sadd.s32 $0x70, s23;
	v2 =	vor.u32 s25, v0;
	s25 =	sadd.s32 $0x50, s23;
	[tilespmem:$0x80] =	vst v1;
	v1 =	vor.u32 s24, v0;
	s24 =	sadd.s32 $0x40, s23  }
0xa0: {  	s28 =	sadd.s32 $0x30, s23;
	v4 =	vor.u32 s26, v0;
	v3 =	vor.u32 s25, v0;
	s23 =	sadd.s32 $0x60, s23;
	[tilespmem:$0x90] =	vst v1;
	v1 =	vor.u32 s24, v0  }
0xa1: {  	v5 =	vor.u32 s28, v0;
	v6 =	vor.u32 s23, v0;
	[tilespmem:$0xF0] =	vst v4  }
0xa2: {  	[tilespmem:$0xA0] =	vst v2  }
.Ltmp2:
0xa3: {  	[tilespmem:$0xD0] =	vst v3;
	(pc) =	sbr.rel @p0 .LBB2_6-.Ltmp2, $4  }
0xa4: {  	[tilespmem:$0xC0] =	vst v1  }
0xa5: {  	[tilespmem:$0xE0] =	vst v6  }
0xa6: {  	[tilespmem:$0xB0] =	vst v5  }
0xa7: {  	[tilespmem:s12], [sflag:$0x1] =	stream.indirect.gather [spmem:s1], $0x80, s14, s14, $0xb8;
	[tilespmem:$0x1C180] =	vst v63  }
0xa8: {  	_ =	swait.ge [sflag:s15], $0x4000;
	s19 =	sadd.s32 $0x1, s19  }
0xa9: {  	[sflag:s15] =	ssyncset.done $0x0;
	p0 =	sne.s32 s19, s10  }
.Ltmp3:
0xaa: {  	[sflag:s15] =	ssyncadd.s32 $0xFFFFC000;
	(pc) =	sbr.rel @p0 .LBB2_1-.Ltmp3, $4  }
0xab: {  	[hbm4b:s21+s3] =	stream.linear.scatter [tilespmem:s12], [sflag:$0x3], $0x4000, $0x38;
	[tilespmem:$0x1C180] =	vst v63  }
0xac: {  	_ =	swait.ge [sflag:s13], $0x4000  }
0xad: {  	[sflag:s13] =	ssyncset.done $0x0  }
0xae: {  	[sflag:s13] =	ssyncadd.s32 $0xFFFFC000  }
0xaf: {  	_ =	sfence.sel $0x180000  }
0xb0: {  	[bflag:$0x0] =	sbarrier.arrive $0xFFFF  }
0xb1: {  	p0 =	sne.s32 s2, $0x0;
	_ =	strace $0x90000047  }
0xb2: {  	s0 =	sadd.s32 @!p0 $0x100000, s0;
	[bflag:$0x2] =	sbarrier.arrive $0xFFFF  }
0xb3: {  	[sflag:s0] =	ssyncadd.tile.s32 @!p0 $0x1;
	_ =	shalt  }
.Lfunc_end2:
_tile_overlayer_lowered:
.L_overlay_start_2:
0xb4: {  	(tag) =	ssettag $0x2  }
0xb5: {  	s0 =	rddreg [dreg:$0x0];
	s2 =	stileid.u32  }
0xb6: {  	s1 =	rddreg [dreg:$0x1];
	p0 =	sne.s32 s2, $0x0  }
0xb7: {  	s3 =	rddreg [dreg:$0x2];
	[bflag:$0x3] =	sbarrier.arrive $0xFFFF;
	s2 =	simm.s32 @!p0 $0x1C03  }
0xb8: {  	[timem:s3], [sflag:s2] =	dma.local @!p0 [hbm:s0], s1  }
0xb9: {  	s0 =	simm.s32 @!p0 $0x3  }
0xba: {  	_ =	swait.ge @!p0 [sflag:s0], s1  }
0xbb: {  	s1 =	ssub.s32 @!p0 $0x0, s1;
	[sflag:s0] =	ssyncset.done @!p0 $0x0  }
0xbc: {  	[sflag:s0] =	ssyncadd.s32 @!p0 s1  }
0xbd: {  	[bflag:$0x3] =	sbarrier.arrive $0xFFFF  }
0xbe: {  	_ =	shalt  }

// kernel: kernel.14.cloned.1.call-start
scs
__scs_entry_jumppad:
0x0: {  	(pc) =	sbr.rel $0x88, $3  }
0x1: {  	(tag) =	ssettag $0x0;
	lr =	simm.s32 $0x1  }
0x2: {  	[smem:$0x3F8F] =	sst lr;
	_ =	strace $0xD0000000  }
0x3: {  	_ = 	snop  }
0x4: {  	_ = 	snop  }
0x5: {  	_ = 	snop  }
0x6: {  	_ = 	snop  }
0x7: {  	_ = 	snop  }
__scs_overlays_trampoline_lowered:
0x8: {  	[smem:$0x3F9E] =	sst s0  }
0x9: {  	[smem:$0x3F9F] =	sst s1  }
0xa: {  	[smem:$0x3FA0] =	sst s2  }
0xb: {  	[smem:$0x3FA1] =	sst s3  }
0xc: {  	[smem:$0x3FA2] =	sst s4  }
0xd: {  	[smem:$0x3FA3] =	sst s5  }
0xe: {  	[smem:$0x3FA4] =	sst s6  }
0xf: {  	[smem:$0x3FA5] =	sst s7  }
0x10: {  	[smem:$0x3FA6] =	sst s8  }
0x11: {  	[smem:$0x3FA7] =	sst s9;
	s0 =	simm.s32 @!p0 $0x0  }
0x12: {  	s1 =	sld [smem:$0x3F8D];
	s0 =	simm.s32 @p0 $0x1  }
0x13: {  	[smem:$0x3FA8] =	sst s0;
	s0 =	simm.s32 @!p1 $0x0  }
0x14: {  	s2 =	sld [smem:$0x3F8C];
	s0 =	simm.s32 @p1 $0x1  }
0x15: {  	[smem:$0x3FA9] =	sst s0;
	s0 =	simm.s32 @!p2 $0x0  }
0x16: {  	s3 =	sld [smem:$0x3FDB];
	s0 =	simm.s32 @p2 $0x1  }
0x17: {  	s4 =	simm.s32 $0x1BF5;
	[smem:$0x3FAB] =	sst s0  }
0x18: {  	s0 =	sld [smem:$0x3F8E];
	_ =	swait.ge [sflag:s4], $0x0  }
0x19: {  	s7 =	sld [smem:$0x3F8F]  }
0x1a: {  	s8 =	sadd.s32 $0xFFFFE003, lr  }
0x1b: {  	s9 =	sadd.s32 $0xFFFFFEF7, lr;
	s5 =	simm.s32 $0xFFFFFFFF;
	p2 =	slt.u32 s8, $0xFFFFF086  }
0x1c: {  	p1 =	slt.u32 s9, $0xF7A;
	s5 =	simm.s32 @!p2 $0x0  }
0x1d: {  	s5 =	simm.s32 @p1 $0x1;
	p0 =	seq.s32 s7, s2  }
0x1e: {  	s7 =	smul.u32 @!p0 $0xF7A, s2;
	p2 =	seq.s32 @!p0 s5, $0x0  }
0x1f: {  	s9 =	smul.u32 $0xF7A, s1;
	s8 =	simm.s32 @!p0 $0x1BF5;
	p2 =	por !p2, p0  }
0x20: {  	[sflag:s8] =	ssyncset.s32 @!p0 $0xFFFFF086;
	s6 =	sadd.s32 @!p0 s3, s7;
	s7 =	simm.s32 @!p0 $0x108  }
0x21: {  	s3 =	sadd.s32 s3, s9;
	s6 =	sadd.s32 @!p0 $0x88, s6;
	s7 =	simm.s32 @p2 $0x1082  }
0x22: {  	[simem:s7], [sflag:s8] =	dma.local @!p0 [hbm:s6], $0xF7A  }
0x23: {  	s9 =	sor.u32 $0xD0000000, s2;
	s6 =	simm.s32 $0x108;
	_ =	swait.ge @!p0 [sflag:s8], $0x0  }
0x24: {  	s3 =	sadd.s32 $0x88, s3;
	s6 =	simm.s32 @!p1 $0x1082;
	[sflag:s4] =	ssyncset.s32 $0xFFFFF086  }
0x25: {  	[simem:s6], [sflag:s4] =	dma.local [hbm:s3], $0xF7A  }
0x26: {  	[smem:$0x3F8F] =	sst s1;
	(tag) =	ssettag s2;
	_ =	strace s9  }
0x27: {  	s1 =	sld [smem:$0x3F9F]  }
0x28: {  	s2 =	sld [smem:$0x3FA0]  }
0x29: {  	s4 =	sld [smem:$0x3FA2]  }
0x2a: {  	p0 =	seq.s32 s5, $0x0;
	s5 =	sld [smem:$0x3FA3]  }
0x2b: {  	s6 =	sld [smem:$0x3FA4]  }
0x2c: {  	s7 =	sld [smem:$0x3FA5]  }
0x2d: {  	s3 =	simm.s32 $0x108;
	s8 =	sld [smem:$0x3FA6]  }
0x2e: {  	s3 =	simm.s32 @!p0 $0x1082;
	s9 =	sld [smem:$0x3FA7]  }
0x2f: {  	lr =	sadd.s32 s0, s3;
	s0 =	sld [smem:$0x3F9E]  }
0x30: {  	s3 =	sld [smem:$0x3FA1]  }
0x31: {  	[smem:$0x3FAA] =	sst s10  }
0x32: {  	s10 =	sld [smem:$0x3FA8];
	_ =	sdelay $0x3  }
0x33: {  	p0 =	seq.s32 s10, $0x1;
	s10 =	sld [smem:$0x3FAA];
	_ =	sdelay $0x3  }
0x34: {  	[smem:$0x3FAA] =	sst s10  }
0x35: {  	s10 =	sld [smem:$0x3FA9];
	_ =	sdelay $0x3  }
0x36: {  	p1 =	seq.s32 s10, $0x1;
	s10 =	sld [smem:$0x3FAA];
	_ =	sdelay $0x3  }
0x37: {  	[smem:$0x3FAA] =	sst s10  }
0x38: {  	s10 =	sld [smem:$0x3FAB]  }
0x39: {  	_ = 	snop;
	(pc) =	sbr.ind lr, $3  }
0x3a: {  	_ = 	snop  }
0x3b: {  	_ = 	snop  }
0x3c: {  	p2 =	seq.s32 s10, $0x1;
	s10 =	sld [smem:$0x3FAA]  }
0x3d: {  	_ =	shalt  }
0x3e: {  	_ =	shalt  }
0x3f: {  	_ =	shalt  }
0x40: {  	_ =	shalt  }
0x41: {  	_ =	shalt  }
0x42: {  	_ =	shalt  }
0x43: {  	_ =	shalt  }
0x44: {  	_ =	shalt  }
0x45: {  	_ =	shalt  }
0x46: {  	_ =	shalt  }
0x47: {  	_ =	shalt  }
0x48: {  	_ =	shalt  }
0x49: {  	_ =	shalt  }
0x4a: {  	_ =	shalt  }
0x4b: {  	_ =	shalt  }
0x4c: {  	_ =	shalt  }
0x4d: {  	_ =	shalt  }
0x4e: {  	_ =	shalt  }
0x4f: {  	_ =	shalt  }
0x50: {  	_ =	shalt  }
0x51: {  	_ =	shalt  }
0x52: {  	_ =	shalt  }
0x53: {  	_ =	shalt  }
0x54: {  	_ =	shalt  }
0x55: {  	_ =	shalt  }
0x56: {  	_ =	shalt  }
0x57: {  	_ =	shalt  }
0x58: {  	_ =	shalt  }
0x59: {  	_ =	shalt  }
0x5a: {  	_ =	shalt  }
0x5b: {  	_ =	shalt  }
0x5c: {  	_ =	shalt  }
0x5d: {  	_ =	shalt  }
0x5e: {  	_ =	shalt  }
0x5f: {  	_ =	shalt  }
0x60: {  	_ =	shalt  }
0x61: {  	_ =	shalt  }
0x62: {  	_ =	shalt  }
0x63: {  	_ =	shalt  }
0x64: {  	_ =	shalt  }
0x65: {  	_ =	shalt  }
0x66: {  	_ =	shalt  }
0x67: {  	_ =	shalt  }
0x68: {  	_ =	shalt  }
0x69: {  	_ =	shalt  }
0x6a: {  	_ =	shalt  }
0x6b: {  	_ =	shalt  }
0x6c: {  	_ =	shalt  }
0x6d: {  	_ =	shalt  }
0x6e: {  	_ =	shalt  }
0x6f: {  	_ =	shalt  }
0x70: {  	_ =	shalt  }
0x71: {  	_ =	shalt  }
0x72: {  	_ =	shalt  }
0x73: {  	_ =	shalt  }
0x74: {  	_ =	shalt  }
0x75: {  	_ =	shalt  }
0x76: {  	_ =	shalt  }
0x77: {  	_ =	shalt  }
0x78: {  	_ =	shalt  }
0x79: {  	_ =	shalt  }
0x7a: {  	_ =	shalt  }
0x7b: {  	_ =	shalt  }
0x7c: {  	_ =	shalt  }
0x7d: {  	_ =	shalt  }
0x7e: {  	_ =	shalt  }
0x7f: {  	_ =	shalt  }
0x80: {  	_ =	shalt  }
0x81: {  	_ =	shalt  }
0x82: {  	_ =	shalt  }
0x83: {  	_ =	shalt  }
0x84: {  	_ =	shalt  }
0x85: {  	_ =	shalt  }
0x86: {  	_ =	shalt  }
0x87: {  	_ =	shalt  }
.Lfunc_end0:
.L_simem_size_0:
called_computation.2_lowered:
.L_overlay_start_0:
0x88: {  	s2 =	sld [smem:$0x3FD9]  }
0x89: {  	s3 =	sld [smem:$0x3FFE];
	_ =	sdelay $0x1  }
0x8a: {  	s1 =	srdreg.scid  }
0x8b: {  	s0 =	sand.u32 $0x1, s1  }
0x8c: {  	s16 =	sshll.u32 s0, $0xA;
	s2 =	sadd.s32 s3, s2  }
0x8d: {  	s2 =	sadd.s32 s2, s16  }
0x8e: {  	[smem:$0x3FB6] =	sst s2  }
0x8f: {  	_ = 	snop  }
0x90: {  	(tm) =	ssettm $0x1  }
0x91: {  	s17 =	sld [smem:$0x3FFB];
	_ =	sdelay $0x3  }
0x92: {  	_ =	strace s17  }
0x93: {  	s2 =	sld [smem:$0x3FFC];
	_ =	sdelay $0x3  }
0x94: {  	_ =	strace s2  }
0x95: {  	s2 =	sld [smem:$0x3FFD];
	_ =	sdelay $0x3  }
0x96: {  	_ =	strace s2  }
0x97: {  	_ =	strace $0x8FFFFFFF  }
0x98: {  	s18 =	sld [smem:$0x3FDB];
	_ =	sdelay $0x1  }
0x99: {  	s19 =	simm.s32 $_scs_section_size  }
0x9a: {  	s4 =	simm.s32 $_size__tile_overlayer_lowered;
	s5 =	simm.s32 $_tile_overlayer_lowered  }
0x9b: {  	s22 =	simm.s32 $0x1BFF;
	s21 =	sshll.u32 s5, $0x1;
	s2 =	sadd.s32 s19, s18  }
0x9c: {  	s6 =	simm.s32 $0x0;
	s20 =	sshll.u32 s4, $0x1;
	s4 =	sadd.s32 s21, s2  }
0x9d: {  	[timem:s6], [sflag:s22] =	dma.local [hbm:s4], s20  }
0x9e: {  	_ =	swait.ge [sflag:s22], s20  }
0x9f: {  	s3 =	ssub.s32 $0x0, s20;
	[sflag:s22] =	ssyncset.done $0x0  }
0xa0: {  	[sflag:s22] =	ssyncadd.s32 s3;
	_ =	sdelay $0x1  }
0xa1: {  	s23 =	simm.s32 $0x1B8B  }
0xa2: {  	_ =	swait.ge [sflag:s23], $0x1  }
0xa3: {  	[sflag:s23] =	ssyncset.done $0x0  }
0xa4: {  	s25 =	simm.s32 $0x1B8E;
	s24 =	sld [smem:$0x3FFE];
	[sflag:s23] =	ssyncadd.s32 $0xFFFFFFFF  }
0xa5: {  	s26 =	simm.s32 $execute0_lowered;
	[smem:$0x3FD2] =	sst s25  }
0xa6: {  	s4 =	sshll.u32 s26, $0x1;
	_ =	strace $0x8000004C;
	[dreg:$0x1] =	wrdreg $0xFFFFFFFF  }
0xa7: {  	s28 =	simm.s32 $_size_execute0_lowered;
	s2 =	sadd.s32 s2, s4;
	[dreg:$0x0] =	wrdreg $0x0  }
0xa8: {  	s4 =	sshll.u32 s28, $0x1;
	[dreg:$0x2] =	wrdreg s2  }
0xa9: {  	[dreg:$0x3] =	wrdreg s4  }
0xaa: {  	[dreg:$0x4] =	wrdreg $0xC0  }
0xab: {  	_ =	task [dreg:s6], $0x5FFFF  }
0xac: {  	[dreg:$0x1] =	wrdreg $0xFFFFFFFF  }
0xad: {  	[dreg:$0x0] =	wrdreg $0x60  }
0xae: {  	[dreg:$0x2] =	wrdreg s24  }
0xaf: {  	[dreg:$0x3] =	wrdreg $0x81800  }
0xb0: {  	[dreg:$0x4] =	wrdreg $0x9  }
0xb1: {  	_ =	task.clear_ibuf [dreg:s6], $0x5FFFF;
	_ =	strace $0x9000004C  }
0xb2: {  	s29 =	simm.s32 $0x9;
	_ =	strace $0x8000004E  }
0xb3: {  	_ =	swait.ge [sflag:s29], $0x1  }
0xb4: {  	[sflag:s29] =	ssyncadd.s32 $0xFFFFFFFF  }
0xb5: {  	_ =	strace $0x9000004E  }
0xb6: {  	_ =	sfence  }
0xb7: {  	s30 =	sld [smem:$0x0];
	_ =	sdelay $0x2  }
0xb8: {  	s31 =	sshll.u32 s1, $0xD;
	s1 =	sshrl.u32 s1, $0x2  }
0xb9: {  	s3 =	sand.u32 $0x4000, s31;
	s1 =	sadd.s32 s1, s30  }
0xba: {  	s0 =	sor.u32 s3, s0;
	s1 =	sshll.u32 s1, $0x11  }
0xbb: {  	s0 =	sor.u32 s1, s0  }
0xbc: {  	s0 =	sadd.s32 $0x8F2B, s0  }
0xbd: {  	[sflag:s0] =	ssyncadd.remote.s32 $0x1  }
0xbe: {  	_ =	sfence.sel $0xFFFF  }
0xbf: {  	[dreg:$0x0] =	wrdreg $0xFFFFFFFF;
	(pc) =	sbr.abs _section_cstart, $3  }
0xc0: {  	[dreg:$0x1] =	wrdreg $0xFFFFFFFF  }
0xc1: {  	_ =	task.clear_ibuf [dreg:s6], $0x2FFFF;
	_ =	strace $0x9FFFFFFF  }
0xc2: {  	(tm) =	ssettm $0x7FFFFFFF  }
0xc3: {  	_ =	shalt  }
tec
execute0_lowered:
.L_overlay_start_1:
0x0: {  	(tag) =	ssettag $0x1  }
0x1: {  	s10 =	rddreg [dreg:$0x0]  }
0x2: {  	s0 =	srdreg.scid;
	s2 =	rddreg [dreg:$0x1]  }
0x3: {  	s1 =	stileid.u32;
	s3 =	simm.s32 $0x0;
	s12 =	simm.s32 $0x4C00  }
0x4: {  	s13 =	simm.s32 $0x3;
	s14 =	simm.s32 $0x80;
	s15 =	simm.s32 $0x1  }
0x5: {  	s16 =	simm.s32 $0x100;
	s17 =	simm.s32 $0x4180;
	s18 =	simm.s32 $0x2  }
0x6: {  	s7 =	sand.u32 $0x1, s0;
	s0 =	rddreg [dreg:$0x2];
	s5 =	smul.u32 $0x14000, s1  }
0x7: {  	s19 =	simm.s32 $0x0;
	[smem:$0x7FF] =	sst s3;
	s4 =	smul.u32 $0x140000, s7  }
0x8: {  	_ =	strace $0x8000004D;
	s31 =	ssub.s32 $0x2, s7;
	p0 =	seq.s32 s7, $0x0  }
0x9: {  	s7 =	smul.u32 $0x280, s1;
	s9 =	sshrl.u32 s31, $0x1;
	s12 =	simm.s32 @!p0 $0x41400  }
0xa: {  	s6 =	sadd.s32 s5, s4;
	s4 =	sadd.s32 $0xE1C00, s10;
	s5 =	sadd.s32 $0xEBC00, s10  }
0xb: {  	s9 =	ssub.s32 s31, s9;
	s8 =	sshrl.u32 s6, $0x3;
	s6 =	sadd.s32 $0x40C00, s10  }
0xc: {  	s9 =	smax.u32 s9, $0x1;
	s11 =	sadd.s32 s8, s10;
	s8 =	smul.u32 $0x5000, s1  }
0xd: {  	v0 =	vlaneseq.u32;
	s10 =	sadd.s32 s12, s10;
	s12 =	simm.s32 $0x180;
	s11 =	sadd.s32 $0x69400, s11  }
.LBB2_1:
0xe: {  	[tilespmem:s12], [sflag:$0x3] =	stream.linear.gather [hbm4b:s6+s3], $0x4000, $0x38;
	[tilespmem:$0x1C180] =	vst v63  }
0xf: {  	_ =	swait.ge [sflag:s13], $0x4000  }
0x10: {  	s20 =	sadd.s32 $0x0, s7;
	[sflag:s13] =	ssyncset.done $0x0  }
0x11: {  	v1 =	vor.u32 s20, v0;
	s22 =	sadd.s32 $0x60, s20;
	[sflag:s13] =	ssyncadd.s32 $0xFFFFC000  }
0x12: {  	s30 =	sadd.s32 $0x30, s20;
	v2 =	vor.u32 s22, v0;
	[tilespmem:$0x80] =	vst v1  }
0x13: {  	s21 =	sadd.s32 $0x70, s20;
	v3 =	vor.u32 s30, v0;
	[tilespmem:$0xE0] =	vst v2  }
0x14: {  	s29 =	sadd.s32 $0x40, s20;
	v1 =	vor.u32 s21, v0;
	[tilespmem:$0xB0] =	vst v3  }
0x15: {  	s28 =	sadd.s32 $0x50, s20;
	v2 =	vor.u32 s29, v0;
	[tilespmem:$0xF0] =	vst v1  }
0x16: {  	s31 =	sadd.s32 $0x20, s20;
	v1 =	vor.u32 s28, v0;
	[tilespmem:$0xC0] =	vst v2  }
0x17: {  	s21 =	sadd.s32 $0x10, s20;
	s20 =	simm.s32 $0x80;
	[tilespmem:$0xD0] =	vst v1;
	v1 =	vor.u32 s31, v0  }
.LBB2_2:
0x18: {  	p0 =	sne.s32 s20, $0x200;
	v2 =	vor.u32 s21, v0;
	[tilespmem:$0xA0] =	vst v1  }
0x19: {  	[tilespmem:$0x90] =	vst v2;
	[spmem:s2] =	stream.indirect.scatter [tilespmem:s12], [sflag:$0x3], $0x80, s14, s14, $0xb8  }
0x1a: {  	_ =	swait.ge [sflag:s13], $0x4000  }
0x1b: {  	s21 =	sadd.s32 s20, s7;
	[sflag:s13] =	ssyncset.done $0x0  }
0x1c: {  	v1 =	vor.u32 s21, v0;
	s22 =	sadd.s32 $0x70, s21;
	[sflag:s13] =	ssyncadd.s32 $0xFFFFC000  }
0x1d: {  	s23 =	sadd.s32 $0x60, s21;
	[tilespmem:$0x80] =	vst v1;
	v1 =	vor.u32 s22, v0  }
.Ltmp0:
0x1e: {  	v2 =	vor.u32 s23, v0;
	s22 =	sadd.s32 $0x50, s21;
	[tilespmem:$0xF0] =	vst v1;
	(pc) =	sbr.rel @p0 .LBB2_2-.Ltmp0, $4  }
0x1f: {  	s23 =	sadd.s32 $0x40, s21;
	v1 =	vor.u32 s22, v0;
	[tilespmem:$0xE0] =	vst v2  }
0x20: {  	s22 =	sadd.s32 $0x30, s21;
	v2 =	vor.u32 s23, v0;
	[tilespmem:$0xD0] =	vst v1  }
0x21: {  	s23 =	sadd.s32 $0x20, s21;
	v3 =	vor.u32 s22, v0;
	[tilespmem:$0xC0] =	vst v2  }
0x22: {  	s20 =	sadd.s32 $0x80, s20;
	s21 =	sadd.s32 $0x10, s21;
	v1 =	vor.u32 s23, v0;
	[tilespmem:$0xB0] =	vst v3  }
0x23: {  	v2 =	vor.u32 s21, v0;
	[tilespmem:$0xA0] =	vst v1;
	s20 =	simm.s32 $0x0  }
0x24: {  	[tilespmem:$0x90] =	vst v2;
	s25 =	sand.u32 $0x7C00, s20  }
0x25: {  	[spmem:s2] =	stream.indirect.scatter [tilespmem:s12], [sflag:$0x3], $0x80, s14, s14, $0xb8;
	[tilespmem:$0x1C180] =	vst v63  }
0x26: {  	s20 =	sand.u32 $0x300, s20;
	s21 =	sadd.s32 s8, s25;
	_ =	swait.ge [sflag:s13], $0x4000  }
0x27: {  	s20 =	sor.u32 s20, s21;
	[sflag:s13] =	ssyncset.done $0x0  }
0x28: {  	s20 =	sshrl.u32 s20, $0x3;
	[sflag:s13] =	ssyncadd.s32 $0xFFFFC000  }
0x29: {  	s26 =	sadd.s32 s4, s20;
	[bflag:$0x0] =	sbarrier.arrive $0xFFFF  }
0x2a: {  	[tilespmem:s3], [sflag:$0x3] =	stream.linear.gather [hbm4b:s26+s3], $0x80, $0x38;
	[tilespmem:$0x1C180] =	vst v63  }
0x2b: {  	_ =	swait.ge [sflag:s13], $0x80  }
0x2c: {  	[sflag:s13] =	ssyncset.done $0x0  }
0x2d: {  	s28 =	sadd.s32 s5, s20;
	[sflag:s13] =	ssyncadd.s32 $0xFFFFFF80  }
0x2e: {  	[tilespmem:s14], [sflag:$0x3] =	stream.linear.gather [hbm4b:s28+s3], $0x80, $0x38;
	[tilespmem:$0x1C180] =	vst v63  }
0x2f: {  	_ =	swait.ge [sflag:s13], $0x80  }
0x30: {  	[sflag:s13] =	ssyncset.done $0x0  }
0x31: {  	[sflag:s13] =	ssyncadd.s32 $0xFFFFFF80  }
0x32: {  	[tilespmem:s12], [sflag:$0x1] =	stream.indirect.gather [hbm4b:s10+s14], $0x80, s3, s14, $0xb8;
	[tilespmem:$0x1C180] =	vst v63  }
0x33: {  	_ =	swait.ge [sflag:s15], $0x4000  }
0x34: {  	[sflag:s15] =	ssyncset.done $0x0  }
0x35: {  	s20 =	sor.u32 $0x10, s20;
	[sflag:s15] =	ssyncadd.s32 $0xFFFFC000  }
0x36: {  	[spmem:s2] =	stream.indirect.scatter.add.f32 [tilespmem:s12], [sflag:$0x2], $0x80, s14, s14, $0xb8;
	[tilespmem:$0x1C180] =	vst v63  }
0x37: {  	s29 =	sadd.s32 s4, s20  }
0x38: {  	[tilespmem:s3], [sflag:$0x3] =	stream.linear.gather [hbm4b:s29+s3], $0x80, $0x38;
	[tilespmem:$0x1C180] =	vst v63  }
0x39: {  	_ =	swait.ge [sflag:s13], $0x80  }
0x3a: {  	[sflag:s13] =	ssyncset.done $0x0  }
0x3b: {  	s20 =	sadd.s32 s5, s20;
	[sflag:s13] =	ssyncadd.s32 $0xFFFFFF80  }
0x3c: {  	[tilespmem:s16], [sflag:$0x3] =	stream.linear.gather [hbm4b:s20+s3], $0x80, $0x38;
	[tilespmem:$0x1C180] =	vst v63  }
0x3d: {  	_ =	swait.ge [sflag:s13], $0x80  }
0x3e: {  	[sflag:s13] =	ssyncset.done $0x0  }
0x3f: {  	[sflag:s13] =	ssyncadd.s32 $0xFFFFFF80  }
0x40: {  	[tilespmem:s17], [sflag:$0x1] =	stream.indirect.gather [hbm4b:s10+s14], $0x80, s3, s14, $0xb8;
	[tilespmem:$0x1C180] =	vst v63  }
0x41: {  	_ =	swait.ge [sflag:s15], $0x4000  }
0x42: {  	s30 =	simm.s32 $0x100;
	[sflag:s15] =	ssyncset.done $0x0  }
0x43: {  	s31 =	sand.u32 $0x7C00, s30;
	[sflag:s15] =	ssyncadd.s32 $0xFFFFC000  }
0x44: {  	s21 =	sadd.s32 s8, s31;
	s20 =	sand.u32 $0x300, s30;
	_ =	swait.ge [sflag:s18], $0x4000  }
0x45: {  	s21 =	sor.u32 s20, s21;
	[sflag:s18] =	ssyncset.done $0x0  }
0x46: {  	s20 =	simm.s32 $0x200;
	s22 =	sshrl.u32 s21, $0x3;
	[sflag:s18] =	ssyncadd.s32 $0xFFFFC000  }
.LBB2_4:
0x47: {  	[spmem:s2] =	stream.indirect.scatter.add.f32 [tilespmem:s17], [sflag:$0x3], $0x80, s16, s14, $0xb8;
	[tilespmem:$0x1C180] =	vst v63  }
0x48: {  	s21 =	smov.u32 s20  }
0x49: {  	p0 =	sne.s32 s20, $0x4F00;
	s20 =	sadd.s32 $0x100, s20;
	_ =	swait.ge [sflag:s13], $0x4000  }
0x4a: {  	[sflag:s13] =	ssyncset.done $0x0  }
0x4b: {  	s23 =	sadd.s32 s4, s22;
	[sflag:s13] =	ssyncadd.s32 $0xFFFFC000  }
0x4c: {  	[tilespmem:s3], [sflag:$0x3] =	stream.linear.gather [hbm4b:s23+s3], $0x80, $0x38;
	[tilespmem:$0x1C180] =	vst v63  }
0x4d: {  	_ =	swait.ge [sflag:s13], $0x80  }
0x4e: {  	[sflag:s13] =	ssyncset.done $0x0  }
0x4f: {  	s23 =	sadd.s32 s5, s22;
	[sflag:s13] =	ssyncadd.s32 $0xFFFFFF80  }
0x50: {  	[tilespmem:s14], [sflag:$0x3] =	stream.linear.gather [hbm4b:s23+s3], $0x80, $0x38;
	[tilespmem:$0x1C180] =	vst v63  }
0x51: {  	_ =	swait.ge [sflag:s13], $0x80  }
0x52: {  	[sflag:s13] =	ssyncset.done $0x0  }
0x53: {  	[sflag:s13] =	ssyncadd.s32 $0xFFFFFF80  }
0x54: {  	[tilespmem:s12], [sflag:$0x1] =	stream.indirect.gather [hbm4b:s10+s14], $0x80, s3, s14, $0xb8;
	[tilespmem:$0x1C180] =	vst v63  }
0x55: {  	_ =	swait.ge [sflag:s15], $0x4000  }
0x56: {  	[sflag:s15] =	ssyncset.done $0x0  }
0x57: {  	s22 =	sor.u32 $0x10, s22;
	[sflag:s15] =	ssyncadd.s32 $0xFFFFC000  }
0x58: {  	[spmem:s2] =	stream.indirect.scatter.add.f32 [tilespmem:s12], [sflag:$0x2], $0x80, s14, s14, $0xb8;
	[tilespmem:$0x1C180] =	vst v63  }
0x59: {  	s23 =	sadd.s32 s4, s22  }
0x5a: {  	[tilespmem:s3], [sflag:$0x3] =	stream.linear.gather [hbm4b:s23+s3], $0x80, $0x38;
	[tilespmem:$0x1C180] =	vst v63  }
0x5b: {  	_ =	swait.ge [sflag:s13], $0x80  }
0x5c: {  	[sflag:s13] =	ssyncset.done $0x0  }
0x5d: {  	s22 =	sadd.s32 s5, s22;
	[sflag:s13] =	ssyncadd.s32 $0xFFFFFF80  }
0x5e: {  	[tilespmem:s16], [sflag:$0x3] =	stream.linear.gather [hbm4b:s22+s3], $0x80, $0x38;
	[tilespmem:$0x1C180] =	vst v63  }
0x5f: {  	_ =	swait.ge [sflag:s13], $0x80  }
0x60: {  	[sflag:s13] =	ssyncset.done $0x0  }
0x61: {  	[sflag:s13] =	ssyncadd.s32 $0xFFFFFF80  }
0x62: {  	[tilespmem:s17], [sflag:$0x1] =	stream.indirect.gather [hbm4b:s10+s14], $0x80, s3, s14, $0xb8;
	[tilespmem:$0x1C180] =	vst v63  }
0x63: {  	_ =	swait.ge [sflag:s15], $0x4000  }
.Ltmp1:
0x64: {  	[sflag:s15] =	ssyncset.done $0x0;
	(pc) =	sbr.rel @p0 .LBB2_4-.Ltmp1, $4  }
0x65: {  	s22 =	sand.u32 $0x7C00, s21;
	[sflag:s15] =	ssyncadd.s32 $0xFFFFC000  }
0x66: {  	s21 =	sand.u32 $0x300, s21;
	s22 =	sadd.s32 s8, s22;
	_ =	swait.ge [sflag:s18], $0x4000  }
0x67: {  	s21 =	sor.u32 s21, s22;
	[sflag:s18] =	ssyncset.done $0x0  }
0x68: {  	s22 =	sshrl.u32 s21, $0x3;
	[sflag:s18] =	ssyncadd.s32 $0xFFFFC000  }
0x69: {  	[spmem:s2] =	stream.indirect.scatter.add.f32 [tilespmem:s17], [sflag:$0x3], $0x80, s16, s14, $0xb8;
	[tilespmem:$0x1C180] =	vst v63  }
0x6a: {  	_ =	swait.ge [sflag:s13], $0x4000  }
0x6b: {  	[sflag:s13] =	ssyncset.done $0x0  }
0x6c: {  	s20 =	sadd.s32 s4, s22;
	[sflag:s13] =	ssyncadd.s32 $0xFFFFC000  }
0x6d: {  	[tilespmem:s3], [sflag:$0x3] =	stream.linear.gather [hbm4b:s20+s3], $0x80, $0x38;
	[tilespmem:$0x1C180] =	vst v63  }
0x6e: {  	_ =	swait.ge [sflag:s13], $0x80  }
0x6f: {  	[sflag:s13] =	ssyncset.done $0x0  }
0x70: {  	s21 =	sadd.s32 s5, s22;
	[sflag:s13] =	ssyncadd.s32 $0xFFFFFF80  }
0x71: {  	[tilespmem:s14], [sflag:$0x3] =	stream.linear.gather [hbm4b:s21+s3], $0x80, $0x38;
	[tilespmem:$0x1C180] =	vst v63  }
0x72: {  	_ =	swait.ge [sflag:s13], $0x80  }
0x73: {  	[sflag:s13] =	ssyncset.done $0x0  }
0x74: {  	[sflag:s13] =	ssyncadd.s32 $0xFFFFFF80  }
0x75: {  	[tilespmem:s12], [sflag:$0x1] =	stream.indirect.gather [hbm4b:s10+s14], $0x80, s3, s14, $0xb8;
	[tilespmem:$0x1C180] =	vst v63  }
0x76: {  	_ =	swait.ge [sflag:s15], $0x4000  }
0x77: {  	[sflag:s15] =	ssyncset.done $0x0  }
0x78: {  	s23 =	sor.u32 $0x10, s22;
	[sflag:s15] =	ssyncadd.s32 $0xFFFFC000  }
0x79: {  	[spmem:s2] =	stream.indirect.scatter.add.f32 [tilespmem:s12], [sflag:$0x2], $0x80, s14, s14, $0xb8;
	[tilespmem:$0x1C180] =	vst v63  }
0x7a: {  	s21 =	sadd.s32 s4, s23  }
0x7b: {  	[tilespmem:s3], [sflag:$0x3] =	stream.linear.gather [hbm4b:s21+s3], $0x80, $0x38;
	[tilespmem:$0x1C180] =	vst v63  }
0x7c: {  	_ =	swait.ge [sflag:s13], $0x80  }
0x7d: {  	[sflag:s13] =	ssyncset.done $0x0  }
0x7e: {  	s20 =	sadd.s32 s5, s23;
	[sflag:s13] =	ssyncadd.s32 $0xFFFFFF80  }
0x7f: {  	[tilespmem:s16], [sflag:$0x3] =	stream.linear.gather [hbm4b:s20+s3], $0x80, $0x38;
	[tilespmem:$0x1C180] =	vst v63  }
0x80: {  	_ =	swait.ge [sflag:s13], $0x80  }
0x81: {  	[sflag:s13] =	ssyncset.done $0x0  }
0x82: {  	[sflag:s13] =	ssyncadd.s32 $0xFFFFFF80  }
0x83: {  	[tilespmem:s17], [sflag:$0x1] =	stream.indirect.gather [hbm4b:s10+s14], $0x80, s3, s14, $0xb8;
	[tilespmem:$0x1C180] =	vst v63  }
0x84: {  	_ =	swait.ge [sflag:s15], $0x4000  }
0x85: {  	[sflag:s15] =	ssyncset.done $0x0  }
0x86: {  	[sflag:s15] =	ssyncadd.s32 $0xFFFFC000  }
0x87: {  	_ =	swait.ge [sflag:s18], $0x4000  }
0x88: {  	[sflag:s18] =	ssyncset.done $0x0  }
0x89: {  	[sflag:s18] =	ssyncadd.s32 $0xFFFFC000  }
0x8a: {  	[spmem:s2] =	stream.indirect.scatter.add.f32 [tilespmem:s17], [sflag:$0x3], $0x80, s16, s14, $0xb8;
	[tilespmem:$0x1C180] =	vst v63  }
0x8b: {  	_ =	swait.ge [sflag:s13], $0x4000  }
0x8c: {  	[sflag:s13] =	ssyncset.done $0x0  }
0x8d: {  	s24 =	sadd.s32 $0x0, s7;
	[sflag:s13] =	ssyncadd.s32 $0xFFFFC000  }
0x8e: {  	v1 =	vor.u32 s24, v0;
	s28 =	sadd.s32 $0x20, s24;
	[bflag:$0x0] =	sbarrier.arrive $0xFFFF  }
0x8f: {  	s25 =	sadd.s32 $0x10, s24;
	v2 =	vor.u32 s28, v0;
	[tilespmem:$0x80] =	vst v1  }
0x90: {  	s30 =	sadd.s32 $0x40, s24;
	v1 =	vor.u32 s25, v0;
	[tilespmem:$0xA0] =	vst v2  }
0x91: {  	s26 =	sadd.s32 $0x70, s24;
	v2 =	vor.u32 s30, v0;
	[tilespmem:$0x90] =	vst v1  }
0x92: {  	s20 =	sadd.s32 $0x30, s24;
	v1 =	vor.u32 s26, v0;
	[tilespmem:$0xC0] =	vst v2  }
0x93: {  	s29 =	sadd.s32 $0x50, s24;
	v2 =	vor.u32 s20, v0;
	[tilespmem:$0xF0] =	vst v1  }
0x94: {  	s31 =	sadd.s32 $0x60, s24;
	v1 =	vor.u32 s29, v0;
	[tilespmem:$0xB0] =	vst v2  }
0x95: {  	[tilespmem:$0xD0] =	vst v1;
	v1 =	vor.u32 s31, v0  }
0x96: {  	s22 =	smov.u32 s11;
	s21 =	smov.u32 s11;
	s20 =	simm.s32 $0x80;
	[tilespmem:$0xE0] =	vst v1  }
0x97: {  	[tilespmem:s12], [sflag:$0x1] =	stream.indirect.gather [spmem:s2], $0x80, s14, s14, $0xb8;
	[tilespmem:$0x1C180] =	vst v63  }
.LBB2_6:
0x98: {  	p0 =	sne.s32 s20, $0x200;
	_ =	swait.ge [sflag:s15], $0x4000;
	s22 =	sadd.s32 $0x800, s22  }
0x99: {  	s23 =	smov.u32 s20;
	s20 =	sadd.s32 $0x80, s20;
	[sflag:s15] =	ssyncset.done $0x0  }
0x9a: {  	[sflag:s15] =	ssyncadd.s32 $0xFFFFC000  }
0x9b: {  	[hbm4b:s21+s3] =	stream.linear.scatter [tilespmem:s12], [sflag:$0x3], $0x4000, $0x38;
	[tilespmem:$0x1C180] =	vst v63  }
0x9c: {  	s21 =	smov.u32 s22;
	_ =	swait.ge [sflag:s13], $0x4000  }
0x9d: {  	s23 =	sadd.s32 s23, s7;
	[sflag:s13] =	ssyncset.done $0x0  }
0x9e: {  	v1 =	vor.u32 s23, v0;
	s24 =	sadd.s32 $0x10, s23;
	s25 =	sadd.s32 $0x20, s23;
	[sflag:s13] =	ssyncadd.s32 $0xFFFFC000  }
0x9f: {  	s26 =	sadd.s32 $0x70, s23;
	v2 =	vor.u32 s25, v0;
	s25 =	sadd.s32 $0x50, s23;
	[tilespmem:$0x80] =	vst v1;
	v1 =	vor.u32 s24, v0;
	s24 =	sadd.s32 $0x40, s23  }
0xa0: {  	s28 =	sadd.s32 $0x30, s23;
	v4 =	vor.u32 s26, v0;
	v3 =	vor.u32 s25, v0;
	s23 =	sadd.s32 $0x60, s23;
	[tilespmem:$0x90] =	vst v1;
	v1 =	vor.u32 s24, v0  }
0xa1: {  	v5 =	vor.u32 s28, v0;
	v6 =	vor.u32 s23, v0;
	[tilespmem:$0xF0] =	vst v4  }
0xa2: {  	[tilespmem:$0xA0] =	vst v2  }
.Ltmp2:
0xa3: {  	[tilespmem:$0xD0] =	vst v3;
	(pc) =	sbr.rel @p0 .LBB2_6-.Ltmp2, $4  }
0xa4: {  	[tilespmem:$0xC0] =	vst v1  }
0xa5: {  	[tilespmem:$0xE0] =	vst v6  }
0xa6: {  	[tilespmem:$0xB0] =	vst v5  }
0xa7: {  	[tilespmem:s12], [sflag:$0x1] =	stream.indirect.gather [spmem:s2], $0x80, s14, s14, $0xb8;
	[tilespmem:$0x1C180] =	vst v63  }
0xa8: {  	_ =	swait.ge [sflag:s15], $0x4000;
	s19 =	sadd.s32 $0x1, s19  }
0xa9: {  	[sflag:s15] =	ssyncset.done $0x0;
	p0 =	sne.s32 s19, s9  }
.Ltmp3:
0xaa: {  	[sflag:s15] =	ssyncadd.s32 $0xFFFFC000;
	(pc) =	sbr.rel @p0 .LBB2_1-.Ltmp3, $4  }
0xab: {  	[hbm4b:s21+s3] =	stream.linear.scatter [tilespmem:s12], [sflag:$0x3], $0x4000, $0x38;
	[tilespmem:$0x1C180] =	vst v63  }
0xac: {  	_ =	swait.ge [sflag:s13], $0x4000  }
0xad: {  	[sflag:s13] =	ssyncset.done $0x0  }
0xae: {  	[sflag:s13] =	ssyncadd.s32 $0xFFFFC000  }
0xaf: {  	_ =	sfence.sel $0x180000  }
0xb0: {  	[bflag:$0x0] =	sbarrier.arrive $0xFFFF  }
0xb1: {  	p0 =	sne.s32 s1, $0x0;
	_ =	strace $0x9000004D  }
0xb2: {  	s0 =	sadd.s32 @!p0 $0x100000, s0;
	[bflag:$0x2] =	sbarrier.arrive $0xFFFF  }
0xb3: {  	[sflag:s0] =	ssyncadd.tile.s32 @!p0 $0x1;
	_ =	shalt  }
.Lfunc_end2:
_tile_overlayer_lowered:
.L_overlay_start_2:
0xb4: {  	(tag) =	ssettag $0x2  }
0xb5: {  	s0 =	rddreg [dreg:$0x0];
	s2 =	stileid.u32  }
0xb6: {  	s1 =	rddreg [dreg:$0x1];
	p0 =	sne.s32 s2, $0x0  }
0xb7: {  	s3 =	rddreg [dreg:$0x2];
	[bflag:$0x3] =	sbarrier.arrive $0xFFFF;
	s2 =	simm.s32 @!p0 $0x1C03  }
0xb8: {  	[timem:s3], [sflag:s2] =	dma.local @!p0 [hbm:s0], s1  }
0xb9: {  	s0 =	simm.s32 @!p0 $0x3  }
0xba: {  	_ =	swait.ge @!p0 [sflag:s0], s1  }
0xbb: {  	s1 =	ssub.s32 @!p0 $0x0, s1;
	[sflag:s0] =	ssyncset.done @!p0 $0x0  }
0xbc: {  	[sflag:s0] =	ssyncadd.s32 @!p0 s1  }
0xbd: {  	[bflag:$0x3] =	sbarrier.arrive $0xFFFF  }
0xbe: {  	_ =	shalt  }

// kernel: kernel.8.cloned.1.call-start
scs
__scs_entry_jumppad:
0x0: {  	(pc) =	sbr.rel $0x88, $3  }
0x1: {  	(tag) =	ssettag $0x0;
	lr =	simm.s32 $0x1  }
0x2: {  	[smem:$0x3F8F] =	sst lr;
	_ =	strace $0xD0000000  }
0x3: {  	_ = 	snop  }
0x4: {  	_ = 	snop  }
0x5: {  	_ = 	snop  }
0x6: {  	_ = 	snop  }
0x7: {  	_ = 	snop  }
__scs_overlays_trampoline_lowered:
0x8: {  	[smem:$0x3F9E] =	sst s0  }
0x9: {  	[smem:$0x3F9F] =	sst s1  }
0xa: {  	[smem:$0x3FA0] =	sst s2  }
0xb: {  	[smem:$0x3FA1] =	sst s3  }
0xc: {  	[smem:$0x3FA2] =	sst s4  }
0xd: {  	[smem:$0x3FA3] =	sst s5  }
0xe: {  	[smem:$0x3FA4] =	sst s6  }
0xf: {  	[smem:$0x3FA5] =	sst s7  }
0x10: {  	[smem:$0x3FA6] =	sst s8  }
0x11: {  	[smem:$0x3FA7] =	sst s9;
	s0 =	simm.s32 @!p0 $0x0  }
0x12: {  	s1 =	sld [smem:$0x3F8D];
	s0 =	simm.s32 @p0 $0x1  }
0x13: {  	[smem:$0x3FA8] =	sst s0;
	s0 =	simm.s32 @!p1 $0x0  }
0x14: {  	s2 =	sld [smem:$0x3F8C];
	s0 =	simm.s32 @p1 $0x1  }
0x15: {  	[smem:$0x3FA9] =	sst s0;
	s0 =	simm.s32 @!p2 $0x0  }
0x16: {  	s3 =	sld [smem:$0x3FDB];
	s0 =	simm.s32 @p2 $0x1  }
0x17: {  	s4 =	simm.s32 $0x1BF5;
	[smem:$0x3FAB] =	sst s0  }
0x18: {  	s0 =	sld [smem:$0x3F8E];
	_ =	swait.ge [sflag:s4], $0x0  }
0x19: {  	s7 =	sld [smem:$0x3F8F]  }
0x1a: {  	s8 =	sadd.s32 $0xFFFFE003, lr  }
0x1b: {  	s9 =	sadd.s32 $0xFFFFFEF7, lr;
	s5 =	simm.s32 $0xFFFFFFFF;
	p2 =	slt.u32 s8, $0xFFFFF086  }
0x1c: {  	p1 =	slt.u32 s9, $0xF7A;
	s5 =	simm.s32 @!p2 $0x0  }
0x1d: {  	s5 =	simm.s32 @p1 $0x1;
	p0 =	seq.s32 s7, s2  }
0x1e: {  	s7 =	smul.u32 @!p0 $0xF7A, s2;
	p2 =	seq.s32 @!p0 s5, $0x0  }
0x1f: {  	s9 =	smul.u32 $0xF7A, s1;
	s8 =	simm.s32 @!p0 $0x1BF5;
	p2 =	por !p2, p0  }
0x20: {  	[sflag:s8] =	ssyncset.s32 @!p0 $0xFFFFF086;
	s6 =	sadd.s32 @!p0 s3, s7;
	s7 =	simm.s32 @!p0 $0x108  }
0x21: {  	s3 =	sadd.s32 s3, s9;
	s6 =	sadd.s32 @!p0 $0x88, s6;
	s7 =	simm.s32 @p2 $0x1082  }
0x22: {  	[simem:s7], [sflag:s8] =	dma.local @!p0 [hbm:s6], $0xF7A  }
0x23: {  	s9 =	sor.u32 $0xD0000000, s2;
	s6 =	simm.s32 $0x108;
	_ =	swait.ge @!p0 [sflag:s8], $0x0  }
0x24: {  	s3 =	sadd.s32 $0x88, s3;
	s6 =	simm.s32 @!p1 $0x1082;
	[sflag:s4] =	ssyncset.s32 $0xFFFFF086  }
0x25: {  	[simem:s6], [sflag:s4] =	dma.local [hbm:s3], $0xF7A  }
0x26: {  	[smem:$0x3F8F] =	sst s1;
	(tag) =	ssettag s2;
	_ =	strace s9  }
0x27: {  	s1 =	sld [smem:$0x3F9F]  }
0x28: {  	s2 =	sld [smem:$0x3FA0]  }
0x29: {  	s4 =	sld [smem:$0x3FA2]  }
0x2a: {  	p0 =	seq.s32 s5, $0x0;
	s5 =	sld [smem:$0x3FA3]  }
0x2b: {  	s6 =	sld [smem:$0x3FA4]  }
0x2c: {  	s7 =	sld [smem:$0x3FA5]  }
0x2d: {  	s3 =	simm.s32 $0x108;
	s8 =	sld [smem:$0x3FA6]  }
0x2e: {  	s3 =	simm.s32 @!p0 $0x1082;
	s9 =	sld [smem:$0x3FA7]  }
0x2f: {  	lr =	sadd.s32 s0, s3;
	s0 =	sld [smem:$0x3F9E]  }
0x30: {  	s3 =	sld [smem:$0x3FA1]  }
0x31: {  	[smem:$0x3FAA] =	sst s10  }
0x32: {  	s10 =	sld [smem:$0x3FA8];
	_ =	sdelay $0x3  }
0x33: {  	p0 =	seq.s32 s10, $0x1;
	s10 =	sld [smem:$0x3FAA];
	_ =	sdelay $0x3  }
0x34: {  	[smem:$0x3FAA] =	sst s10  }
0x35: {  	s10 =	sld [smem:$0x3FA9];
	_ =	sdelay $0x3  }
0x36: {  	p1 =	seq.s32 s10, $0x1;
	s10 =	sld [smem:$0x3FAA];
	_ =	sdelay $0x3  }
0x37: {  	[smem:$0x3FAA] =	sst s10  }
0x38: {  	s10 =	sld [smem:$0x3FAB]  }
0x39: {  	_ = 	snop;
	(pc) =	sbr.ind lr, $3  }
0x3a: {  	_ = 	snop  }
0x3b: {  	_ = 	snop  }
0x3c: {  	p2 =	seq.s32 s10, $0x1;
	s10 =	sld [smem:$0x3FAA]  }
0x3d: {  	_ =	shalt  }
0x3e: {  	_ =	shalt  }
0x3f: {  	_ =	shalt  }
0x40: {  	_ =	shalt  }
0x41: {  	_ =	shalt  }
0x42: {  	_ =	shalt  }
0x43: {  	_ =	shalt  }
0x44: {  	_ =	shalt  }
0x45: {  	_ =	shalt  }
0x46: {  	_ =	shalt  }
0x47: {  	_ =	shalt  }
0x48: {  	_ =	shalt  }
0x49: {  	_ =	shalt  }
0x4a: {  	_ =	shalt  }
0x4b: {  	_ =	shalt  }
0x4c: {  	_ =	shalt  }
0x4d: {  	_ =	shalt  }
0x4e: {  	_ =	shalt  }
0x4f: {  	_ =	shalt  }
0x50: {  	_ =	shalt  }
0x51: {  	_ =	shalt  }
0x52: {  	_ =	shalt  }
0x53: {  	_ =	shalt  }
0x54: {  	_ =	shalt  }
0x55: {  	_ =	shalt  }
0x56: {  	_ =	shalt  }
0x57: {  	_ =	shalt  }
0x58: {  	_ =	shalt  }
0x59: {  	_ =	shalt  }
0x5a: {  	_ =	shalt  }
0x5b: {  	_ =	shalt  }
0x5c: {  	_ =	shalt  }
0x5d: {  	_ =	shalt  }
0x5e: {  	_ =	shalt  }
0x5f: {  	_ =	shalt  }
0x60: {  	_ =	shalt  }
0x61: {  	_ =	shalt  }
0x62: {  	_ =	shalt  }
0x63: {  	_ =	shalt  }
0x64: {  	_ =	shalt  }
0x65: {  	_ =	shalt  }
0x66: {  	_ =	shalt  }
0x67: {  	_ =	shalt  }
0x68: {  	_ =	shalt  }
0x69: {  	_ =	shalt  }
0x6a: {  	_ =	shalt  }
0x6b: {  	_ =	shalt  }
0x6c: {  	_ =	shalt  }
0x6d: {  	_ =	shalt  }
0x6e: {  	_ =	shalt  }
0x6f: {  	_ =	shalt  }
0x70: {  	_ =	shalt  }
0x71: {  	_ =	shalt  }
0x72: {  	_ =	shalt  }
0x73: {  	_ =	shalt  }
0x74: {  	_ =	shalt  }
0x75: {  	_ =	shalt  }
0x76: {  	_ =	shalt  }
0x77: {  	_ =	shalt  }
0x78: {  	_ =	shalt  }
0x79: {  	_ =	shalt  }
0x7a: {  	_ =	shalt  }
0x7b: {  	_ =	shalt  }
0x7c: {  	_ =	shalt  }
0x7d: {  	_ =	shalt  }
0x7e: {  	_ =	shalt  }
0x7f: {  	_ =	shalt  }
0x80: {  	_ =	shalt  }
0x81: {  	_ =	shalt  }
0x82: {  	_ =	shalt  }
0x83: {  	_ =	shalt  }
0x84: {  	_ =	shalt  }
0x85: {  	_ =	shalt  }
0x86: {  	_ =	shalt  }
0x87: {  	_ =	shalt  }
.Lfunc_end0:
.L_simem_size_0:
called_computation_lowered:
.L_overlay_start_0:
0x88: {  	s2 =	sld [smem:$0x3FD9]  }
0x89: {  	s3 =	sld [smem:$0x3FFE];
	_ =	sdelay $0x1  }
0x8a: {  	s1 =	srdreg.scid  }
0x8b: {  	s0 =	sand.u32 $0x1, s1  }
0x8c: {  	s17 =	sshll.u32 s0, $0xA;
	s2 =	sadd.s32 s3, s2  }
0x8d: {  	s2 =	sadd.s32 s2, s17  }
0x8e: {  	[smem:$0x3FB6] =	sst s2  }
0x8f: {  	_ = 	snop  }
0x90: {  	(tm) =	ssettm $0x1  }
0x91: {  	s18 =	sld [smem:$0x3FFB];
	_ =	sdelay $0x3  }
0x92: {  	_ =	strace s18  }
0x93: {  	s2 =	sld [smem:$0x3FFC];
	_ =	sdelay $0x3  }
0x94: {  	_ =	strace s2  }
0x95: {  	s2 =	sld [smem:$0x3FFD];
	_ =	sdelay $0x3  }
0x96: {  	_ =	strace s2  }
0x97: {  	_ =	strace $0x8FFFFFFF  }
0x98: {  	s19 =	sld [smem:$0x3FDB];
	_ =	sdelay $0x1  }
0x99: {  	s20 =	simm.s32 $_scs_section_size  }
0x9a: {  	s4 =	simm.s32 $_size__tile_overlayer_lowered;
	s5 =	simm.s32 $_tile_overlayer_lowered  }
0x9b: {  	s6 =	simm.s32 $0x1BFF;
	s21 =	sshll.u32 s5, $0x1;
	s3 =	sadd.s32 s20, s19  }
0x9c: {  	s22 =	simm.s32 $0x0;
	s4 =	sshll.u32 s4, $0x1;
	s5 =	sadd.s32 s21, s3  }
0x9d: {  	[timem:s22], [sflag:s6] =	dma.local [hbm:s5], s4  }
0x9e: {  	_ =	swait.ge [sflag:s6], s4  }
0x9f: {  	s4 =	ssub.s32 $0x0, s4;
	[sflag:s6] =	ssyncset.done $0x0  }
0xa0: {  	[sflag:s6] =	ssyncadd.s32 s4;
	_ =	sdelay $0x1  }
0xa1: {  	s23 =	simm.s32 $0x1B8B  }
0xa2: {  	_ =	swait.ge [sflag:s23], $0x1  }
0xa3: {  	[sflag:s23] =	ssyncset.done $0x0  }
0xa4: {  	[sflag:s23] =	ssyncadd.s32 $0xFFFFFFFF  }
0xa5: {  	s4 =	sld [smem:$0x0]  }
0xa6: {  	s5 =	sand.u32 $0xFFFFFFFE, s1  }
0xa7: {  	p0 =	sne.s32 s1, s5  }
0xa8: {  	s5 =	sshll.u32 @p0 s5, $0xE  }
0xa9: {  	s5 =	sadd.s32 @p0 $0x11B8D, s5;
	s6 =	sshll.u32 @p0 s4, $0x11  }
0xaa: {  	s5 =	sor.u32 @p0 s6, s5  }
0xab: {  	[sflag:s5] =	ssyncadd.remote.s32 @p0 $0x1;
	_ =	sdelay $0x1  }
0xac: {  	s5 =	simm.s32 @p0 $0x1B8D  }
0xad: {  	_ =	swait.eq @p0 [sflag:s5], $0x1  }
0xae: {  	[sflag:s5] =	ssyncadd.s32 @p0 $0xFFFFFFFF  }
0xaf: {  	s6 =	sshll.u32 @!p0 s1, $0xE  }
0xb0: {  	s6 =	sor.u32 @!p0 $0x4000, s6;
	s5 =	simm.s32 @!p0 $0x1B8D  }
0xb1: {  	s4 =	sshll.u32 @!p0 s4, $0x11;
	s6 =	sadd.s32 @!p0 $0x11B8D, s6;
	_ =	swait.eq @!p0 [sflag:s5], $0x1  }
0xb2: {  	s4 =	sor.u32 @!p0 s4, s6;
	[sflag:s5] =	ssyncadd.s32 @!p0 $0xFFFFFFFF  }
0xb3: {  	s25 =	simm.s32 $0x1B8E;
	s24 =	sld [smem:$0x3FFE];
	[sflag:s4] =	ssyncadd.remote.s32 @!p0 $0x1  }
0xb4: {  	s26 =	simm.s32 $execute0_lowered;
	[smem:$0x3FD2] =	sst s25  }
0xb5: {  	s5 =	sshll.u32 s26, $0x1;
	_ =	strace $0x80000049;
	[dreg:$0x1] =	wrdreg $0xFFFFFFFF  }
0xb6: {  	s28 =	simm.s32 $_size_execute0_lowered;
	s3 =	sadd.s32 s3, s5;
	[dreg:$0x0] =	wrdreg $0x0  }
0xb7: {  	s5 =	sshll.u32 s28, $0x1;
	[dreg:$0x2] =	wrdreg s3  }
0xb8: {  	[dreg:$0x3] =	wrdreg s5  }
0xb9: {  	[dreg:$0x4] =	wrdreg $0xC0  }
0xba: {  	_ =	task [dreg:s22], $0x5FFFF  }
0xbb: {  	[dreg:$0x1] =	wrdreg $0xFFFFFFFF  }
0xbc: {  	[dreg:$0x0] =	wrdreg $0x60  }
0xbd: {  	[dreg:$0x2] =	wrdreg s24  }
0xbe: {  	[dreg:$0x3] =	wrdreg $0x80800  }
0xbf: {  	[dreg:$0x4] =	wrdreg $0x9  }
0xc0: {  	_ =	task.clear_ibuf [dreg:s22], $0x5FFFF;
	_ =	strace $0x90000049  }
0xc1: {  	s29 =	simm.s32 $0x9;
	_ =	strace $0x8000004B  }
0xc2: {  	_ =	swait.ge [sflag:s29], $0x1  }
0xc3: {  	[sflag:s29] =	ssyncadd.s32 $0xFFFFFFFF  }
0xc4: {  	_ =	strace $0x9000004B  }
0xc5: {  	_ =	sfence  }
0xc6: {  	s30 =	sld [smem:$0x0];
	_ =	sdelay $0x2  }
0xc7: {  	s31 =	sshll.u32 s1, $0xD;
	s1 =	sshrl.u32 s1, $0x2  }
0xc8: {  	s4 =	sand.u32 $0x4000, s31;
	s1 =	sadd.s32 s1, s30  }
0xc9: {  	s0 =	sor.u32 s4, s0;
	s1 =	sshll.u32 s1, $0x11  }
0xca: {  	s0 =	sor.u32 s1, s0  }
0xcb: {  	s0 =	sadd.s32 $0x8F2B, s0  }
0xcc: {  	[sflag:s0] =	ssyncadd.remote.s32 $0x1  }
0xcd: {  	_ =	sfence.sel $0xFFFF  }
0xce: {  	[dreg:$0x0] =	wrdreg $0xFFFFFFFF;
	(pc) =	sbr.abs _section_cstart, $3  }
0xcf: {  	[dreg:$0x1] =	wrdreg $0xFFFFFFFF  }
0xd0: {  	_ =	task.clear_ibuf [dreg:s22], $0x2FFFF;
	_ =	strace $0x9FFFFFFF  }
0xd1: {  	(tm) =	ssettm $0x7FFFFFFF  }
tec
execute0_lowered:
.L_overlay_start_1:
0x0: {  	(tag) =	ssettag $0x1  }
0x1: {  	s8 =	rddreg [dreg:$0x0]  }
0x2: {  	s1 =	rddreg [dreg:$0x1]  }
0x3: {  	s2 =	srdreg.scid;
	s0 =	rddreg [dreg:$0x2]  }
0x4: {  	s3 =	simm.s32 $0x0;
	s13 =	simm.s32 $0x4080;
	s14 =	simm.s32 $0x1  }
0x5: {  	s15 =	simm.s32 $0x0;
	s7 =	sand.u32 $0x1, s2;
	s2 =	stileid.u32  }
0x6: {  	[smem:$0x7FF] =	sst s3;
	s4 =	sadd.s32 $0x4C00, s8;
	s9 =	smul.u32 $0x140000, s7  }
0x7: {  	s5 =	sadd.s32 $0x40C00, s8;
	s6 =	sadd.s32 $0x91400, s8;
	s10 =	smul.u32 $0x14000, s2  }
0x8: {  	_ =	strace $0x8000004A;
	s30 =	ssub.s32 $0x2, s7;
	s7 =	sshll.u32 s7, $0x4  }
0x9: {  	s11 =	sshrl.u32 s30, $0x1;
	s31 =	sor.u32 s2, s7;
	s9 =	sadd.s32 s10, s9  }
0xa: {  	s7 =	smul.u32 $0x280, s2;
	s10 =	ssub.s32 s30, s11;
	s9 =	sshrl.u32 s9, $0x3  }
0xb: {  	s11 =	simm.s32 $0x80;
	s12 =	sadd.s32 s9, s8;
	s8 =	smul.u32 $0x2800, s31  }
0xc: {  	v0 =	vlaneseq.u32;
	s9 =	smax.u32 s10, $0x1;
	s10 =	sadd.s32 $0x91C00, s12;
	s12 =	simm.s32 $0x2  }
.LBB2_1:
0xd: {  	[tilespmem:s11], [sflag:$0x2] =	stream.linear.gather [hbm4b:s5+s3], $0x4000, $0x38;
	[tilespmem:$0x1C080] =	vst v63  }
0xe: {  	_ =	swait.ge [sflag:s12], $0x4000  }
0xf: {  	[sflag:s12] =	ssyncset.done $0x0  }
0x10: {  	[sflag:s12] =	ssyncadd.s32 $0xFFFFC000  }
0x11: {  	[tilespmem:s13], [sflag:$0x2] =	stream.linear.gather [hbm4b:s6+s3], $0x4000, $0x38;
	[tilespmem:$0x1C080] =	vst v63  }
0x12: {  	_ =	swait.ge [sflag:s12], $0x4000  }
0x13: {  	s16 =	sadd.s32 $0x0, s7;
	[sflag:s12] =	ssyncset.done $0x0  }
0x14: {  	v1 =	vor.u32 s16, v0;
	s18 =	sadd.s32 $0x60, s16;
	[sflag:s12] =	ssyncadd.s32 $0xFFFFC000  }
0x15: {  	s30 =	sadd.s32 $0x30, s16;
	v2 =	vor.u32 s18, v0;
	[tilespmem:$0x0] =	vst v1  }
0x16: {  	s17 =	sadd.s32 $0x70, s16;
	v3 =	vor.u32 s30, v0;
	[tilespmem:$0x60] =	vst v2  }
0x17: {  	s29 =	sadd.s32 $0x40, s16;
	v1 =	vor.u32 s17, v0;
	[tilespmem:$0x30] =	vst v3  }
0x18: {  	s28 =	sadd.s32 $0x50, s16;
	v2 =	vor.u32 s29, v0;
	[tilespmem:$0x70] =	vst v1  }
0x19: {  	s31 =	sadd.s32 $0x20, s16;
	v1 =	vor.u32 s28, v0;
	[tilespmem:$0x40] =	vst v2  }
0x1a: {  	s17 =	sadd.s32 $0x10, s16;
	s16 =	simm.s32 $0x80;
	[tilespmem:$0x50] =	vst v1;
	v1 =	vor.u32 s31, v0  }
.LBB2_2:
0x1b: {  	p0 =	sne.s32 s16, $0x200;
	v2 =	vor.u32 s17, v0;
	[tilespmem:$0x20] =	vst v1  }
0x1c: {  	[tilespmem:$0x10] =	vst v2;
	[spmem:s1] =	stream.indirect.scatter [tilespmem:s11], [sflag:$0x2], $0x80, s3, s11, $0xb8  }
0x1d: {  	_ =	swait.ge [sflag:s12], $0x4000  }
0x1e: {  	s17 =	sadd.s32 s16, s7;
	[sflag:s12] =	ssyncset.done $0x0  }
0x1f: {  	v1 =	vor.u32 s17, v0;
	s18 =	sadd.s32 $0x70, s17;
	[sflag:s12] =	ssyncadd.s32 $0xFFFFC000  }
0x20: {  	s19 =	sadd.s32 $0x60, s17;
	[tilespmem:$0x0] =	vst v1;
	v1 =	vor.u32 s18, v0  }
.Ltmp0:
0x21: {  	v2 =	vor.u32 s19, v0;
	s18 =	sadd.s32 $0x50, s17;
	[tilespmem:$0x70] =	vst v1;
	(pc) =	sbr.rel @p0 .LBB2_2-.Ltmp0, $4  }
0x22: {  	s19 =	sadd.s32 $0x40, s17;
	v1 =	vor.u32 s18, v0;
	[tilespmem:$0x60] =	vst v2  }
0x23: {  	s18 =	sadd.s32 $0x30, s17;
	v2 =	vor.u32 s19, v0;
	[tilespmem:$0x50] =	vst v1  }
0x24: {  	s19 =	sadd.s32 $0x20, s17;
	v3 =	vor.u32 s18, v0;
	[tilespmem:$0x40] =	vst v2  }
0x25: {  	s16 =	sadd.s32 $0x80, s16;
	s17 =	sadd.s32 $0x10, s17;
	v1 =	vor.u32 s19, v0;
	[tilespmem:$0x30] =	vst v3  }
0x26: {  	v2 =	vor.u32 s17, v0;
	[tilespmem:$0x20] =	vst v1;
	s16 =	simm.s32 $0x0  }
0x27: {  	[tilespmem:$0x10] =	vst v2;
	s29 =	sand.u32 $0x3C00, s16  }
0x28: {  	[spmem:s1] =	stream.indirect.scatter [tilespmem:s11], [sflag:$0x2], $0x80, s3, s11, $0xb8;
	[tilespmem:$0x1C080] =	vst v63  }
0x29: {  	s16 =	sand.u32 $0x380, s16;
	s17 =	sadd.s32 s8, s29;
	_ =	swait.ge [sflag:s12], $0x4000  }
0x2a: {  	s16 =	sor.u32 s16, s17;
	[sflag:s12] =	ssyncset.done $0x0  }
0x2b: {  	s16 =	sshrl.u32 s16, $0x3;
	[sflag:s12] =	ssyncadd.s32 $0xFFFFC000  }
0x2c: {  	s16 =	sadd.s32 s4, s16;
	[bflag:$0x0] =	sbarrier.arrive $0xFFFF  }
0x2d: {  	[tilespmem:s3], [sflag:$0x2] =	stream.linear.gather [hbm4b:s16+s3], $0x80, $0x38;
	[tilespmem:$0x1C080] =	vst v63  }
0x2e: {  	_ =	swait.ge [sflag:s12], $0x80  }
0x2f: {  	s30 =	simm.s32 $0x80;
	[sflag:s12] =	ssyncset.done $0x0  }
0x30: {  	s31 =	sand.u32 $0x3C00, s30;
	[sflag:s12] =	ssyncadd.s32 $0xFFFFFF80  }
0x31: {  	[spmem:s1] =	stream.indirect.scatter.add.f32 [tilespmem:s13], [sflag:$0x2], $0x80, s3, s11, $0xb8;
	[tilespmem:$0x1C080] =	vst v63  }
0x32: {  	s18 =	sand.u32 $0x380, s30;
	s17 =	sadd.s32 s8, s31;
	_ =	swait.ge [sflag:s12], $0x4000  }
0x33: {  	s17 =	sor.u32 s18, s17;
	s16 =	simm.s32 $0x100;
	[sflag:s12] =	ssyncset.done $0x0  }
.LBB2_4:
0x34: {  	s17 =	sshrl.u32 s17, $0x3  }
0x35: {  	[sflag:s12] =	ssyncadd.s32 $0xFFFFC000;
	s18 =	smov.u32 s16;
	s19 =	sadd.s32 $0x80, s16  }
0x36: {  	p0 =	sne.s32 s16, $0x2780;
	s16 =	sadd.s32 s4, s17  }
0x37: {  	[tilespmem:s3], [sflag:$0x2] =	stream.linear.gather [hbm4b:s16+s3], $0x80, $0x38;
	[tilespmem:$0x1C080] =	vst v63  }
0x38: {  	_ =	swait.ge [sflag:s12], $0x80  }
.Ltmp1:
0x39: {  	[sflag:s12] =	ssyncset.done $0x0;
	(pc) =	sbr.rel @p0 .LBB2_4-.Ltmp1, $4  }
0x3a: {  	s16 =	sand.u32 $0x3C00, s18;
	[sflag:s12] =	ssyncadd.s32 $0xFFFFFF80  }
0x3b: {  	[spmem:s1] =	stream.indirect.scatter.add.f32 [tilespmem:s13], [sflag:$0x2], $0x80, s3, s11, $0xb8;
	[tilespmem:$0x1C080] =	vst v63  }
0x3c: {  	s17 =	sand.u32 $0x380, s18;
	s16 =	sadd.s32 s8, s16;
	_ =	swait.ge [sflag:s12], $0x4000  }
0x3d: {  	s17 =	sor.u32 s17, s16;
	s16 =	smov.u32 s19;
	[sflag:s12] =	ssyncset.done $0x0  }
0x3e: {  	s16 =	sshrl.u32 s17, $0x3  }
0x3f: {  	[sflag:s12] =	ssyncadd.s32 $0xFFFFC000;
	s16 =	sadd.s32 s4, s16  }
0x40: {  	[tilespmem:s3], [sflag:$0x2] =	stream.linear.gather [hbm4b:s16+s3], $0x80, $0x38;
	[tilespmem:$0x1C080] =	vst v63  }
0x41: {  	_ =	swait.ge [sflag:s12], $0x80  }
0x42: {  	[sflag:s12] =	ssyncset.done $0x0  }
0x43: {  	[sflag:s12] =	ssyncadd.s32 $0xFFFFFF80  }
0x44: {  	[spmem:s1] =	stream.indirect.scatter.add.f32 [tilespmem:s13], [sflag:$0x2], $0x80, s3, s11, $0xb8;
	[tilespmem:$0x1C080] =	vst v63  }
0x45: {  	_ =	swait.ge [sflag:s12], $0x4000  }
0x46: {  	[sflag:s12] =	ssyncset.done $0x0  }
0x47: {  	s25 =	sadd.s32 $0x0, s7;
	[sflag:s12] =	ssyncadd.s32 $0xFFFFC000  }
0x48: {  	v1 =	vor.u32 s25, v0;
	s18 =	sadd.s32 $0x20, s25;
	[bflag:$0x0] =	sbarrier.arrive $0xFFFF  }
0x49: {  	s26 =	sadd.s32 $0x10, s25;
	v2 =	vor.u32 s18, v0;
	[tilespmem:$0x0] =	vst v1  }
0x4a: {  	s30 =	sadd.s32 $0x40, s25;
	v1 =	vor.u32 s26, v0;
	[tilespmem:$0x20] =	vst v2  }
0x4b: {  	s28 =	sadd.s32 $0x70, s25;
	v2 =	vor.u32 s30, v0;
	[tilespmem:$0x10] =	vst v1  }
0x4c: {  	s16 =	sadd.s32 $0x30, s25;
	v1 =	vor.u32 s28, v0;
	[tilespmem:$0x40] =	vst v2  }
0x4d: {  	s29 =	sadd.s32 $0x50, s25;
	v2 =	vor.u32 s16, v0;
	[tilespmem:$0x70] =	vst v1  }
0x4e: {  	s31 =	sadd.s32 $0x60, s25;
	v1 =	vor.u32 s29, v0;
	[tilespmem:$0x30] =	vst v2  }
0x4f: {  	[tilespmem:$0x50] =	vst v1;
	v1 =	vor.u32 s31, v0  }
0x50: {  	s17 =	smov.u32 s10;
	s18 =	smov.u32 s10;
	s16 =	simm.s32 $0x80;
	[tilespmem:$0x60] =	vst v1  }
0x51: {  	[tilespmem:s11], [sflag:$0x1] =	stream.indirect.gather [spmem:s1], $0x80, s3, s11, $0xb8;
	[tilespmem:$0x1C080] =	vst v63  }
.LBB2_6:
0x52: {  	p0 =	sne.s32 s16, $0x200;
	_ =	swait.ge [sflag:s14], $0x4000;
	s18 =	sadd.s32 $0x800, s18  }
0x53: {  	s19 =	smov.u32 s16;
	s16 =	sadd.s32 $0x80, s16;
	[sflag:s14] =	ssyncset.done $0x0  }
0x54: {  	[sflag:s14] =	ssyncadd.s32 $0xFFFFC000  }
0x55: {  	[hbm4b:s17+s3] =	stream.linear.scatter [tilespmem:s11], [sflag:$0x2], $0x4000, $0x38;
	[tilespmem:$0x1C080] =	vst v63  }
0x56: {  	s17 =	smov.u32 s18;
	_ =	swait.ge [sflag:s12], $0x4000  }
0x57: {  	s19 =	sadd.s32 s19, s7;
	[sflag:s12] =	ssyncset.done $0x0  }
0x58: {  	v1 =	vor.u32 s19, v0;
	s20 =	sadd.s32 $0x10, s19;
	s21 =	sadd.s32 $0x20, s19;
	[sflag:s12] =	ssyncadd.s32 $0xFFFFC000  }
0x59: {  	s22 =	sadd.s32 $0x70, s19;
	v2 =	vor.u32 s21, v0;
	s21 =	sadd.s32 $0x50, s19;
	[tilespmem:$0x0] =	vst v1;
	v1 =	vor.u32 s20, v0;
	s20 =	sadd.s32 $0x40, s19  }
0x5a: {  	s23 =	sadd.s32 $0x30, s19;
	v4 =	vor.u32 s22, v0;
	v3 =	vor.u32 s21, v0;
	s19 =	sadd.s32 $0x60, s19;
	[tilespmem:$0x10] =	vst v1;
	v1 =	vor.u32 s20, v0  }
0x5b: {  	v5 =	vor.u32 s23, v0;
	v6 =	vor.u32 s19, v0;
	[tilespmem:$0x70] =	vst v4  }
0x5c: {  	[tilespmem:$0x20] =	vst v2  }
.Ltmp2:
0x5d: {  	[tilespmem:$0x50] =	vst v3;
	(pc) =	sbr.rel @p0 .LBB2_6-.Ltmp2, $4  }
0x5e: {  	[tilespmem:$0x40] =	vst v1  }
0x5f: {  	[tilespmem:$0x60] =	vst v6  }
0x60: {  	[tilespmem:$0x30] =	vst v5  }
0x61: {  	[tilespmem:s11], [sflag:$0x1] =	stream.indirect.gather [spmem:s1], $0x80, s3, s11, $0xb8;
	[tilespmem:$0x1C080] =	vst v63  }
0x62: {  	_ =	swait.ge [sflag:s14], $0x4000;
	s15 =	sadd.s32 $0x1, s15  }
0x63: {  	[sflag:s14] =	ssyncset.done $0x0;
	p0 =	sne.s32 s15, s9  }
.Ltmp3:
0x64: {  	[sflag:s14] =	ssyncadd.s32 $0xFFFFC000;
	(pc) =	sbr.rel @p0 .LBB2_1-.Ltmp3, $4  }
0x65: {  	[hbm4b:s17+s3] =	stream.linear.scatter [tilespmem:s11], [sflag:$0x2], $0x4000, $0x38;
	[tilespmem:$0x1C080] =	vst v63  }
0x66: {  	_ =	swait.ge [sflag:s12], $0x4000  }
0x67: {  	[sflag:s12] =	ssyncset.done $0x0  }
0x68: {  	[sflag:s12] =	ssyncadd.s32 $0xFFFFC000  }
0x69: {  	_ =	sfence.sel $0x180000  }
0x6a: {  	[bflag:$0x0] =	sbarrier.arrive $0xFFFF  }
0x6b: {  	p0 =	sne.s32 s2, $0x0;
	_ =	strace $0x9000004A  }
0x6c: {  	s0 =	sadd.s32 @!p0 $0x100000, s0;
	[bflag:$0x2] =	sbarrier.arrive $0xFFFF  }
0x6d: {  	[sflag:s0] =	ssyncadd.tile.s32 @!p0 $0x1;
	_ =	shalt  }
.Lfunc_end2:
_tile_overlayer_lowered:
.L_overlay_start_2:
0x6e: {  	(tag) =	ssettag $0x2  }
0x6f: {  	s0 =	rddreg [dreg:$0x0];
	s2 =	stileid.u32  }
0x70: {  	s1 =	rddreg [dreg:$0x1];
	p0 =	sne.s32 s2, $0x0  }
0x71: {  	s3 =	rddreg [dreg:$0x2];
	[bflag:$0x3] =	sbarrier.arrive $0xFFFF;
	s2 =	simm.s32 @!p0 $0x1C02  }
0x72: {  	[timem:s3], [sflag:s2] =	dma.local @!p0 [hbm:s0], s1  }
0x73: {  	s0 =	simm.s32 @!p0 $0x2  }
0x74: {  	_ =	swait.ge @!p0 [sflag:s0], s1  }
0x75: {  	s1 =	ssub.s32 @!p0 $0x0, s1;
	[sflag:s0] =	ssyncset.done @!p0 $0x0  }
0x76: {  	[sflag:s0] =	ssyncadd.s32 @!p0 s1  }
0x77: {  	[bflag:$0x3] =	sbarrier.arrive $0xFFFF  }
0x78: {  	_ =	shalt  }

</sc_bundles>
